<compile_context>
chip_gen: v7x
topology: tpu7x:2x2x1
jax: 0.10.2.dev20260603
libtpu: 0.0.44.dev20260713+nightly
codegen_flags: <defaults>
</compile_context>

<pallas_src>
import functools

import jax
import jax.numpy as jnp
from jax import lax
from jax.experimental import pallas as pl
from jax.experimental.pallas import tpu as pltpu
from jax.experimental.pallas import tpu_sc as plsc

_NC, _NS, _L = 2, 16, 16
_NW = _NC * _NS
_D = 1024
_VD = _D // _L
_TR = 16


def _sc_body(x_hbm, cb_hbm, imp_hbm, out_hbm, mask_v, cv, inb, outb,
             insem, outsem, psem):
    rows = x_hbm.shape[0]
    rpw = rows // _NW
    nt = rpw // _TR
    wid = lax.axis_index("s") * _NC + lax.axis_index("c")
    base = wid * rpw

    pltpu.async_copy(cb_hbm, cv, psem).wait()
    pltpu.async_copy(imp_hbm, mask_v, psem).wait()

    def _sig_step(j, acc):
        v = mask_v[pl.ds(j * _L, _L)]
        s = 1.0 / (1.0 + jnp.exp(-v))
        mask_v[pl.ds(j * _L, _L)] = s
        return acc + s

    acc = lax.fori_loop(0, _VD, _sig_step, jnp.zeros((_L,), jnp.float32))

    total = acc[0]
    for i in range(1, _L):
        total = total + acc[i]
    tv = jnp.full((_L,), total, jnp.float32)
    sv = 1.0 / (tv / _D + 1e-6)

    def _norm_step(j, carry):
        mask_v[pl.ds(j * _L, _L)] = mask_v[pl.ds(j * _L, _L)] * sv
        return carry

    lax.fori_loop(0, _VD, _norm_step, 0)

    c0 = cv[0]
    c1 = cv[1]
    c2 = cv[2]

    vpt = _TR * _VD

    def _in_copy(t, buf):
        return pltpu.make_async_copy(
            x_hbm.at[pl.ds(base + t * _TR, _TR), :], inb.at[buf], insem)

    def _out_copy(t, buf):
        return pltpu.make_async_copy(
            outb.at[buf], out_hbm.at[pl.ds(base + t * _TR, _TR), :], outsem)

    _in_copy(0, 0).start()
    _in_copy(1, 1).start()

    def _tile_step(t, carry):
        b = lax.rem(t, 2)
        _in_copy(t, b).wait()

        @pl.when(t >= 2)
        def _():
            _out_copy(t - 2, b).wait()

        def _row_step(r, carry2):
            for f in range(_VD):
                x = inb[b, r, pl.ds(f * _L, _L)]
                m = mask_v[pl.ds(f * _L, _L)]
                xm = x * m
                y = (xm * c2 + c1) * xm + c0
                outb[b, r, pl.ds(f * _L, _L)] = y * xm
            return carry2

        lax.fori_loop(0, _TR, _row_step, 0)

        _out_copy(t, b).start()

        @pl.when(t + 2 < nt)
        def _():
            _in_copy(t + 2, b).start()

        return carry

    lax.fori_loop(0, nt, _tile_step, 0)

    _out_copy(nt - 2, lax.rem(nt - 2, 2)).wait()
    _out_copy(nt - 1, lax.rem(nt - 1, 2)).wait()


def _sc_poly(x2, cb, imp, *, interpret=False):
    rows, d = x2.shape
    mesh = plsc.VectorSubcoreMesh(core_axis_name="c", subcore_axis_name="s")
    return pl.kernel(
        _sc_body,
        out_type=jax.ShapeDtypeStruct((rows, d), jnp.float32),
        mesh=mesh,
        scratch_types=[
            pltpu.VMEM((_D,), jnp.float32),
            pltpu.VMEM((3, _L), jnp.float32),
            pltpu.VMEM((2, _TR, _D), jnp.float32),
            pltpu.VMEM((2, _TR, _D), jnp.float32),
            pltpu.SemaphoreType.DMA,
            pltpu.SemaphoreType.DMA,
            pltpu.SemaphoreType.DMA,
        ],
        interpret=interpret,
    )(x2, cb, imp)


def kernel(x, coeffs, importance):
    B, T, D = x.shape
    x2 = x.reshape(B * T, D)
    cb = jnp.broadcast_to(coeffs[:, None], (3, _L))
    out = _sc_poly(x2, cb, importance)
    return out.reshape(B, T, D)

# --- scband reference (transcript-rebuilt; emitter-appended) ---
"""Pipeline reference for scband-sparse-polynomial-44487271252145 (READ-ONLY COPY).

The authoritative reference and input builder live on the scoring server;
editing this copy changes nothing except your own understanding.
"""

import jax, jax.numpy as jnp
import numpy as np

DEGREE = 3


def setup_inputs(seed: int = 0) -> dict:
    key = jax.random.key(seed)
    k1, k2 = jax.random.split(key)
    x = jax.random.normal(k1, (4, 8192, 1024), dtype=jnp.float32)
    coeffs = jax.random.normal(k2, (DEGREE,), dtype=jnp.float32) / (DEGREE ** 0.5)
    importance = jnp.zeros((1024,), dtype=jnp.float32)
    return {"x": x, "coeffs": coeffs, "importance": importance}


def reference(x, coeffs, importance):
    # Training-mode branch (torch nn.Module default): soft sigmoid mask + polynomial expansion.
    B, T, D = x.shape
    mask = jax.nn.sigmoid(importance).reshape(1, 1, D)
    mask = mask / (jnp.mean(mask, axis=-1, keepdims=True) + 1e-06)
    x_masked = x * mask
    y = jnp.zeros_like(x_masked)
    x_power = x_masked
    for k in range(DEGREE):
        y = y + coeffs[k] * x_power
        x_power = x_power * x_masked
    return y

if __name__ == "__main__":
    import jax
    _d = setup_inputs()
    print(jax.jit(kernel)(*tuple(_d.values())))

</pallas_src>

<mosaic_0001>
#map = affine_map<(d0, d1) -> (0, 0)>
#map1 = affine_map<(d0, d1) -> (0)>
module attributes {stable_mosaic.version = 14 : i64} {
  func.func @_sc_body(%arg0: i32, %arg1: i32, %arg2: memref<32768x1024xf32, #tpu.memory_space<hbm>>, %arg3: memref<3x16xf32, #tpu.memory_space<hbm>>, %arg4: memref<1024xf32, #tpu.memory_space<hbm>>, %arg5: memref<32768x1024xf32, #tpu.memory_space<hbm>>, %arg6: memref<1024xf32, #tpu.memory_space<vmem>>, %arg7: memref<3x16xf32, #tpu.memory_space<vmem>>, %arg8: memref<2x16x1024xf32, #tpu.memory_space<vmem>>, %arg9: memref<2x16x1024xf32, #tpu.memory_space<vmem>>, %arg10: memref<!tpu.dma_semaphore, #tpu.memory_space<semaphore_mem>>, %arg11: memref<!tpu.dma_semaphore, #tpu.memory_space<semaphore_mem>>, %arg12: memref<!tpu.dma_semaphore, #tpu.memory_space<semaphore_mem>>) attributes {dimension_semantics = [#tpu.dimension_semantics<core_parallel>, #tpu.dimension_semantics<subcore_parallel>], iteration_bounds = array<i64: 2, 16>, scalar_prefetch = 0 : i64, scratch_operands = 7 : i64, tpu.core_type = #tpu.core_type<sc_vector_subcore>, window_params = [{transform_indices = #map}, {transform_indices = #map}, {transform_indices = #map1}, {transform_indices = #map}]} {
    %mul3A = arith.constant 2 : i32
    %mul3A_0 = arith.muli %arg1, %mul3A : i32
    %add3A = arith.addi %mul3A_0, %arg0 : i32
    %mul3A_1 = arith.constant 1024 : i32
    %mul3A_2 = arith.muli %add3A, %mul3A_1 : i32
    tpu.enqueue_dma source(%arg3 : memref<3x16xf32, #tpu.memory_space<hbm>>) target(%arg7 : memref<3x16xf32, #tpu.memory_space<vmem>>) target_semaphore(%arg12 : memref<!tpu.dma_semaphore, #tpu.memory_space<semaphore_mem>>)
    tpu.wait_dma2 semaphore(%arg12 : memref<!tpu.dma_semaphore, #tpu.memory_space<semaphore_mem>>) src(%arg3 : memref<3x16xf32, #tpu.memory_space<hbm>>) dst(%arg7 : memref<3x16xf32, #tpu.memory_space<vmem>>)
    tpu.enqueue_dma source(%arg4 : memref<1024xf32, #tpu.memory_space<hbm>>) target(%arg6 : memref<1024xf32, #tpu.memory_space<vmem>>) target_semaphore(%arg12 : memref<!tpu.dma_semaphore, #tpu.memory_space<semaphore_mem>>)
    tpu.wait_dma2 semaphore(%arg12 : memref<!tpu.dma_semaphore, #tpu.memory_space<semaphore_mem>>) src(%arg4 : memref<1024xf32, #tpu.memory_space<hbm>>) dst(%arg6 : memref<1024xf32, #tpu.memory_space<vmem>>)
    %broadcast_in_dim3A = arith.constant 0.000000e+00 : f32
    %broadcast_in_dim3A_3 = vector.broadcast %broadcast_in_dim3A : f32 to vector<16xf32>
    %scan3A = arith.constant 0 : i32
    %scan3A_4 = arith.constant 64 : i32
    %scan3A_5 = arith.addi %scan3A, %scan3A_4 : i32
    %scan3A_6 = arith.constant 1 : i32
    %scan3A_7 = scf.for %scan3A_150 = %scan3A to %scan3A_5 step %scan3A_6 iter_args(%scan3A_151 = %broadcast_in_dim3A_3) -> (vector<16xf32>)  : i32 {
      %mul3A_152 = arith.constant 16 : i32
      %mul3A_153 = arith.muli %scan3A_150, %mul3A_152 : i32
      %get3A_154 = arith.index_cast %mul3A_153 : i32 to index
      %get3A_155 = tpu.vector_load %arg6[%get3A_154] {strides = array<i32>} : memref<1024xf32, #tpu.memory_space<vmem>>, vector<16xf32>,
      %get3A_156 = vector.shape_cast %get3A_155 : vector<16xf32> to vector<16xf32>
      %neg3A = arith.constant 0.000000e+00 : f32
      %neg3A_157 = vector.broadcast %neg3A : f32 to vector<16xf32>
      %neg3A_158 = arith.subf %neg3A_157, %get3A_156 : vector<16xf32>
      %exp3A = math.exp %neg3A_158 : vector<16xf32>
      %add3A_159 = arith.constant 1.000000e+00 : f32
      %add3A_160 = vector.broadcast %add3A_159 : f32 to vector<16xf32>
      %add3A_161 = arith.addf %add3A_160, %exp3A : vector<16xf32>
      %div3A_162 = arith.constant 1.000000e+00 : f32
      %div3A_163 = vector.broadcast %div3A_162 : f32 to vector<16xf32>
      %div3A_164 = arith.divf %div3A_163, %add3A_161 : vector<16xf32>
      %mul3A_165 = arith.constant 16 : i32
      %mul3A_166 = arith.muli %scan3A_150, %mul3A_165 : i32
      %swap3A = arith.index_cast %mul3A_166 : i32 to index
      %swap3A_167 = tpu.vector_load %arg6[%swap3A] {strides = array<i32>} : memref<1024xf32, #tpu.memory_space<vmem>>, vector<16xf32>,
      %swap3A_168 = vector.shape_cast %swap3A_167 : vector<16xf32> to vector<16xf32>
      %swap3A_169 = vector.shape_cast %div3A_164 : vector<16xf32> to vector<16xf32>
      tpu.vector_store %arg6[%swap3A], %swap3A_169 {strides = array<i32>} : memref<1024xf32, #tpu.memory_space<vmem>>, vector<16xf32>,
      %add3A_170 = arith.addf %scan3A_151, %div3A_164 : vector<16xf32>
      scf.yield %add3A_170 : vector<16xf32>
    }
    %scan3A_8 = arith.constant 64 : i32
    %slice3A = vector.extract_strided_slice %scan3A_7 {offsets = [0], sizes = [1], strides = [1]} : vector<16xf32> to vector<1xf32>
    %squeeze3A = vector.extract %slice3A[0] : f32 from vector<1xf32>
    %slice3A_9 = vector.extract_strided_slice %scan3A_7 {offsets = [1], sizes = [1], strides = [1]} : vector<16xf32> to vector<1xf32>
    %squeeze3A_10 = vector.extract %slice3A_9[0] : f32 from vector<1xf32>
    %add3A_11 = arith.addf %squeeze3A, %squeeze3A_10 : f32
    %slice3A_12 = vector.extract_strided_slice %scan3A_7 {offsets = [2], sizes = [1], strides = [1]} : vector<16xf32> to vector<1xf32>
    %squeeze3A_13 = vector.extract %slice3A_12[0] : f32 from vector<1xf32>
    %add3A_14 = arith.addf %add3A_11, %squeeze3A_13 : f32
    %slice3A_15 = vector.extract_strided_slice %scan3A_7 {offsets = [3], sizes = [1], strides = [1]} : vector<16xf32> to vector<1xf32>
    %squeeze3A_16 = vector.extract %slice3A_15[0] : f32 from vector<1xf32>
    %add3A_17 = arith.addf %add3A_14, %squeeze3A_16 : f32
    %slice3A_18 = vector.extract_strided_slice %scan3A_7 {offsets = [4], sizes = [1], strides = [1]} : vector<16xf32> to vector<1xf32>
    %squeeze3A_19 = vector.extract %slice3A_18[0] : f32 from vector<1xf32>
    %add3A_20 = arith.addf %add3A_17, %squeeze3A_19 : f32
    %slice3A_21 = vector.extract_strided_slice %scan3A_7 {offsets = [5], sizes = [1], strides = [1]} : vector<16xf32> to vector<1xf32>
    %squeeze3A_22 = vector.extract %slice3A_21[0] : f32 from vector<1xf32>
    %add3A_23 = arith.addf %add3A_20, %squeeze3A_22 : f32
    %slice3A_24 = vector.extract_strided_slice %scan3A_7 {offsets = [6], sizes = [1], strides = [1]} : vector<16xf32> to vector<1xf32>
    %squeeze3A_25 = vector.extract %slice3A_24[0] : f32 from vector<1xf32>
    %add3A_26 = arith.addf %add3A_23, %squeeze3A_25 : f32
    %slice3A_27 = vector.extract_strided_slice %scan3A_7 {offsets = [7], sizes = [1], strides = [1]} : vector<16xf32> to vector<1xf32>
    %squeeze3A_28 = vector.extract %slice3A_27[0] : f32 from vector<1xf32>
    %add3A_29 = arith.addf %add3A_26, %squeeze3A_28 : f32
    %slice3A_30 = vector.extract_strided_slice %scan3A_7 {offsets = [8], sizes = [1], strides = [1]} : vector<16xf32> to vector<1xf32>
    %squeeze3A_31 = vector.extract %slice3A_30[0] : f32 from vector<1xf32>
    %add3A_32 = arith.addf %add3A_29, %squeeze3A_31 : f32
    %slice3A_33 = vector.extract_strided_slice %scan3A_7 {offsets = [9], sizes = [1], strides = [1]} : vector<16xf32> to vector<1xf32>
    %squeeze3A_34 = vector.extract %slice3A_33[0] : f32 from vector<1xf32>
    %add3A_35 = arith.addf %add3A_32, %squeeze3A_34 : f32
    %slice3A_36 = vector.extract_strided_slice %scan3A_7 {offsets = [10], sizes = [1], strides = [1]} : vector<16xf32> to vector<1xf32>
    %squeeze3A_37 = vector.extract %slice3A_36[0] : f32 from vector<1xf32>
    %add3A_38 = arith.addf %add3A_35, %squeeze3A_37 : f32
    %slice3A_39 = vector.extract_strided_slice %scan3A_7 {offsets = [11], sizes = [1], strides = [1]} : vector<16xf32> to vector<1xf32>
    %squeeze3A_40 = vector.extract %slice3A_39[0] : f32 from vector<1xf32>
    %add3A_41 = arith.addf %add3A_38, %squeeze3A_40 : f32
    %slice3A_42 = vector.extract_strided_slice %scan3A_7 {offsets = [12], sizes = [1], strides = [1]} : vector<16xf32> to vector<1xf32>
    %squeeze3A_43 = vector.extract %slice3A_42[0] : f32 from vector<1xf32>
    %add3A_44 = arith.addf %add3A_41, %squeeze3A_43 : f32
    %slice3A_45 = vector.extract_strided_slice %scan3A_7 {offsets = [13], sizes = [1], strides = [1]} : vector<16xf32> to vector<1xf32>
    %squeeze3A_46 = vector.extract %slice3A_45[0] : f32 from vector<1xf32>
    %add3A_47 = arith.addf %add3A_44, %squeeze3A_46 : f32
    %slice3A_48 = vector.extract_strided_slice %scan3A_7 {offsets = [14], sizes = [1], strides = [1]} : vector<16xf32> to vector<1xf32>
    %squeeze3A_49 = vector.extract %slice3A_48[0] : f32 from vector<1xf32>
    %add3A_50 = arith.addf %add3A_47, %squeeze3A_49 : f32
    %slice3A_51 = vector.extract_strided_slice %scan3A_7 {offsets = [15], sizes = [1], strides = [1]} : vector<16xf32> to vector<1xf32>
    %squeeze3A_52 = vector.extract %slice3A_51[0] : f32 from vector<1xf32>
    %add3A_53 = arith.addf %add3A_50, %squeeze3A_52 : f32
    %broadcast_in_dim3A_54 = vector.broadcast %add3A_53 : f32 to vector<16xf32>
    %div3A = arith.constant 1.024000e+03 : f32
    %div3A_55 = vector.broadcast %div3A : f32 to vector<16xf32>
    %div3A_56 = arith.divf %broadcast_in_dim3A_54, %div3A_55 : vector<16xf32>
    %add3A_57 = arith.constant 9.99999997E-7 : f32
    %add3A_58 = vector.broadcast %add3A_57 : f32 to vector<16xf32>
    %add3A_59 = arith.addf %div3A_56, %add3A_58 : vector<16xf32>
    %div3A_60 = arith.constant 1.000000e+00 : f32
    %div3A_61 = vector.broadcast %div3A_60 : f32 to vector<16xf32>
    %div3A_62 = arith.divf %div3A_61, %add3A_59 : vector<16xf32>
    %scan3A_63 = arith.constant 0 : i32
    %scan3A_64 = arith.constant 0 : i32
    %scan3A_65 = arith.constant 64 : i32
    %scan3A_66 = arith.addi %scan3A_64, %scan3A_65 : i32
    %scan3A_67 = arith.constant 1 : i32
    scf.for %scan3A_150 = %scan3A_64 to %scan3A_66 step %scan3A_67  : i32 {
      %mul3A_151 = arith.constant 16 : i32
      %mul3A_152 = arith.muli %scan3A_150, %mul3A_151 : i32
      %get3A_153 = arith.index_cast %mul3A_152 : i32 to index
      %get3A_154 = tpu.vector_load %arg6[%get3A_153] {strides = array<i32>} : memref<1024xf32, #tpu.memory_space<vmem>>, vector<16xf32>,
      %get3A_155 = vector.shape_cast %get3A_154 : vector<16xf32> to vector<16xf32>
      %mul3A_156 = arith.mulf %get3A_155, %div3A_62 : vector<16xf32>
      %mul3A_157 = arith.constant 16 : i32
      %mul3A_158 = arith.muli %scan3A_150, %mul3A_157 : i32
      %swap3A = arith.index_cast %mul3A_158 : i32 to index
      %swap3A_159 = tpu.vector_load %arg6[%swap3A] {strides = array<i32>} : memref<1024xf32, #tpu.memory_space<vmem>>, vector<16xf32>,
      %swap3A_160 = vector.shape_cast %swap3A_159 : vector<16xf32> to vector<16xf32>
      %swap3A_161 = vector.shape_cast %mul3A_156 : vector<16xf32> to vector<16xf32>
      tpu.vector_store %arg6[%swap3A], %swap3A_161 {strides = array<i32>} : memref<1024xf32, #tpu.memory_space<vmem>>, vector<16xf32>,
    }
    %scan3A_68 = arith.constant 64 : i32
    %get3A = arith.constant 0 : i32
    %get3A_69 = arith.index_cast %get3A : i32 to index
    %get3A_70 = arith.constant 0 : index
    %get3A_71 = tpu.vector_load %arg7[%get3A_69, %get3A_70] {strides = array<i32>} : memref<3x16xf32, #tpu.memory_space<vmem>>, vector<1x16xf32>,
    %get3A_72 = vector.shape_cast %get3A_71 : vector<1x16xf32> to vector<16xf32>
    %get3A_73 = arith.constant 1 : i32
    %get3A_74 = arith.index_cast %get3A_73 : i32 to index
    %get3A_75 = arith.constant 0 : index
    %get3A_76 = tpu.vector_load %arg7[%get3A_74, %get3A_75] {strides = array<i32>} : memref<3x16xf32, #tpu.memory_space<vmem>>, vector<1x16xf32>,
    %get3A_77 = vector.shape_cast %get3A_76 : vector<1x16xf32> to vector<16xf32>
    %get3A_78 = arith.constant 2 : i32
    %get3A_79 = arith.index_cast %get3A_78 : i32 to index
    %get3A_80 = arith.constant 0 : index
    %get3A_81 = tpu.vector_load %arg7[%get3A_79, %get3A_80] {strides = array<i32>} : memref<3x16xf32, #tpu.memory_space<vmem>>, vector<1x16xf32>,
    %get3A_82 = vector.shape_cast %get3A_81 : vector<1x16xf32> to vector<16xf32>
    %add3A_83 = arith.constant 0 : i32
    %add3A_84 = arith.addi %mul3A_2, %add3A_83 : i32
    %dma_start3A = arith.constant 0 : i32
    %dma_start3A_85 = arith.constant 0 : i32
    %dma_start3A_86 = arith.constant 0 : i32
    %dma_start3A_87 = tpu.memref_slice %arg8[%dma_start3A, %dma_start3A_85, %dma_start3A_86] : memref<2x16x1024xf32, #tpu.memory_space<vmem>> -> memref<1x16x1024xf32, #tpu.memory_space<vmem>>
    %dma_start3A_88 = tpu.memref_squeeze %dma_start3A_87 : memref<1x16x1024xf32, #tpu.memory_space<vmem>> -> memref<16x1024xf32, #tpu.memory_space<vmem>>
    %dma_start3A_89 = arith.constant 0 : i32
    %dma_start3A_90 = tpu.memref_slice %arg2[%add3A_84, %dma_start3A_89] : memref<32768x1024xf32, #tpu.memory_space<hbm>> -> memref<16x1024xf32, #tpu.memory_space<hbm>>
    %dma_start3A_91 = arith.constant 0 : i32
    %dma_start3A_92 = arith.constant 0 : i32
    %dma_start3A_93 = tpu.memref_slice %arg8[%dma_start3A, %dma_start3A_91, %dma_start3A_92] : memref<2x16x1024xf32, #tpu.memory_space<vmem>> -> memref<1x16x1024xf32, #tpu.memory_space<vmem>>
    %dma_start3A_94 = tpu.memref_squeeze %dma_start3A_93 : memref<1x16x1024xf32, #tpu.memory_space<vmem>> -> memref<16x1024xf32, #tpu.memory_space<vmem>>
    %dma_start3A_95 = arith.constant 0 : i32
    %dma_start3A_96 = tpu.memref_slice %arg2[%add3A_84, %dma_start3A_95] : memref<32768x1024xf32, #tpu.memory_space<hbm>> -> memref<16x1024xf32, #tpu.memory_space<hbm>>
    tpu.enqueue_dma source(%dma_start3A_96 : memref<16x1024xf32, #tpu.memory_space<hbm>>) target(%dma_start3A_94 : memref<16x1024xf32, #tpu.memory_space<vmem>>) target_semaphore(%arg10 : memref<!tpu.dma_semaphore, #tpu.memory_space<semaphore_mem>>)
    %add3A_97 = arith.constant 16 : i32
    %add3A_98 = arith.addi %mul3A_2, %add3A_97 : i32
    %dma_start3A_99 = arith.constant 1 : i32
    %dma_start3A_100 = arith.constant 0 : i32
    %dma_start3A_101 = arith.constant 0 : i32
    %dma_start3A_102 = tpu.memref_slice %arg8[%dma_start3A_99, %dma_start3A_100, %dma_start3A_101] : memref<2x16x1024xf32, #tpu.memory_space<vmem>> -> memref<1x16x1024xf32, #tpu.memory_space<vmem>>
    %dma_start3A_103 = tpu.memref_squeeze %dma_start3A_102 : memref<1x16x1024xf32, #tpu.memory_space<vmem>> -> memref<16x1024xf32, #tpu.memory_space<vmem>>
    %dma_start3A_104 = arith.constant 0 : i32
    %dma_start3A_105 = tpu.memref_slice %arg2[%add3A_98, %dma_start3A_104] : memref<32768x1024xf32, #tpu.memory_space<hbm>> -> memref<16x1024xf32, #tpu.memory_space<hbm>>
    %dma_start3A_106 = arith.constant 0 : i32
    %dma_start3A_107 = arith.constant 0 : i32
    %dma_start3A_108 = tpu.memref_slice %arg8[%dma_start3A_99, %dma_start3A_106, %dma_start3A_107] : memref<2x16x1024xf32, #tpu.memory_space<vmem>> -> memref<1x16x1024xf32, #tpu.memory_space<vmem>>
    %dma_start3A_109 = tpu.memref_squeeze %dma_start3A_108 : memref<1x16x1024xf32, #tpu.memory_space<vmem>> -> memref<16x1024xf32, #tpu.memory_space<vmem>>
    %dma_start3A_110 = arith.constant 0 : i32
    %dma_start3A_111 = tpu.memref_slice %arg2[%add3A_98, %dma_start3A_110] : memref<32768x1024xf32, #tpu.memory_space<hbm>> -> memref<16x1024xf32, #tpu.memory_space<hbm>>
    tpu.enqueue_dma source(%dma_start3A_111 : memref<16x1024xf32, #tpu.memory_space<hbm>>) target(%dma_start3A_109 : memref<16x1024xf32, #tpu.memory_space<vmem>>) target_semaphore(%arg10 : memref<!tpu.dma_semaphore, #tpu.memory_space<semaphore_mem>>)
    %scan3A_112 = arith.constant 0 : i32
    %scan3A_113 = arith.constant 0 : i32
    %scan3A_114 = arith.constant 64 : i32
    %scan3A_115 = arith.addi %scan3A_113, %scan3A_114 : i32
    %scan3A_116 = arith.constant 1 : i32
    scf.for %scan3A_150 = %scan3A_113 to %scan3A_115 step %scan3A_116  : i32 {
      %rem3A_151 = arith.constant 2 : i32
      %rem3A_152 = arith.remsi %scan3A_150, %rem3A_151 : i32
      %mul3A_153 = arith.constant 16 : i32
      %mul3A_154 = arith.muli %scan3A_150, %mul3A_153 : i32
      %add3A_155 = arith.addi %mul3A_2, %mul3A_154 : i32
      %dma_wait3A_156 = arith.constant 0 : i32
      %dma_wait3A_157 = arith.constant 0 : i32
      %dma_wait3A_158 = tpu.memref_slice %arg8[%rem3A_152, %dma_wait3A_156, %dma_wait3A_157] : memref<2x16x1024xf32, #tpu.memory_space<vmem>> -> memref<1x16x1024xf32, #tpu.memory_space<vmem>>
      %dma_wait3A_159 = tpu.memref_squeeze %dma_wait3A_158 : memref<1x16x1024xf32, #tpu.memory_space<vmem>> -> memref<16x1024xf32, #tpu.memory_space<vmem>>
      %dma_wait3A_160 = arith.constant 0 : i32
      %dma_wait3A_161 = tpu.memref_slice %arg2[%add3A_155, %dma_wait3A_160] : memref<32768x1024xf32, #tpu.memory_space<hbm>> -> memref<16x1024xf32, #tpu.memory_space<hbm>>
      %dma_wait3A_162 = arith.constant 0 : i32
      %dma_wait3A_163 = arith.constant 0 : i32
      %dma_wait3A_164 = tpu.memref_slice %arg8[%rem3A_152, %dma_wait3A_162, %dma_wait3A_163] : memref<2x16x1024xf32, #tpu.memory_space<vmem>> -> memref<1x16x1024xf32, #tpu.memory_space<vmem>>
      %dma_wait3A_165 = tpu.memref_squeeze %dma_wait3A_164 : memref<1x16x1024xf32, #tpu.memory_space<vmem>> -> memref<16x1024xf32, #tpu.memory_space<vmem>>
      %dma_wait3A_166 = arith.constant 0 : i32
      %dma_wait3A_167 = tpu.memref_slice %arg2[%add3A_155, %dma_wait3A_166] : memref<32768x1024xf32, #tpu.memory_space<hbm>> -> memref<16x1024xf32, #tpu.memory_space<hbm>>
      tpu.wait_dma2 semaphore(%arg10 : memref<!tpu.dma_semaphore, #tpu.memory_space<semaphore_mem>>) src(%dma_wait3A_167 : memref<16x1024xf32, #tpu.memory_space<hbm>>) dst(%dma_wait3A_165 : memref<16x1024xf32, #tpu.memory_space<vmem>>)
      %ge3A = arith.constant 2 : i32
      %ge3A_168 = arith.cmpi sge, %scan3A_150, %ge3A : i32
      %convert_element_type3A = arith.extui %ge3A_168 : i1 to i32
      %cond3A = arith.constant 0 : i32
      %cond3A_169 = arith.cmpi ne, %convert_element_type3A, %cond3A : i32
      scf.if %cond3A_169 {
        %sub3A = arith.constant 2 : i32
        %sub3A_197 = arith.subi %scan3A_150, %sub3A : i32
        %mul3A_198 = arith.constant 16 : i32
        %mul3A_199 = arith.muli %sub3A_197, %mul3A_198 : i32
        %add3A_200 = arith.addi %mul3A_2, %mul3A_199 : i32
        %dma_wait3A_201 = arith.constant 0 : i32
        %dma_wait3A_202 = arith.constant 0 : i32
        %dma_wait3A_203 = tpu.memref_slice %arg9[%rem3A_152, %dma_wait3A_201, %dma_wait3A_202] : memref<2x16x1024xf32, #tpu.memory_space<vmem>> -> memref<1x16x1024xf32, #tpu.memory_space<vmem>>
        %dma_wait3A_204 = tpu.memref_squeeze %dma_wait3A_203 : memref<1x16x1024xf32, #tpu.memory_space<vmem>> -> memref<16x1024xf32, #tpu.memory_space<vmem>>
        %dma_wait3A_205 = arith.constant 0 : i32
        %dma_wait3A_206 = tpu.memref_slice %arg5[%add3A_200, %dma_wait3A_205] : memref<32768x1024xf32, #tpu.memory_space<hbm>> -> memref<16x1024xf32, #tpu.memory_space<hbm>>
        %dma_wait3A_207 = arith.constant 0 : i32
        %dma_wait3A_208 = tpu.memref_slice %arg5[%add3A_200, %dma_wait3A_207] : memref<32768x1024xf32, #tpu.memory_space<hbm>> -> memref<16x1024xf32, #tpu.memory_space<hbm>>
        %dma_wait3A_209 = arith.constant 0 : i32
        %dma_wait3A_210 = arith.constant 0 : i32
        %dma_wait3A_211 = tpu.memref_slice %arg9[%rem3A_152, %dma_wait3A_209, %dma_wait3A_210] : memref<2x16x1024xf32, #tpu.memory_space<vmem>> -> memref<1x16x1024xf32, #tpu.memory_space<vmem>>
        %dma_wait3A_212 = tpu.memref_squeeze %dma_wait3A_211 : memref<1x16x1024xf32, #tpu.memory_space<vmem>> -> memref<16x1024xf32, #tpu.memory_space<vmem>>
        tpu.wait_dma2 semaphore(%arg11 : memref<!tpu.dma_semaphore, #tpu.memory_space<semaphore_mem>>) src(%dma_wait3A_212 : memref<16x1024xf32, #tpu.memory_space<vmem>>) dst(%dma_wait3A_208 : memref<16x1024xf32, #tpu.memory_space<hbm>>)
      } else {
      }
      %scan3A_170 = arith.constant 0 : i32
      %scan3A_171 = arith.constant 0 : i32
      %scan3A_172 = arith.constant 16 : i32
      %scan3A_173 = arith.addi %scan3A_171, %scan3A_172 : i32
      %scan3A_174 = arith.constant 1 : i32
      scf.for %scan3A_197 = %scan3A_171 to %scan3A_173 step %scan3A_174  : i32 {
        %get3A_198 = arith.index_cast %rem3A_152 : i32 to index
        %get3A_199 = arith.index_cast %scan3A_197 : i32 to index
        %get3A_200 = arith.constant 0 : index
        %get3A_201 = tpu.vector_load %arg8[%get3A_198, %get3A_199, %get3A_200] {strides = array<i32>} : memref<2x16x1024xf32, #tpu.memory_space<vmem>>, vector<1x1x16xf32>,
        %get3A_202 = vector.shape_cast %get3A_201 : vector<1x1x16xf32> to vector<16xf32>
        %get3A_203 = arith.constant 0 : index
        %get3A_204 = tpu.vector_load %arg6[%get3A_203] {strides = array<i32>} : memref<1024xf32, #tpu.memory_space<vmem>>, vector<16xf32>,
        %get3A_205 = vector.shape_cast %get3A_204 : vector<16xf32> to vector<16xf32>
        %mul3A_206 = arith.mulf %get3A_202, %get3A_205 : vector<16xf32>
        %mul3A_207 = arith.mulf %mul3A_206, %get3A_82 : vector<16xf32>
        %add3A_208 = arith.addf %mul3A_207, %get3A_77 : vector<16xf32>
        %mul3A_209 = arith.mulf %add3A_208, %mul3A_206 : vector<16xf32>
        %add3A_210 = arith.addf %mul3A_209, %get3A_72 : vector<16xf32>
        %mul3A_211 = arith.mulf %add3A_210, %mul3A_206 : vector<16xf32>
        %swap3A = arith.index_cast %rem3A_152 : i32 to index
        %swap3A_212 = arith.index_cast %scan3A_197 : i32 to index
        %swap3A_213 = arith.constant 0 : index
        %swap3A_214 = tpu.vector_load %arg9[%swap3A, %swap3A_212, %swap3A_213] {strides = array<i32>} : memref<2x16x1024xf32, #tpu.memory_space<vmem>>, vector<1x1x16xf32>,
        %swap3A_215 = vector.shape_cast %swap3A_214 : vector<1x1x16xf32> to vector<16xf32>
        %swap3A_216 = vector.shape_cast %mul3A_211 : vector<16xf32> to vector<1x1x16xf32>
        tpu.vector_store %arg9[%swap3A, %swap3A_212, %swap3A_213], %swap3A_216 {strides = array<i32>} : memref<2x16x1024xf32, #tpu.memory_space<vmem>>, vector<1x1x16xf32>,
        %get3A_217 = arith.index_cast %rem3A_152 : i32 to index
        %get3A_218 = arith.index_cast %scan3A_197 : i32 to index
        %get3A_219 = arith.constant 16 : index
        %get3A_220 = tpu.vector_load %arg8[%get3A_217, %get3A_218, %get3A_219] {strides = array<i32>} : memref<2x16x1024xf32, #tpu.memory_space<vmem>>, vector<1x1x16xf32>,
        %get3A_221 = vector.shape_cast %get3A_220 : vector<1x1x16xf32> to vector<16xf32>
        %get3A_222 = arith.constant 16 : index
        %get3A_223 = tpu.vector_load %arg6[%get3A_222] {strides = array<i32>} : memref<1024xf32, #tpu.memory_space<vmem>>, vector<16xf32>,
        %get3A_224 = vector.shape_cast %get3A_223 : vector<16xf32> to vector<16xf32>
        %mul3A_225 = arith.mulf %get3A_221, %get3A_224 : vector<16xf32>
        %mul3A_226 = arith.mulf %mul3A_225, %get3A_82 : vector<16xf32>
        %add3A_227 = arith.addf %mul3A_226, %get3A_77 : vector<16xf32>
        %mul3A_228 = arith.mulf %add3A_227, %mul3A_225 : vector<16xf32>
        %add3A_229 = arith.addf %mul3A_228, %get3A_72 : vector<16xf32>
        %mul3A_230 = arith.mulf %add3A_229, %mul3A_225 : vector<16xf32>
        %swap3A_231 = arith.index_cast %rem3A_152 : i32 to index
        %swap3A_232 = arith.index_cast %scan3A_197 : i32 to index
        %swap3A_233 = arith.constant 16 : index
        %swap3A_234 = tpu.vector_load %arg9[%swap3A_231, %swap3A_232, %swap3A_233] {strides = array<i32>} : memref<2x16x1024xf32, #tpu.memory_space<vmem>>, vector<1x1x16xf32>,
        %swap3A_235 = vector.shape_cast %swap3A_234 : vector<1x1x16xf32> to vector<16xf32>
        %swap3A_236 = vector.shape_cast %mul3A_230 : vector<16xf32> to vector<1x1x16xf32>
        tpu.vector_store %arg9[%swap3A_231, %swap3A_232, %swap3A_233], %swap3A_236 {strides = array<i32>} : memref<2x16x1024xf32, #tpu.memory_space<vmem>>, vector<1x1x16xf32>,
        %get3A_237 = arith.index_cast %rem3A_152 : i32 to index
        %get3A_238 = arith.index_cast %scan3A_197 : i32 to index
        %get3A_239 = arith.constant 32 : index
        %get3A_240 = tpu.vector_load %arg8[%get3A_237, %get3A_238, %get3A_239] {strides = array<i32>} : memref<2x16x1024xf32, #tpu.memory_space<vmem>>, vector<1x1x16xf32>,
        %get3A_241 = vector.shape_cast %get3A_240 : vector<1x1x16xf32> to vector<16xf32>
        %get3A_242 = arith.constant 32 : index
        %get3A_243 = tpu.vector_load %arg6[%get3A_242] {strides = array<i32>} : memref<1024xf32, #tpu.memory_space<vmem>>, vector<16xf32>,
        %get3A_244 = vector.shape_cast %get3A_243 : vector<16xf32> to vector<16xf32>
        %mul3A_245 = arith.mulf %get3A_241, %get3A_244 : vector<16xf32>
        %mul3A_246 = arith.mulf %mul3A_245, %get3A_82 : vector<16xf32>
        %add3A_247 = arith.addf %mul3A_246, %get3A_77 : vector<16xf32>
        %mul3A_248 = arith.mulf %add3A_247, %mul3A_245 : vector<16xf32>
        %add3A_249 = arith.addf %mul3A_248, %get3A_72 : vector<16xf32>
        %mul3A_250 = arith.mulf %add3A_249, %mul3A_245 : vector<16xf32>
        %swap3A_251 = arith.index_cast %rem3A_152 : i32 to index
        %swap3A_252 = arith.index_cast %scan3A_197 : i32 to index
        %swap3A_253 = arith.constant 32 : index
        %swap3A_254 = tpu.vector_load %arg9[%swap3A_251, %swap3A_252, %swap3A_253] {strides = array<i32>} : memref<2x16x1024xf32, #tpu.memory_space<vmem>>, vector<1x1x16xf32>,
        %swap3A_255 = vector.shape_cast %swap3A_254 : vector<1x1x16xf32> to vector<16xf32>
        %swap3A_256 = vector.shape_cast %mul3A_250 : vector<16xf32> to vector<1x1x16xf32>
        tpu.vector_store %arg9[%swap3A_251, %swap3A_252, %swap3A_253], %swap3A_256 {strides = array<i32>} : memref<2x16x1024xf32, #tpu.memory_space<vmem>>, vector<1x1x16xf32>,
        %get3A_257 = arith.index_cast %rem3A_152 : i32 to index
        %get3A_258 = arith.index_cast %scan3A_197 : i32 to index
        %get3A_259 = arith.constant 48 : index
        %get3A_260 = tpu.vector_load %arg8[%get3A_257, %get3A_258, %get3A_259] {strides = array<i32>} : memref<2x16x1024xf32, #tpu.memory_space<vmem>>, vector<1x1x16xf32>,
        %get3A_261 = vector.shape_cast %get3A_260 : vector<1x1x16xf32> to vector<16xf32>
        %get3A_262 = arith.constant 48 : index
        %get3A_263 = tpu.vector_load %arg6[%get3A_262] {strides = array<i32>} : memref<1024xf32, #tpu.memory_space<vmem>>, vector<16xf32>,
        %get3A_264 = vector.shape_cast %get3A_263 : vector<16xf32> to vector<16xf32>
        %mul3A_265 = arith.mulf %get3A_261, %get3A_264 : vector<16xf32>
        %mul3A_266 = arith.mulf %mul3A_265, %get3A_82 : vector<16xf32>
        %add3A_267 = arith.addf %mul3A_266, %get3A_77 : vector<16xf32>
        %mul3A_268 = arith.mulf %add3A_267, %mul3A_265 : vector<16xf32>
        %add3A_269 = arith.addf %mul3A_268, %get3A_72 : vector<16xf32>
        %mul3A_270 = arith.mulf %add3A_269, %mul3A_265 : vector<16xf32>
        %swap3A_271 = arith.index_cast %rem3A_152 : i32 to index
        %swap3A_272 = arith.index_cast %scan3A_197 : i32 to index
        %swap3A_273 = arith.constant 48 : index
        %swap3A_274 = tpu.vector_load %arg9[%swap3A_271, %swap3A_272, %swap3A_273] {strides = array<i32>} : memref<2x16x1024xf32, #tpu.memory_space<vmem>>, vector<1x1x16xf32>,
        %swap3A_275 = vector.shape_cast %swap3A_274 : vector<1x1x16xf32> to vector<16xf32>
        %swap3A_276 = vector.shape_cast %mul3A_270 : vector<16xf32> to vector<1x1x16xf32>
        tpu.vector_store %arg9[%swap3A_271, %swap3A_272, %swap3A_273], %swap3A_276 {strides = array<i32>} : memref<2x16x1024xf32, #tpu.memory_space<vmem>>, vector<1x1x16xf32>,
        %get3A_277 = arith.index_cast %rem3A_152 : i32 to index
        %get3A_278 = arith.index_cast %scan3A_197 : i32 to index
        %get3A_279 = arith.constant 64 : index
        %get3A_280 = tpu.vector_load %arg8[%get3A_277, %get3A_278, %get3A_279] {strides = array<i32>} : memref<2x16x1024xf32, #tpu.memory_space<vmem>>, vector<1x1x16xf32>,
        %get3A_281 = vector.shape_cast %get3A_280 : vector<1x1x16xf32> to vector<16xf32>
        %get3A_282 = arith.constant 64 : index
        %get3A_283 = tpu.vector_load %arg6[%get3A_282] {strides = array<i32>} : memref<1024xf32, #tpu.memory_space<vmem>>, vector<16xf32>,
        %get3A_284 = vector.shape_cast %get3A_283 : vector<16xf32> to vector<16xf32>
        %mul3A_285 = arith.mulf %get3A_281, %get3A_284 : vector<16xf32>
        %mul3A_286 = arith.mulf %mul3A_285, %get3A_82 : vector<16xf32>
        %add3A_287 = arith.addf %mul3A_286, %get3A_77 : vector<16xf32>
        %mul3A_288 = arith.mulf %add3A_287, %mul3A_285 : vector<16xf32>
        %add3A_289 = arith.addf %mul3A_288, %get3A_72 : vector<16xf32>
        %mul3A_290 = arith.mulf %add3A_289, %mul3A_285 : vector<16xf32>
        %swap3A_291 = arith.index_cast %rem3A_152 : i32 to index
        %swap3A_292 = arith.index_cast %scan3A_197 : i32 to index
        %swap3A_293 = arith.constant 64 : index
        %swap3A_294 = tpu.vector_load %arg9[%swap3A_291, %swap3A_292, %swap3A_293] {strides = array<i32>} : memref<2x16x1024xf32, #tpu.memory_space<vmem>>, vector<1x1x16xf32>,
        %swap3A_295 = vector.shape_cast %swap3A_294 : vector<1x1x16xf32> to vector<16xf32>
        %swap3A_296 = vector.shape_cast %mul3A_290 : vector<16xf32> to vector<1x1x16xf32>
        tpu.vector_store %arg9[%swap3A_291, %swap3A_292, %swap3A_293], %swap3A_296 {strides = array<i32>} : memref<2x16x1024xf32, #tpu.memory_space<vmem>>, vector<1x1x16xf32>,
        %get3A_297 = arith.index_cast %rem3A_152 : i32 to index
        %get3A_298 = arith.index_cast %scan3A_197 : i32 to index
        %get3A_299 = arith.constant 80 : index
        %get3A_300 = tpu.vector_load %arg8[%get3A_297, %get3A_298, %get3A_299] {strides = array<i32>} : memref<2x16x1024xf32, #tpu.memory_space<vmem>>, vector<1x1x16xf32>,
        %get3A_301 = vector.shape_cast %get3A_300 : vector<1x1x16xf32> to vector<16xf32>
        %get3A_302 = arith.constant 80 : index
        %get3A_303 = tpu.vector_load %arg6[%get3A_302] {strides = array<i32>} : memref<1024xf32, #tpu.memory_space<vmem>>, vector<16xf32>,
        %get3A_304 = vector.shape_cast %get3A_303 : vector<16xf32> to vector<16xf32>
        %mul3A_305 = arith.mulf %get3A_301, %get3A_304 : vector<16xf32>
        %mul3A_306 = arith.mulf %mul3A_305, %get3A_82 : vector<16xf32>
        %add3A_307 = arith.addf %mul3A_306, %get3A_77 : vector<16xf32>
        %mul3A_308 = arith.mulf %add3A_307, %mul3A_305 : vector<16xf32>
        %add3A_309 = arith.addf %mul3A_308, %get3A_72 : vector<16xf32>
        %mul3A_310 = arith.mulf %add3A_309, %mul3A_305 : vector<16xf32>
        %swap3A_311 = arith.index_cast %rem3A_152 : i32 to index
        %swap3A_312 = arith.index_cast %scan3A_197 : i32 to index
        %swap3A_313 = arith.constant 80 : index
        %swap3A_314 = tpu.vector_load %arg9[%swap3A_311, %swap3A_312, %swap3A_313] {strides = array<i32>} : memref<2x16x1024xf32, #tpu.memory_space<vmem>>, vector<1x1x16xf32>,
        %swap3A_315 = vector.shape_cast %swap3A_314 : vector<1x1x16xf32> to vector<16xf32>
        %swap3A_316 = vector.shape_cast %mul3A_310 : vector<16xf32> to vector<1x1x16xf32>
        tpu.vector_store %arg9[%swap3A_311, %swap3A_312, %swap3A_313], %swap3A_316 {strides = array<i32>} : memref<2x16x1024xf32, #tpu.memory_space<vmem>>, vector<1x1x16xf32>,
        %get3A_317 = arith.index_cast %rem3A_152 : i32 to index
        %get3A_318 = arith.index_cast %scan3A_197 : i32 to index
        %get3A_319 = arith.constant 96 : index
        %get3A_320 = tpu.vector_load %arg8[%get3A_317, %get3A_318, %get3A_319] {strides = array<i32>} : memref<2x16x1024xf32, #tpu.memory_space<vmem>>, vector<1x1x16xf32>,
        %get3A_321 = vector.shape_cast %get3A_320 : vector<1x1x16xf32> to vector<16xf32>
        %get3A_322 = arith.constant 96 : index
        %get3A_323 = tpu.vector_load %arg6[%get3A_322] {strides = array<i32>} : memref<1024xf32, #tpu.memory_space<vmem>>, vector<16xf32>,
        %get3A_324 = vector.shape_cast %get3A_323 : vector<16xf32> to vector<16xf32>
        %mul3A_325 = arith.mulf %get3A_321, %get3A_324 : vector<16xf32>
        %mul3A_326 = arith.mulf %mul3A_325, %get3A_82 : vector<16xf32>
        %add3A_327 = arith.addf %mul3A_326, %get3A_77 : vector<16xf32>
        %mul3A_328 = arith.mulf %add3A_327, %mul3A_325 : vector<16xf32>
        %add3A_329 = arith.addf %mul3A_328, %get3A_72 : vector<16xf32>
        %mul3A_330 = arith.mulf %add3A_329, %mul3A_325 : vector<16xf32>
        %swap3A_331 = arith.index_cast %rem3A_152 : i32 to index
        %swap3A_332 = arith.index_cast %scan3A_197 : i32 to index
        %swap3A_333 = arith.constant 96 : index
        %swap3A_334 = tpu.vector_load %arg9[%swap3A_331, %swap3A_332, %swap3A_333] {strides = array<i32>} : memref<2x16x1024xf32, #tpu.memory_space<vmem>>, vector<1x1x16xf32>,
        %swap3A_335 = vector.shape_cast %swap3A_334 : vector<1x1x16xf32> to vector<16xf32>
        %swap3A_336 = vector.shape_cast %mul3A_330 : vector<16xf32> to vector<1x1x16xf32>
        tpu.vector_store %arg9[%swap3A_331, %swap3A_332, %swap3A_333], %swap3A_336 {strides = array<i32>} : memref<2x16x1024xf32, #tpu.memory_space<vmem>>, vector<1x1x16xf32>,
        %get3A_337 = arith.index_cast %rem3A_152 : i32 to index
        %get3A_338 = arith.index_cast %scan3A_197 : i32 to index
        %get3A_339 = arith.constant 112 : index
        %get3A_340 = tpu.vector_load %arg8[%get3A_337, %get3A_338, %get3A_339] {strides = array<i32>} : memref<2x16x1024xf32, #tpu.memory_space<vmem>>, vector<1x1x16xf32>,
        %get3A_341 = vector.shape_cast %get3A_340 : vector<1x1x16xf32> to vector<16xf32>
        %get3A_342 = arith.constant 112 : index
        %get3A_343 = tpu.vector_load %arg6[%get3A_342] {strides = array<i32>} : memref<1024xf32, #tpu.memory_space<vmem>>, vector<16xf32>,
        %get3A_344 = vector.shape_cast %get3A_343 : vector<16xf32> to vector<16xf32>
        %mul3A_345 = arith.mulf %get3A_341, %get3A_344 : vector<16xf32>
        %mul3A_346 = arith.mulf %mul3A_345, %get3A_82 : vector<16xf32>
        %add3A_347 = arith.addf %mul3A_346, %get3A_77 : vector<16xf32>
        %mul3A_348 = arith.mulf %add3A_347, %mul3A_345 : vector<16xf32>
        %add3A_349 = arith.addf %mul3A_348, %get3A_72 : vector<16xf32>
        %mul3A_350 = arith.mulf %add3A_349, %mul3A_345 : vector<16xf32>
        %swap3A_351 = arith.index_cast %rem3A_152 : i32 to index
        %swap3A_352 = arith.index_cast %scan3A_197 : i32 to index
        %swap3A_353 = arith.constant 112 : index
        %swap3A_354 = tpu.vector_load %arg9[%swap3A_351, %swap3A_352, %swap3A_353] {strides = array<i32>} : memref<2x16x1024xf32, #tpu.memory_space<vmem>>, vector<1x1x16xf32>,
        %swap3A_355 = vector.shape_cast %swap3A_354 : vector<1x1x16xf32> to vector<16xf32>
        %swap3A_356 = vector.shape_cast %mul3A_350 : vector<16xf32> to vector<1x1x16xf32>
        tpu.vector_store %arg9[%swap3A_351, %swap3A_352, %swap3A_353], %swap3A_356 {strides = array<i32>} : memref<2x16x1024xf32, #tpu.memory_space<vmem>>, vector<1x1x16xf32>,
        %get3A_357 = arith.index_cast %rem3A_152 : i32 to index
        %get3A_358 = arith.index_cast %scan3A_197 : i32 to index
        %get3A_359 = arith.constant 128 : index
        %get3A_360 = tpu.vector_load %arg8[%get3A_357, %get3A_358, %get3A_359] {strides = array<i32>} : memref<2x16x1024xf32, #tpu.memory_space<vmem>>, vector<1x1x16xf32>,
        %get3A_361 = vector.shape_cast %get3A_360 : vector<1x1x16xf32> to vector<16xf32>
        %get3A_362 = arith.constant 128 : index
        %get3A_363 = tpu.vector_load %arg6[%get3A_362] {strides = array<i32>} : memref<1024xf32, #tpu.memory_space<vmem>>, vector<16xf32>,
        %get3A_364 = vector.shape_cast %get3A_363 : vector<16xf32> to vector<16xf32>
        %mul3A_365 = arith.mulf %get3A_361, %get3A_364 : vector<16xf32>
        %mul3A_366 = arith.mulf %mul3A_365, %get3A_82 : vector<16xf32>
        %add3A_367 = arith.addf %mul3A_366, %get3A_77 : vector<16xf32>
        %mul3A_368 = arith.mulf %add3A_367, %mul3A_365 : vector<16xf32>
        %add3A_369 = arith.addf %mul3A_368, %get3A_72 : vector<16xf32>
        %mul3A_370 = arith.mulf %add3A_369, %mul3A_365 : vector<16xf32>
        %swap3A_371 = arith.index_cast %rem3A_152 : i32 to index
        %swap3A_372 = arith.index_cast %scan3A_197 : i32 to index
        %swap3A_373 = arith.constant 128 : index
        %swap3A_374 = tpu.vector_load %arg9[%swap3A_371, %swap3A_372, %swap3A_373] {strides = array<i32>} : memref<2x16x1024xf32, #tpu.memory_space<vmem>>, vector<1x1x16xf32>,
        %swap3A_375 = vector.shape_cast %swap3A_374 : vector<1x1x16xf32> to vector<16xf32>
        %swap3A_376 = vector.shape_cast %mul3A_370 : vector<16xf32> to vector<1x1x16xf32>
        tpu.vector_store %arg9[%swap3A_371, %swap3A_372, %swap3A_373], %swap3A_376 {strides = array<i32>} : memref<2x16x1024xf32, #tpu.memory_space<vmem>>, vector<1x1x16xf32>,
        %get3A_377 = arith.index_cast %rem3A_152 : i32 to index
        %get3A_378 = arith.index_cast %scan3A_197 : i32 to index
        %get3A_379 = arith.constant 144 : index
        %get3A_380 = tpu.vector_load %arg8[%get3A_377, %get3A_378, %get3A_379] {strides = array<i32>} : memref<2x16x1024xf32, #tpu.memory_space<vmem>>, vector<1x1x16xf32>,
        %get3A_381 = vector.shape_cast %get3A_380 : vector<1x1x16xf32> to vector<16xf32>
        %get3A_382 = arith.constant 144 : index
        %get3A_383 = tpu.vector_load %arg6[%get3A_382] {strides = array<i32>} : memref<1024xf32, #tpu.memory_space<vmem>>, vector<16xf32>,
        %get3A_384 = vector.shape_cast %get3A_383 : vector<16xf32> to vector<16xf32>
        %mul3A_385 = arith.mulf %get3A_381, %get3A_384 : vector<16xf32>
        %mul3A_386 = arith.mulf %mul3A_385, %get3A_82 : vector<16xf32>
        %add3A_387 = arith.addf %mul3A_386, %get3A_77 : vector<16xf32>
        %mul3A_388 = arith.mulf %add3A_387, %mul3A_385 : vector<16xf32>
        %add3A_389 = arith.addf %mul3A_388, %get3A_72 : vector<16xf32>
        %mul3A_390 = arith.mulf %add3A_389, %mul3A_385 : vector<16xf32>
        %swap3A_391 = arith.index_cast %rem3A_152 : i32 to index
        %swap3A_392 = arith.index_cast %scan3A_197 : i32 to index
        %swap3A_393 = arith.constant 144 : index
        %swap3A_394 = tpu.vector_load %arg9[%swap3A_391, %swap3A_392, %swap3A_393] {strides = array<i32>} : memref<2x16x1024xf32, #tpu.memory_space<vmem>>, vector<1x1x16xf32>,
        %swap3A_395 = vector.shape_cast %swap3A_394 : vector<1x1x16xf32> to vector<16xf32>
        %swap3A_396 = vector.shape_cast %mul3A_390 : vector<16xf32> to vector<1x1x16xf32>
        tpu.vector_store %arg9[%swap3A_391, %swap3A_392, %swap3A_393], %swap3A_396 {strides = array<i32>} : memref<2x16x1024xf32, #tpu.memory_space<vmem>>, vector<1x1x16xf32>,
        %get3A_397 = arith.index_cast %rem3A_152 : i32 to index
        %get3A_398 = arith.index_cast %scan3A_197 : i32 to index
        %get3A_399 = arith.constant 160 : index
        %get3A_400 = tpu.vector_load %arg8[%get3A_397, %get3A_398, %get3A_399] {strides = array<i32>} : memref<2x16x1024xf32, #tpu.memory_space<vmem>>, vector<1x1x16xf32>,
        %get3A_401 = vector.shape_cast %get3A_400 : vector<1x1x16xf32> to vector<16xf32>
        %get3A_402 = arith.constant 160 : index
        %get3A_403 = tpu.vector_load %arg6[%get3A_402] {strides = array<i32>} : memref<1024xf32, #tpu.memory_space<vmem>>, vector<16xf32>,
        %get3A_404 = vector.shape_cast %get3A_403 : vector<16xf32> to vector<16xf32>
        %mul3A_405 = arith.mulf %get3A_401, %get3A_404 : vector<16xf32>
        %mul3A_406 = arith.mulf %mul3A_405, %get3A_82 : vector<16xf32>
        %add3A_407 = arith.addf %mul3A_406, %get3A_77 : vector<16xf32>
        %mul3A_408 = arith.mulf %add3A_407, %mul3A_405 : vector<16xf32>
        %add3A_409 = arith.addf %mul3A_408, %get3A_72 : vector<16xf32>
        %mul3A_410 = arith.mulf %add3A_409, %mul3A_405 : vector<16xf32>
        %swap3A_411 = arith.index_cast %rem3A_152 : i32 to index
        %swap3A_412 = arith.index_cast %scan3A_197 : i32 to index
        %swap3A_413 = arith.constant 160 : index
        %swap3A_414 = tpu.vector_load %arg9[%swap3A_411, %swap3A_412, %swap3A_413] {strides = array<i32>} : memref<2x16x1024xf32, #tpu.memory_space<vmem>>, vector<1x1x16xf32>,
        %swap3A_415 = vector.shape_cast %swap3A_414 : vector<1x1x16xf32> to vector<16xf32>
        %swap3A_416 = vector.shape_cast %mul3A_410 : vector<16xf32> to vector<1x1x16xf32>
        tpu.vector_store %arg9[%swap3A_411, %swap3A_412, %swap3A_413], %swap3A_416 {strides = array<i32>} : memref<2x16x1024xf32, #tpu.memory_space<vmem>>, vector<1x1x16xf32>,
        %get3A_417 = arith.index_cast %rem3A_152 : i32 to index
        %get3A_418 = arith.index_cast %scan3A_197 : i32 to index
        %get3A_419 = arith.constant 176 : index
        %get3A_420 = tpu.vector_load %arg8[%get3A_417, %get3A_418, %get3A_419] {strides = array<i32>} : memref<2x16x1024xf32, #tpu.memory_space<vmem>>, vector<1x1x16xf32>,
        %get3A_421 = vector.shape_cast %get3A_420 : vector<1x1x16xf32> to vector<16xf32>
        %get3A_422 = arith.constant 176 : index
        %get3A_423 = tpu.vector_load %arg6[%get3A_422] {strides = array<i32>} : memref<1024xf32, #tpu.memory_space<vmem>>, vector<16xf32>,
        %get3A_424 = vector.shape_cast %get3A_423 : vector<16xf32> to vector<16xf32>
        %mul3A_425 = arith.mulf %get3A_421, %get3A_424 : vector<16xf32>
        %mul3A_426 = arith.mulf %mul3A_425, %get3A_82 : vector<16xf32>
        %add3A_427 = arith.addf %mul3A_426, %get3A_77 : vector<16xf32>
        %mul3A_428 = arith.mulf %add3A_427, %mul3A_425 : vector<16xf32>
        %add3A_429 = arith.addf %mul3A_428, %get3A_72 : vector<16xf32>
        %mul3A_430 = arith.mulf %add3A_429, %mul3A_425 : vector<16xf32>
        %swap3A_431 = arith.index_cast %rem3A_152 : i32 to index
        %swap3A_432 = arith.index_cast %scan3A_197 : i32 to index
        %swap3A_433 = arith.constant 176 : index
        %swap3A_434 = tpu.vector_load %arg9[%swap3A_431, %swap3A_432, %swap3A_433] {strides = array<i32>} : memref<2x16x1024xf32, #tpu.memory_space<vmem>>, vector<1x1x16xf32>,
        %swap3A_435 = vector.shape_cast %swap3A_434 : vector<1x1x16xf32> to vector<16xf32>
        %swap3A_436 = vector.shape_cast %mul3A_430 : vector<16xf32> to vector<1x1x16xf32>
        tpu.vector_store %arg9[%swap3A_431, %swap3A_432, %swap3A_433], %swap3A_436 {strides = array<i32>} : memref<2x16x1024xf32, #tpu.memory_space<vmem>>, vector<1x1x16xf32>,
        %get3A_437 = arith.index_cast %rem3A_152 : i32 to index
        %get3A_438 = arith.index_cast %scan3A_197 : i32 to index
        %get3A_439 = arith.constant 192 : index
        %get3A_440 = tpu.vector_load %arg8[%get3A_437, %get3A_438, %get3A_439] {strides = array<i32>} : memref<2x16x1024xf32, #tpu.memory_space<vmem>>, vector<1x1x16xf32>,
        %get3A_441 = vector.shape_cast %get3A_440 : vector<1x1x16xf32> to vector<16xf32>
        %get3A_442 = arith.constant 192 : index
        %get3A_443 = tpu.vector_load %arg6[%get3A_442] {strides = array<i32>} : memref<1024xf32, #tpu.memory_space<vmem>>, vector<16xf32>,
        %get3A_444 = vector.shape_cast %get3A_443 : vector<16xf32> to vector<16xf32>
        %mul3A_445 = arith.mulf %get3A_441, %get3A_444 : vector<16xf32>
        %mul3A_446 = arith.mulf %mul3A_445, %get3A_82 : vector<16xf32>
        %add3A_447 = arith.addf %mul3A_446, %get3A_77 : vector<16xf32>
        %mul3A_448 = arith.mulf %add3A_447, %mul3A_445 : vector<16xf32>
        %add3A_449 = arith.addf %mul3A_448, %get3A_72 : vector<16xf32>
        %mul3A_450 = arith.mulf %add3A_449, %mul3A_445 : vector<16xf32>
        %swap3A_451 = arith.index_cast %rem3A_152 : i32 to index
        %swap3A_452 = arith.index_cast %scan3A_197 : i32 to index
        %swap3A_453 = arith.constant 192 : index
        %swap3A_454 = tpu.vector_load %arg9[%swap3A_451, %swap3A_452, %swap3A_453] {strides = array<i32>} : memref<2x16x1024xf32, #tpu.memory_space<vmem>>, vector<1x1x16xf32>,
        %swap3A_455 = vector.shape_cast %swap3A_454 : vector<1x1x16xf32> to vector<16xf32>
        %swap3A_456 = vector.shape_cast %mul3A_450 : vector<16xf32> to vector<1x1x16xf32>
        tpu.vector_store %arg9[%swap3A_451, %swap3A_452, %swap3A_453], %swap3A_456 {strides = array<i32>} : memref<2x16x1024xf32, #tpu.memory_space<vmem>>, vector<1x1x16xf32>,
        %get3A_457 = arith.index_cast %rem3A_152 : i32 to index
        %get3A_458 = arith.index_cast %scan3A_197 : i32 to index
        %get3A_459 = arith.constant 208 : index
        %get3A_460 = tpu.vector_load %arg8[%get3A_457, %get3A_458, %get3A_459] {strides = array<i32>} : memref<2x16x1024xf32, #tpu.memory_space<vmem>>, vector<1x1x16xf32>,
        %get3A_461 = vector.shape_cast %get3A_460 : vector<1x1x16xf32> to vector<16xf32>
        %get3A_462 = arith.constant 208 : index
        %get3A_463 = tpu.vector_load %arg6[%get3A_462] {strides = array<i32>} : memref<1024xf32, #tpu.memory_space<vmem>>, vector<16xf32>,
        %get3A_464 = vector.shape_cast %get3A_463 : vector<16xf32> to vector<16xf32>
        %mul3A_465 = arith.mulf %get3A_461, %get3A_464 : vector<16xf32>
        %mul3A_466 = arith.mulf %mul3A_465, %get3A_82 : vector<16xf32>
        %add3A_467 = arith.addf %mul3A_466, %get3A_77 : vector<16xf32>
        %mul3A_468 = arith.mulf %add3A_467, %mul3A_465 : vector<16xf32>
        %add3A_469 = arith.addf %mul3A_468, %get3A_72 : vector<16xf32>
        %mul3A_470 = arith.mulf %add3A_469, %mul3A_465 : vector<16xf32>
        %swap3A_471 = arith.index_cast %rem3A_152 : i32 to index
        %swap3A_472 = arith.index_cast %scan3A_197 : i32 to index
        %swap3A_473 = arith.constant 208 : index
        %swap3A_474 = tpu.vector_load %arg9[%swap3A_471, %swap3A_472, %swap3A_473] {strides = array<i32>} : memref<2x16x1024xf32, #tpu.memory_space<vmem>>, vector<1x1x16xf32>,
        %swap3A_475 = vector.shape_cast %swap3A_474 : vector<1x1x16xf32> to vector<16xf32>
        %swap3A_476 = vector.shape_cast %mul3A_470 : vector<16xf32> to vector<1x1x16xf32>
        tpu.vector_store %arg9[%swap3A_471, %swap3A_472, %swap3A_473], %swap3A_476 {strides = array<i32>} : memref<2x16x1024xf32, #tpu.memory_space<vmem>>, vector<1x1x16xf32>,
        %get3A_477 = arith.index_cast %rem3A_152 : i32 to index
        %get3A_478 = arith.index_cast %scan3A_197 : i32 to index
        %get3A_479 = arith.constant 224 : index
        %get3A_480 = tpu.vector_load %arg8[%get3A_477, %get3A_478, %get3A_479] {strides = array<i32>} : memref<2x16x1024xf32, #tpu.memory_space<vmem>>, vector<1x1x16xf32>,
        %get3A_481 = vector.shape_cast %get3A_480 : vector<1x1x16xf32> to vector<16xf32>
        %get3A_482 = arith.constant 224 : index
        %get3A_483 = tpu.vector_load %arg6[%get3A_482] {strides = array<i32>} : memref<1024xf32, #tpu.memory_space<vmem>>, vector<16xf32>,
        %get3A_484 = vector.shape_cast %get3A_483 : vector<16xf32> to vector<16xf32>
        %mul3A_485 = arith.mulf %get3A_481, %get3A_484 : vector<16xf32>
        %mul3A_486 = arith.mulf %mul3A_485, %get3A_82 : vector<16xf32>
        %add3A_487 = arith.addf %mul3A_486, %get3A_77 : vector<16xf32>
        %mul3A_488 = arith.mulf %add3A_487, %mul3A_485 : vector<16xf32>
        %add3A_489 = arith.addf %mul3A_488, %get3A_72 : vector<16xf32>
        %mul3A_490 = arith.mulf %add3A_489, %mul3A_485 : vector<16xf32>
        %swap3A_491 = arith.index_cast %rem3A_152 : i32 to index
        %swap3A_492 = arith.index_cast %scan3A_197 : i32 to index
        %swap3A_493 = arith.constant 224 : index
        %swap3A_494 = tpu.vector_load %arg9[%swap3A_491, %swap3A_492, %swap3A_493] {strides = array<i32>} : memref<2x16x1024xf32, #tpu.memory_space<vmem>>, vector<1x1x16xf32>,
        %swap3A_495 = vector.shape_cast %swap3A_494 : vector<1x1x16xf32> to vector<16xf32>
        %swap3A_496 = vector.shape_cast %mul3A_490 : vector<16xf32> to vector<1x1x16xf32>
        tpu.vector_store %arg9[%swap3A_491, %swap3A_492, %swap3A_493], %swap3A_496 {strides = array<i32>} : memref<2x16x1024xf32, #tpu.memory_space<vmem>>, vector<1x1x16xf32>,
        %get3A_497 = arith.index_cast %rem3A_152 : i32 to index
        %get3A_498 = arith.index_cast %scan3A_197 : i32 to index
        %get3A_499 = arith.constant 240 : index
        %get3A_500 = tpu.vector_load %arg8[%get3A_497, %get3A_498, %get3A_499] {strides = array<i32>} : memref<2x16x1024xf32, #tpu.memory_space<vmem>>, vector<1x1x16xf32>,
        %get3A_501 = vector.shape_cast %get3A_500 : vector<1x1x16xf32> to vector<16xf32>
        %get3A_502 = arith.constant 240 : index
        %get3A_503 = tpu.vector_load %arg6[%get3A_502] {strides = array<i32>} : memref<1024xf32, #tpu.memory_space<vmem>>, vector<16xf32>,
        %get3A_504 = vector.shape_cast %get3A_503 : vector<16xf32> to vector<16xf32>
        %mul3A_505 = arith.mulf %get3A_501, %get3A_504 : vector<16xf32>
        %mul3A_506 = arith.mulf %mul3A_505, %get3A_82 : vector<16xf32>
        %add3A_507 = arith.addf %mul3A_506, %get3A_77 : vector<16xf32>
        %mul3A_508 = arith.mulf %add3A_507, %mul3A_505 : vector<16xf32>
        %add3A_509 = arith.addf %mul3A_508, %get3A_72 : vector<16xf32>
        %mul3A_510 = arith.mulf %add3A_509, %mul3A_505 : vector<16xf32>
        %swap3A_511 = arith.index_cast %rem3A_152 : i32 to index
        %swap3A_512 = arith.index_cast %scan3A_197 : i32 to index
        %swap3A_513 = arith.constant 240 : index
        %swap3A_514 = tpu.vector_load %arg9[%swap3A_511, %swap3A_512, %swap3A_513] {strides = array<i32>} : memref<2x16x1024xf32, #tpu.memory_space<vmem>>, vector<1x1x16xf32>,
        %swap3A_515 = vector.shape_cast %swap3A_514 : vector<1x1x16xf32> to vector<16xf32>
        %swap3A_516 = vector.shape_cast %mul3A_510 : vector<16xf32> to vector<1x1x16xf32>
        tpu.vector_store %arg9[%swap3A_511, %swap3A_512, %swap3A_513], %swap3A_516 {strides = array<i32>} : memref<2x16x1024xf32, #tpu.memory_space<vmem>>, vector<1x1x16xf32>,
        %get3A_517 = arith.index_cast %rem3A_152 : i32 to index
        %get3A_518 = arith.index_cast %scan3A_197 : i32 to index
        %get3A_519 = arith.constant 256 : index
        %get3A_520 = tpu.vector_load %arg8[%get3A_517, %get3A_518, %get3A_519] {strides = array<i32>} : memref<2x16x1024xf32, #tpu.memory_space<vmem>>, vector<1x1x16xf32>,
        %get3A_521 = vector.shape_cast %get3A_520 : vector<1x1x16xf32> to vector<16xf32>
        %get3A_522 = arith.constant 256 : index
        %get3A_523 = tpu.vector_load %arg6[%get3A_522] {strides = array<i32>} : memref<1024xf32, #tpu.memory_space<vmem>>, vector<16xf32>,
        %get3A_524 = vector.shape_cast %get3A_523 : vector<16xf32> to vector<16xf32>
        %mul3A_525 = arith.mulf %get3A_521, %get3A_524 : vector<16xf32>
        %mul3A_526 = arith.mulf %mul3A_525, %get3A_82 : vector<16xf32>
        %add3A_527 = arith.addf %mul3A_526, %get3A_77 : vector<16xf32>
        %mul3A_528 = arith.mulf %add3A_527, %mul3A_525 : vector<16xf32>
        %add3A_529 = arith.addf %mul3A_528, %get3A_72 : vector<16xf32>
        %mul3A_530 = arith.mulf %add3A_529, %mul3A_525 : vector<16xf32>
        %swap3A_531 = arith.index_cast %rem3A_152 : i32 to index
        %swap3A_532 = arith.index_cast %scan3A_197 : i32 to index
        %swap3A_533 = arith.constant 256 : index
        %swap3A_534 = tpu.vector_load %arg9[%swap3A_531, %swap3A_532, %swap3A_533] {strides = array<i32>} : memref<2x16x1024xf32, #tpu.memory_space<vmem>>, vector<1x1x16xf32>,
        %swap3A_535 = vector.shape_cast %swap3A_534 : vector<1x1x16xf32> to vector<16xf32>
        %swap3A_536 = vector.shape_cast %mul3A_530 : vector<16xf32> to vector<1x1x16xf32>
        tpu.vector_store %arg9[%swap3A_531, %swap3A_532, %swap3A_533], %swap3A_536 {strides = array<i32>} : memref<2x16x1024xf32, #tpu.memory_space<vmem>>, vector<1x1x16xf32>,
        %get3A_537 = arith.index_cast %rem3A_152 : i32 to index
        %get3A_538 = arith.index_cast %scan3A_197 : i32 to index
        %get3A_539 = arith.constant 272 : index
        %get3A_540 = tpu.vector_load %arg8[%get3A_537, %get3A_538, %get3A_539] {strides = array<i32>} : memref<2x16x1024xf32, #tpu.memory_space<vmem>>, vector<1x1x16xf32>,
        %get3A_541 = vector.shape_cast %get3A_540 : vector<1x1x16xf32> to vector<16xf32>
        %get3A_542 = arith.constant 272 : index
        %get3A_543 = tpu.vector_load %arg6[%get3A_542] {strides = array<i32>} : memref<1024xf32, #tpu.memory_space<vmem>>, vector<16xf32>,
        %get3A_544 = vector.shape_cast %get3A_543 : vector<16xf32> to vector<16xf32>
        %mul3A_545 = arith.mulf %get3A_541, %get3A_544 : vector<16xf32>
        %mul3A_546 = arith.mulf %mul3A_545, %get3A_82 : vector<16xf32>
        %add3A_547 = arith.addf %mul3A_546, %get3A_77 : vector<16xf32>
        %mul3A_548 = arith.mulf %add3A_547, %mul3A_545 : vector<16xf32>
        %add3A_549 = arith.addf %mul3A_548, %get3A_72 : vector<16xf32>
        %mul3A_550 = arith.mulf %add3A_549, %mul3A_545 : vector<16xf32>
        %swap3A_551 = arith.index_cast %rem3A_152 : i32 to index
        %swap3A_552 = arith.index_cast %scan3A_197 : i32 to index
        %swap3A_553 = arith.constant 272 : index
        %swap3A_554 = tpu.vector_load %arg9[%swap3A_551, %swap3A_552, %swap3A_553] {strides = array<i32>} : memref<2x16x1024xf32, #tpu.memory_space<vmem>>, vector<1x1x16xf32>,
        %swap3A_555 = vector.shape_cast %swap3A_554 : vector<1x1x16xf32> to vector<16xf32>
        %swap3A_556 = vector.shape_cast %mul3A_550 : vector<16xf32> to vector<1x1x16xf32>
        tpu.vector_store %arg9[%swap3A_551, %swap3A_552, %swap3A_553], %swap3A_556 {strides = array<i32>} : memref<2x16x1024xf32, #tpu.memory_space<vmem>>, vector<1x1x16xf32>,
        %get3A_557 = arith.index_cast %rem3A_152 : i32 to index
        %get3A_558 = arith.index_cast %scan3A_197 : i32 to index
        %get3A_559 = arith.constant 288 : index
        %get3A_560 = tpu.vector_load %arg8[%get3A_557, %get3A_558, %get3A_559] {strides = array<i32>} : memref<2x16x1024xf32, #tpu.memory_space<vmem>>, vector<1x1x16xf32>,
        %get3A_561 = vector.shape_cast %get3A_560 : vector<1x1x16xf32> to vector<16xf32>
        %get3A_562 = arith.constant 288 : index
        %get3A_563 = tpu.vector_load %arg6[%get3A_562] {strides = array<i32>} : memref<1024xf32, #tpu.memory_space<vmem>>, vector<16xf32>,
        %get3A_564 = vector.shape_cast %get3A_563 : vector<16xf32> to vector<16xf32>
        %mul3A_565 = arith.mulf %get3A_561, %get3A_564 : vector<16xf32>
        %mul3A_566 = arith.mulf %mul3A_565, %get3A_82 : vector<16xf32>
        %add3A_567 = arith.addf %mul3A_566, %get3A_77 : vector<16xf32>
        %mul3A_568 = arith.mulf %add3A_567, %mul3A_565 : vector<16xf32>
        %add3A_569 = arith.addf %mul3A_568, %get3A_72 : vector<16xf32>
        %mul3A_570 = arith.mulf %add3A_569, %mul3A_565 : vector<16xf32>
        %swap3A_571 = arith.index_cast %rem3A_152 : i32 to index
        %swap3A_572 = arith.index_cast %scan3A_197 : i32 to index
        %swap3A_573 = arith.constant 288 : index
        %swap3A_574 = tpu.vector_load %arg9[%swap3A_571, %swap3A_572, %swap3A_573] {strides = array<i32>} : memref<2x16x1024xf32, #tpu.memory_space<vmem>>, vector<1x1x16xf32>,
        %swap3A_575 = vector.shape_cast %swap3A_574 : vector<1x1x16xf32> to vector<16xf32>
        %swap3A_576 = vector.shape_cast %mul3A_570 : vector<16xf32> to vector<1x1x16xf32>
        tpu.vector_store %arg9[%swap3A_571, %swap3A_572, %swap3A_573], %swap3A_576 {strides = array<i32>} : memref<2x16x1024xf32, #tpu.memory_space<vmem>>, vector<1x1x16xf32>,
        %get3A_577 = arith.index_cast %rem3A_152 : i32 to index
        %get3A_578 = arith.index_cast %scan3A_197 : i32 to index
        %get3A_579 = arith.constant 304 : index
        %get3A_580 = tpu.vector_load %arg8[%get3A_577, %get3A_578, %get3A_579] {strides = array<i32>} : memref<2x16x1024xf32, #tpu.memory_space<vmem>>, vector<1x1x16xf32>,
        %get3A_581 = vector.shape_cast %get3A_580 : vector<1x1x16xf32> to vector<16xf32>
        %get3A_582 = arith.constant 304 : index
        %get3A_583 = tpu.vector_load %arg6[%get3A_582] {strides = array<i32>} : memref<1024xf32, #tpu.memory_space<vmem>>, vector<16xf32>,
        %get3A_584 = vector.shape_cast %get3A_583 : vector<16xf32> to vector<16xf32>
        %mul3A_585 = arith.mulf %get3A_581, %get3A_584 : vector<16xf32>
        %mul3A_586 = arith.mulf %mul3A_585, %get3A_82 : vector<16xf32>
        %add3A_587 = arith.addf %mul3A_586, %get3A_77 : vector<16xf32>
        %mul3A_588 = arith.mulf %add3A_587, %mul3A_585 : vector<16xf32>
        %add3A_589 = arith.addf %mul3A_588, %get3A_72 : vector<16xf32>
        %mul3A_590 = arith.mulf %add3A_589, %mul3A_585 : vector<16xf32>
        %swap3A_591 = arith.index_cast %rem3A_152 : i32 to index
        %swap3A_592 = arith.index_cast %scan3A_197 : i32 to index
        %swap3A_593 = arith.constant 304 : index
        %swap3A_594 = tpu.vector_load %arg9[%swap3A_591, %swap3A_592, %swap3A_593] {strides = array<i32>} : memref<2x16x1024xf32, #tpu.memory_space<vmem>>, vector<1x1x16xf32>,
        %swap3A_595 = vector.shape_cast %swap3A_594 : vector<1x1x16xf32> to vector<16xf32>
        %swap3A_596 = vector.shape_cast %mul3A_590 : vector<16xf32> to vector<1x1x16xf32>
        tpu.vector_store %arg9[%swap3A_591, %swap3A_592, %swap3A_593], %swap3A_596 {strides = array<i32>} : memref<2x16x1024xf32, #tpu.memory_space<vmem>>, vector<1x1x16xf32>,
        %get3A_597 = arith.index_cast %rem3A_152 : i32 to index
        %get3A_598 = arith.index_cast %scan3A_197 : i32 to index
        %get3A_599 = arith.constant 320 : index
        %get3A_600 = tpu.vector_load %arg8[%get3A_597, %get3A_598, %get3A_599] {strides = array<i32>} : memref<2x16x1024xf32, #tpu.memory_space<vmem>>, vector<1x1x16xf32>,
        %get3A_601 = vector.shape_cast %get3A_600 : vector<1x1x16xf32> to vector<16xf32>
        %get3A_602 = arith.constant 320 : index
        %get3A_603 = tpu.vector_load %arg6[%get3A_602] {strides = array<i32>} : memref<1024xf32, #tpu.memory_space<vmem>>, vector<16xf32>,
        %get3A_604 = vector.shape_cast %get3A_603 : vector<16xf32> to vector<16xf32>
        %mul3A_605 = arith.mulf %get3A_601, %get3A_604 : vector<16xf32>
        %mul3A_606 = arith.mulf %mul3A_605, %get3A_82 : vector<16xf32>
        %add3A_607 = arith.addf %mul3A_606, %get3A_77 : vector<16xf32>
        %mul3A_608 = arith.mulf %add3A_607, %mul3A_605 : vector<16xf32>
        %add3A_609 = arith.addf %mul3A_608, %get3A_72 : vector<16xf32>
        %mul3A_610 = arith.mulf %add3A_609, %mul3A_605 : vector<16xf32>
        %swap3A_611 = arith.index_cast %rem3A_152 : i32 to index
        %swap3A_612 = arith.index_cast %scan3A_197 : i32 to index
        %swap3A_613 = arith.constant 320 : index
        %swap3A_614 = tpu.vector_load %arg9[%swap3A_611, %swap3A_612, %swap3A_613] {strides = array<i32>} : memref<2x16x1024xf32, #tpu.memory_space<vmem>>, vector<1x1x16xf32>,
        %swap3A_615 = vector.shape_cast %swap3A_614 : vector<1x1x16xf32> to vector<16xf32>
        %swap3A_616 = vector.shape_cast %mul3A_610 : vector<16xf32> to vector<1x1x16xf32>
        tpu.vector_store %arg9[%swap3A_611, %swap3A_612, %swap3A_613], %swap3A_616 {strides = array<i32>} : memref<2x16x1024xf32, #tpu.memory_space<vmem>>, vector<1x1x16xf32>,
        %get3A_617 = arith.index_cast %rem3A_152 : i32 to index
        %get3A_618 = arith.index_cast %scan3A_197 : i32 to index
        %get3A_619 = arith.constant 336 : index
        %get3A_620 = tpu.vector_load %arg8[%get3A_617, %get3A_618, %get3A_619] {strides = array<i32>} : memref<2x16x1024xf32, #tpu.memory_space<vmem>>, vector<1x1x16xf32>,
        %get3A_621 = vector.shape_cast %get3A_620 : vector<1x1x16xf32> to vector<16xf32>
        %get3A_622 = arith.constant 336 : index
        %get3A_623 = tpu.vector_load %arg6[%get3A_622] {strides = array<i32>} : memref<1024xf32, #tpu.memory_space<vmem>>, vector<16xf32>,
        %get3A_624 = vector.shape_cast %get3A_623 : vector<16xf32> to vector<16xf32>
        %mul3A_625 = arith.mulf %get3A_621, %get3A_624 : vector<16xf32>
        %mul3A_626 = arith.mulf %mul3A_625, %get3A_82 : vector<16xf32>
        %add3A_627 = arith.addf %mul3A_626, %get3A_77 : vector<16xf32>
        %mul3A_628 = arith.mulf %add3A_627, %mul3A_625 : vector<16xf32>
        %add3A_629 = arith.addf %mul3A_628, %get3A_72 : vector<16xf32>
        %mul3A_630 = arith.mulf %add3A_629, %mul3A_625 : vector<16xf32>
        %swap3A_631 = arith.index_cast %rem3A_152 : i32 to index
        %swap3A_632 = arith.index_cast %scan3A_197 : i32 to index
        %swap3A_633 = arith.constant 336 : index
        %swap3A_634 = tpu.vector_load %arg9[%swap3A_631, %swap3A_632, %swap3A_633] {strides = array<i32>} : memref<2x16x1024xf32, #tpu.memory_space<vmem>>, vector<1x1x16xf32>,
        %swap3A_635 = vector.shape_cast %swap3A_634 : vector<1x1x16xf32> to vector<16xf32>
        %swap3A_636 = vector.shape_cast %mul3A_630 : vector<16xf32> to vector<1x1x16xf32>
        tpu.vector_store %arg9[%swap3A_631, %swap3A_632, %swap3A_633], %swap3A_636 {strides = array<i32>} : memref<2x16x1024xf32, #tpu.memory_space<vmem>>, vector<1x1x16xf32>,
        %get3A_637 = arith.index_cast %rem3A_152 : i32 to index
        %get3A_638 = arith.index_cast %scan3A_197 : i32 to index
        %get3A_639 = arith.constant 352 : index
        %get3A_640 = tpu.vector_load %arg8[%get3A_637, %get3A_638, %get3A_639] {strides = array<i32>} : memref<2x16x1024xf32, #tpu.memory_space<vmem>>, vector<1x1x16xf32>,
        %get3A_641 = vector.shape_cast %get3A_640 : vector<1x1x16xf32> to vector<16xf32>
        %get3A_642 = arith.constant 352 : index
        %get3A_643 = tpu.vector_load %arg6[%get3A_642] {strides = array<i32>} : memref<1024xf32, #tpu.memory_space<vmem>>, vector<16xf32>,
        %get3A_644 = vector.shape_cast %get3A_643 : vector<16xf32> to vector<16xf32>
        %mul3A_645 = arith.mulf %get3A_641, %get3A_644 : vector<16xf32>
        %mul3A_646 = arith.mulf %mul3A_645, %get3A_82 : vector<16xf32>
        %add3A_647 = arith.addf %mul3A_646, %get3A_77 : vector<16xf32>
        %mul3A_648 = arith.mulf %add3A_647, %mul3A_645 : vector<16xf32>
        %add3A_649 = arith.addf %mul3A_648, %get3A_72 : vector<16xf32>
        %mul3A_650 = arith.mulf %add3A_649, %mul3A_645 : vector<16xf32>
        %swap3A_651 = arith.index_cast %rem3A_152 : i32 to index
        %swap3A_652 = arith.index_cast %scan3A_197 : i32 to index
        %swap3A_653 = arith.constant 352 : index
        %swap3A_654 = tpu.vector_load %arg9[%swap3A_651, %swap3A_652, %swap3A_653] {strides = array<i32>} : memref<2x16x1024xf32, #tpu.memory_space<vmem>>, vector<1x1x16xf32>,
        %swap3A_655 = vector.shape_cast %swap3A_654 : vector<1x1x16xf32> to vector<16xf32>
        %swap3A_656 = vector.shape_cast %mul3A_650 : vector<16xf32> to vector<1x1x16xf32>
        tpu.vector_store %arg9[%swap3A_651, %swap3A_652, %swap3A_653], %swap3A_656 {strides = array<i32>} : memref<2x16x1024xf32, #tpu.memory_space<vmem>>, vector<1x1x16xf32>,
        %get3A_657 = arith.index_cast %rem3A_152 : i32 to index
        %get3A_658 = arith.index_cast %scan3A_197 : i32 to index
        %get3A_659 = arith.constant 368 : index
        %get3A_660 = tpu.vector_load %arg8[%get3A_657, %get3A_658, %get3A_659] {strides = array<i32>} : memref<2x16x1024xf32, #tpu.memory_space<vmem>>, vector<1x1x16xf32>,
        %get3A_661 = vector.shape_cast %get3A_660 : vector<1x1x16xf32> to vector<16xf32>
        %get3A_662 = arith.constant 368 : index
        %get3A_663 = tpu.vector_load %arg6[%get3A_662] {strides = array<i32>} : memref<1024xf32, #tpu.memory_space<vmem>>, vector<16xf32>,
        %get3A_664 = vector.shape_cast %get3A_663 : vector<16xf32> to vector<16xf32>
        %mul3A_665 = arith.mulf %get3A_661, %get3A_664 : vector<16xf32>
        %mul3A_666 = arith.mulf %mul3A_665, %get3A_82 : vector<16xf32>
        %add3A_667 = arith.addf %mul3A_666, %get3A_77 : vector<16xf32>
        %mul3A_668 = arith.mulf %add3A_667, %mul3A_665 : vector<16xf32>
        %add3A_669 = arith.addf %mul3A_668, %get3A_72 : vector<16xf32>
        %mul3A_670 = arith.mulf %add3A_669, %mul3A_665 : vector<16xf32>
        %swap3A_671 = arith.index_cast %rem3A_152 : i32 to index
        %swap3A_672 = arith.index_cast %scan3A_197 : i32 to index
        %swap3A_673 = arith.constant 368 : index
        %swap3A_674 = tpu.vector_load %arg9[%swap3A_671, %swap3A_672, %swap3A_673] {strides = array<i32>} : memref<2x16x1024xf32, #tpu.memory_space<vmem>>, vector<1x1x16xf32>,
        %swap3A_675 = vector.shape_cast %swap3A_674 : vector<1x1x16xf32> to vector<16xf32>
        %swap3A_676 = vector.shape_cast %mul3A_670 : vector<16xf32> to vector<1x1x16xf32>
        tpu.vector_store %arg9[%swap3A_671, %swap3A_672, %swap3A_673], %swap3A_676 {strides = array<i32>} : memref<2x16x1024xf32, #tpu.memory_space<vmem>>, vector<1x1x16xf32>,
        %get3A_677 = arith.index_cast %rem3A_152 : i32 to index
        %get3A_678 = arith.index_cast %scan3A_197 : i32 to index
        %get3A_679 = arith.constant 384 : index
        %get3A_680 = tpu.vector_load %arg8[%get3A_677, %get3A_678, %get3A_679] {strides = array<i32>} : memref<2x16x1024xf32, #tpu.memory_space<vmem>>, vector<1x1x16xf32>,
        %get3A_681 = vector.shape_cast %get3A_680 : vector<1x1x16xf32> to vector<16xf32>
        %get3A_682 = arith.constant 384 : index
        %get3A_683 = tpu.vector_load %arg6[%get3A_682] {strides = array<i32>} : memref<1024xf32, #tpu.memory_space<vmem>>, vector<16xf32>,
        %get3A_684 = vector.shape_cast %get3A_683 : vector<16xf32> to vector<16xf32>
        %mul3A_685 = arith.mulf %get3A_681, %get3A_684 : vector<16xf32>
        %mul3A_686 = arith.mulf %mul3A_685, %get3A_82 : vector<16xf32>
        %add3A_687 = arith.addf %mul3A_686, %get3A_77 : vector<16xf32>
        %mul3A_688 = arith.mulf %add3A_687, %mul3A_685 : vector<16xf32>
        %add3A_689 = arith.addf %mul3A_688, %get3A_72 : vector<16xf32>
        %mul3A_690 = arith.mulf %add3A_689, %mul3A_685 : vector<16xf32>
        %swap3A_691 = arith.index_cast %rem3A_152 : i32 to index
        %swap3A_692 = arith.index_cast %scan3A_197 : i32 to index
        %swap3A_693 = arith.constant 384 : index
        %swap3A_694 = tpu.vector_load %arg9[%swap3A_691, %swap3A_692, %swap3A_693] {strides = array<i32>} : memref<2x16x1024xf32, #tpu.memory_space<vmem>>, vector<1x1x16xf32>,
        %swap3A_695 = vector.shape_cast %swap3A_694 : vector<1x1x16xf32> to vector<16xf32>
        %swap3A_696 = vector.shape_cast %mul3A_690 : vector<16xf32> to vector<1x1x16xf32>
        tpu.vector_store %arg9[%swap3A_691, %swap3A_692, %swap3A_693], %swap3A_696 {strides = array<i32>} : memref<2x16x1024xf32, #tpu.memory_space<vmem>>, vector<1x1x16xf32>,
        %get3A_697 = arith.index_cast %rem3A_152 : i32 to index
        %get3A_698 = arith.index_cast %scan3A_197 : i32 to index
        %get3A_699 = arith.constant 400 : index
        %get3A_700 = tpu.vector_load %arg8[%get3A_697, %get3A_698, %get3A_699] {strides = array<i32>} : memref<2x16x1024xf32, #tpu.memory_space<vmem>>, vector<1x1x16xf32>,
        %get3A_701 = vector.shape_cast %get3A_700 : vector<1x1x16xf32> to vector<16xf32>
        %get3A_702 = arith.constant 400 : index
        %get3A_703 = tpu.vector_load %arg6[%get3A_702] {strides = array<i32>} : memref<1024xf32, #tpu.memory_space<vmem>>, vector<16xf32>,
        %get3A_704 = vector.shape_cast %get3A_703 : vector<16xf32> to vector<16xf32>
        %mul3A_705 = arith.mulf %get3A_701, %get3A_704 : vector<16xf32>
        %mul3A_706 = arith.mulf %mul3A_705, %get3A_82 : vector<16xf32>
        %add3A_707 = arith.addf %mul3A_706, %get3A_77 : vector<16xf32>
        %mul3A_708 = arith.mulf %add3A_707, %mul3A_705 : vector<16xf32>
        %add3A_709 = arith.addf %mul3A_708, %get3A_72 : vector<16xf32>
        %mul3A_710 = arith.mulf %add3A_709, %mul3A_705 : vector<16xf32>
        %swap3A_711 = arith.index_cast %rem3A_152 : i32 to index
        %swap3A_712 = arith.index_cast %scan3A_197 : i32 to index
        %swap3A_713 = arith.constant 400 : index
        %swap3A_714 = tpu.vector_load %arg9[%swap3A_711, %swap3A_712, %swap3A_713] {strides = array<i32>} : memref<2x16x1024xf32, #tpu.memory_space<vmem>>, vector<1x1x16xf32>,
        %swap3A_715 = vector.shape_cast %swap3A_714 : vector<1x1x16xf32> to vector<16xf32>
        %swap3A_716 = vector.shape_cast %mul3A_710 : vector<16xf32> to vector<1x1x16xf32>
        tpu.vector_store %arg9[%swap3A_711, %swap3A_712, %swap3A_713], %swap3A_716 {strides = array<i32>} : memref<2x16x1024xf32, #tpu.memory_space<vmem>>, vector<1x1x16xf32>,
        %get3A_717 = arith.index_cast %rem3A_152 : i32 to index
        %get3A_718 = arith.index_cast %scan3A_197 : i32 to index
        %get3A_719 = arith.constant 416 : index
        %get3A_720 = tpu.vector_load %arg8[%get3A_717, %get3A_718, %get3A_719] {strides = array<i32>} : memref<2x16x1024xf32, #tpu.memory_space<vmem>>, vector<1x1x16xf32>,
        %get3A_721 = vector.shape_cast %get3A_720 : vector<1x1x16xf32> to vector<16xf32>
        %get3A_722 = arith.constant 416 : index
        %get3A_723 = tpu.vector_load %arg6[%get3A_722] {strides = array<i32>} : memref<1024xf32, #tpu.memory_space<vmem>>, vector<16xf32>,
        %get3A_724 = vector.shape_cast %get3A_723 : vector<16xf32> to vector<16xf32>
        %mul3A_725 = arith.mulf %get3A_721, %get3A_724 : vector<16xf32>
        %mul3A_726 = arith.mulf %mul3A_725, %get3A_82 : vector<16xf32>
        %add3A_727 = arith.addf %mul3A_726, %get3A_77 : vector<16xf32>
        %mul3A_728 = arith.mulf %add3A_727, %mul3A_725 : vector<16xf32>
        %add3A_729 = arith.addf %mul3A_728, %get3A_72 : vector<16xf32>
        %mul3A_730 = arith.mulf %add3A_729, %mul3A_725 : vector<16xf32>
        %swap3A_731 = arith.index_cast %rem3A_152 : i32 to index
        %swap3A_732 = arith.index_cast %scan3A_197 : i32 to index
        %swap3A_733 = arith.constant 416 : index
        %swap3A_734 = tpu.vector_load %arg9[%swap3A_731, %swap3A_732, %swap3A_733] {strides = array<i32>} : memref<2x16x1024xf32, #tpu.memory_space<vmem>>, vector<1x1x16xf32>,
        %swap3A_735 = vector.shape_cast %swap3A_734 : vector<1x1x16xf32> to vector<16xf32>
        %swap3A_736 = vector.shape_cast %mul3A_730 : vector<16xf32> to vector<1x1x16xf32>
        tpu.vector_store %arg9[%swap3A_731, %swap3A_732, %swap3A_733], %swap3A_736 {strides = array<i32>} : memref<2x16x1024xf32, #tpu.memory_space<vmem>>, vector<1x1x16xf32>,
        %get3A_737 = arith.index_cast %rem3A_152 : i32 to index
        %get3A_738 = arith.index_cast %scan3A_197 : i32 to index
        %get3A_739 = arith.constant 432 : index
        %get3A_740 = tpu.vector_load %arg8[%get3A_737, %get3A_738, %get3A_739] {strides = array<i32>} : memref<2x16x1024xf32, #tpu.memory_space<vmem>>, vector<1x1x16xf32>,
        %get3A_741 = vector.shape_cast %get3A_740 : vector<1x1x16xf32> to vector<16xf32>
        %get3A_742 = arith.constant 432 : index
        %get3A_743 = tpu.vector_load %arg6[%get3A_742] {strides = array<i32>} : memref<1024xf32, #tpu.memory_space<vmem>>, vector<16xf32>,
        %get3A_744 = vector.shape_cast %get3A_743 : vector<16xf32> to vector<16xf32>
        %mul3A_745 = arith.mulf %get3A_741, %get3A_744 : vector<16xf32>
        %mul3A_746 = arith.mulf %mul3A_745, %get3A_82 : vector<16xf32>
        %add3A_747 = arith.addf %mul3A_746, %get3A_77 : vector<16xf32>
        %mul3A_748 = arith.mulf %add3A_747, %mul3A_745 : vector<16xf32>
        %add3A_749 = arith.addf %mul3A_748, %get3A_72 : vector<16xf32>
        %mul3A_750 = arith.mulf %add3A_749, %mul3A_745 : vector<16xf32>
        %swap3A_751 = arith.index_cast %rem3A_152 : i32 to index
        %swap3A_752 = arith.index_cast %scan3A_197 : i32 to index
        %swap3A_753 = arith.constant 432 : index
        %swap3A_754 = tpu.vector_load %arg9[%swap3A_751, %swap3A_752, %swap3A_753] {strides = array<i32>} : memref<2x16x1024xf32, #tpu.memory_space<vmem>>, vector<1x1x16xf32>,
        %swap3A_755 = vector.shape_cast %swap3A_754 : vector<1x1x16xf32> to vector<16xf32>
        %swap3A_756 = vector.shape_cast %mul3A_750 : vector<16xf32> to vector<1x1x16xf32>
        tpu.vector_store %arg9[%swap3A_751, %swap3A_752, %swap3A_753], %swap3A_756 {strides = array<i32>} : memref<2x16x1024xf32, #tpu.memory_space<vmem>>, vector<1x1x16xf32>,
        %get3A_757 = arith.index_cast %rem3A_152 : i32 to index
        %get3A_758 = arith.index_cast %scan3A_197 : i32 to index
        %get3A_759 = arith.constant 448 : index
        %get3A_760 = tpu.vector_load %arg8[%get3A_757, %get3A_758, %get3A_759] {strides = array<i32>} : memref<2x16x1024xf32, #tpu.memory_space<vmem>>, vector<1x1x16xf32>,
        %get3A_761 = vector.shape_cast %get3A_760 : vector<1x1x16xf32> to vector<16xf32>
        %get3A_762 = arith.constant 448 : index
        %get3A_763 = tpu.vector_load %arg6[%get3A_762] {strides = array<i32>} : memref<1024xf32, #tpu.memory_space<vmem>>, vector<16xf32>,
        %get3A_764 = vector.shape_cast %get3A_763 : vector<16xf32> to vector<16xf32>
        %mul3A_765 = arith.mulf %get3A_761, %get3A_764 : vector<16xf32>
        %mul3A_766 = arith.mulf %mul3A_765, %get3A_82 : vector<16xf32>
        %add3A_767 = arith.addf %mul3A_766, %get3A_77 : vector<16xf32>
        %mul3A_768 = arith.mulf %add3A_767, %mul3A_765 : vector<16xf32>
        %add3A_769 = arith.addf %mul3A_768, %get3A_72 : vector<16xf32>
        %mul3A_770 = arith.mulf %add3A_769, %mul3A_765 : vector<16xf32>
        %swap3A_771 = arith.index_cast %rem3A_152 : i32 to index
        %swap3A_772 = arith.index_cast %scan3A_197 : i32 to index
        %swap3A_773 = arith.constant 448 : index
        %swap3A_774 = tpu.vector_load %arg9[%swap3A_771, %swap3A_772, %swap3A_773] {strides = array<i32>} : memref<2x16x1024xf32, #tpu.memory_space<vmem>>, vector<1x1x16xf32>,
        %swap3A_775 = vector.shape_cast %swap3A_774 : vector<1x1x16xf32> to vector<16xf32>
        %swap3A_776 = vector.shape_cast %mul3A_770 : vector<16xf32> to vector<1x1x16xf32>
        tpu.vector_store %arg9[%swap3A_771, %swap3A_772, %swap3A_773], %swap3A_776 {strides = array<i32>} : memref<2x16x1024xf32, #tpu.memory_space<vmem>>, vector<1x1x16xf32>,
        %get3A_777 = arith.index_cast %rem3A_152 : i32 to index
        %get3A_778 = arith.index_cast %scan3A_197 : i32 to index
        %get3A_779 = arith.constant 464 : index
        %get3A_780 = tpu.vector_load %arg8[%get3A_777, %get3A_778, %get3A_779] {strides = array<i32>} : memref<2x16x1024xf32, #tpu.memory_space<vmem>>, vector<1x1x16xf32>,
        %get3A_781 = vector.shape_cast %get3A_780 : vector<1x1x16xf32> to vector<16xf32>
        %get3A_782 = arith.constant 464 : index
        %get3A_783 = tpu.vector_load %arg6[%get3A_782] {strides = array<i32>} : memref<1024xf32, #tpu.memory_space<vmem>>, vector<16xf32>,
        %get3A_784 = vector.shape_cast %get3A_783 : vector<16xf32> to vector<16xf32>
        %mul3A_785 = arith.mulf %get3A_781, %get3A_784 : vector<16xf32>
        %mul3A_786 = arith.mulf %mul3A_785, %get3A_82 : vector<16xf32>
        %add3A_787 = arith.addf %mul3A_786, %get3A_77 : vector<16xf32>
        %mul3A_788 = arith.mulf %add3A_787, %mul3A_785 : vector<16xf32>
        %add3A_789 = arith.addf %mul3A_788, %get3A_72 : vector<16xf32>
        %mul3A_790 = arith.mulf %add3A_789, %mul3A_785 : vector<16xf32>
        %swap3A_791 = arith.index_cast %rem3A_152 : i32 to index
        %swap3A_792 = arith.index_cast %scan3A_197 : i32 to index
        %swap3A_793 = arith.constant 464 : index
        %swap3A_794 = tpu.vector_load %arg9[%swap3A_791, %swap3A_792, %swap3A_793] {strides = array<i32>} : memref<2x16x1024xf32, #tpu.memory_space<vmem>>, vector<1x1x16xf32>,
        %swap3A_795 = vector.shape_cast %swap3A_794 : vector<1x1x16xf32> to vector<16xf32>
        %swap3A_796 = vector.shape_cast %mul3A_790 : vector<16xf32> to vector<1x1x16xf32>
        tpu.vector_store %arg9[%swap3A_791, %swap3A_792, %swap3A_793], %swap3A_796 {strides = array<i32>} : memref<2x16x1024xf32, #tpu.memory_space<vmem>>, vector<1x1x16xf32>,
        %get3A_797 = arith.index_cast %rem3A_152 : i32 to index
        %get3A_798 = arith.index_cast %scan3A_197 : i32 to index
        %get3A_799 = arith.constant 480 : index
        %get3A_800 = tpu.vector_load %arg8[%get3A_797, %get3A_798, %get3A_799] {strides = array<i32>} : memref<2x16x1024xf32, #tpu.memory_space<vmem>>, vector<1x1x16xf32>,
        %get3A_801 = vector.shape_cast %get3A_800 : vector<1x1x16xf32> to vector<16xf32>
        %get3A_802 = arith.constant 480 : index
        %get3A_803 = tpu.vector_load %arg6[%get3A_802] {strides = array<i32>} : memref<1024xf32, #tpu.memory_space<vmem>>, vector<16xf32>,
        %get3A_804 = vector.shape_cast %get3A_803 : vector<16xf32> to vector<16xf32>
        %mul3A_805 = arith.mulf %get3A_801, %get3A_804 : vector<16xf32>
        %mul3A_806 = arith.mulf %mul3A_805, %get3A_82 : vector<16xf32>
        %add3A_807 = arith.addf %mul3A_806, %get3A_77 : vector<16xf32>
        %mul3A_808 = arith.mulf %add3A_807, %mul3A_805 : vector<16xf32>
        %add3A_809 = arith.addf %mul3A_808, %get3A_72 : vector<16xf32>
        %mul3A_810 = arith.mulf %add3A_809, %mul3A_805 : vector<16xf32>
        %swap3A_811 = arith.index_cast %rem3A_152 : i32 to index
        %swap3A_812 = arith.index_cast %scan3A_197 : i32 to index
        %swap3A_813 = arith.constant 480 : index
        %swap3A_814 = tpu.vector_load %arg9[%swap3A_811, %swap3A_812, %swap3A_813] {strides = array<i32>} : memref<2x16x1024xf32, #tpu.memory_space<vmem>>, vector<1x1x16xf32>,
        %swap3A_815 = vector.shape_cast %swap3A_814 : vector<1x1x16xf32> to vector<16xf32>
        %swap3A_816 = vector.shape_cast %mul3A_810 : vector<16xf32> to vector<1x1x16xf32>
        tpu.vector_store %arg9[%swap3A_811, %swap3A_812, %swap3A_813], %swap3A_816 {strides = array<i32>} : memref<2x16x1024xf32, #tpu.memory_space<vmem>>, vector<1x1x16xf32>,
        %get3A_817 = arith.index_cast %rem3A_152 : i32 to index
        %get3A_818 = arith.index_cast %scan3A_197 : i32 to index
        %get3A_819 = arith.constant 496 : index
        %get3A_820 = tpu.vector_load %arg8[%get3A_817, %get3A_818, %get3A_819] {strides = array<i32>} : memref<2x16x1024xf32, #tpu.memory_space<vmem>>, vector<1x1x16xf32>,
        %get3A_821 = vector.shape_cast %get3A_820 : vector<1x1x16xf32> to vector<16xf32>
        %get3A_822 = arith.constant 496 : index
        %get3A_823 = tpu.vector_load %arg6[%get3A_822] {strides = array<i32>} : memref<1024xf32, #tpu.memory_space<vmem>>, vector<16xf32>,
        %get3A_824 = vector.shape_cast %get3A_823 : vector<16xf32> to vector<16xf32>
        %mul3A_825 = arith.mulf %get3A_821, %get3A_824 : vector<16xf32>
        %mul3A_826 = arith.mulf %mul3A_825, %get3A_82 : vector<16xf32>
        %add3A_827 = arith.addf %mul3A_826, %get3A_77 : vector<16xf32>
        %mul3A_828 = arith.mulf %add3A_827, %mul3A_825 : vector<16xf32>
        %add3A_829 = arith.addf %mul3A_828, %get3A_72 : vector<16xf32>
        %mul3A_830 = arith.mulf %add3A_829, %mul3A_825 : vector<16xf32>
        %swap3A_831 = arith.index_cast %rem3A_152 : i32 to index
        %swap3A_832 = arith.index_cast %scan3A_197 : i32 to index
        %swap3A_833 = arith.constant 496 : index
        %swap3A_834 = tpu.vector_load %arg9[%swap3A_831, %swap3A_832, %swap3A_833] {strides = array<i32>} : memref<2x16x1024xf32, #tpu.memory_space<vmem>>, vector<1x1x16xf32>,
        %swap3A_835 = vector.shape_cast %swap3A_834 : vector<1x1x16xf32> to vector<16xf32>
        %swap3A_836 = vector.shape_cast %mul3A_830 : vector<16xf32> to vector<1x1x16xf32>
        tpu.vector_store %arg9[%swap3A_831, %swap3A_832, %swap3A_833], %swap3A_836 {strides = array<i32>} : memref<2x16x1024xf32, #tpu.memory_space<vmem>>, vector<1x1x16xf32>,
        %get3A_837 = arith.index_cast %rem3A_152 : i32 to index
        %get3A_838 = arith.index_cast %scan3A_197 : i32 to index
        %get3A_839 = arith.constant 512 : index
        %get3A_840 = tpu.vector_load %arg8[%get3A_837, %get3A_838, %get3A_839] {strides = array<i32>} : memref<2x16x1024xf32, #tpu.memory_space<vmem>>, vector<1x1x16xf32>,
        %get3A_841 = vector.shape_cast %get3A_840 : vector<1x1x16xf32> to vector<16xf32>
        %get3A_842 = arith.constant 512 : index
        %get3A_843 = tpu.vector_load %arg6[%get3A_842] {strides = array<i32>} : memref<1024xf32, #tpu.memory_space<vmem>>, vector<16xf32>,
        %get3A_844 = vector.shape_cast %get3A_843 : vector<16xf32> to vector<16xf32>
        %mul3A_845 = arith.mulf %get3A_841, %get3A_844 : vector<16xf32>
        %mul3A_846 = arith.mulf %mul3A_845, %get3A_82 : vector<16xf32>
        %add3A_847 = arith.addf %mul3A_846, %get3A_77 : vector<16xf32>
        %mul3A_848 = arith.mulf %add3A_847, %mul3A_845 : vector<16xf32>
        %add3A_849 = arith.addf %mul3A_848, %get3A_72 : vector<16xf32>
        %mul3A_850 = arith.mulf %add3A_849, %mul3A_845 : vector<16xf32>
        %swap3A_851 = arith.index_cast %rem3A_152 : i32 to index
        %swap3A_852 = arith.index_cast %scan3A_197 : i32 to index
        %swap3A_853 = arith.constant 512 : index
        %swap3A_854 = tpu.vector_load %arg9[%swap3A_851, %swap3A_852, %swap3A_853] {strides = array<i32>} : memref<2x16x1024xf32, #tpu.memory_space<vmem>>, vector<1x1x16xf32>,
        %swap3A_855 = vector.shape_cast %swap3A_854 : vector<1x1x16xf32> to vector<16xf32>
        %swap3A_856 = vector.shape_cast %mul3A_850 : vector<16xf32> to vector<1x1x16xf32>
        tpu.vector_store %arg9[%swap3A_851, %swap3A_852, %swap3A_853], %swap3A_856 {strides = array<i32>} : memref<2x16x1024xf32, #tpu.memory_space<vmem>>, vector<1x1x16xf32>,
        %get3A_857 = arith.index_cast %rem3A_152 : i32 to index
        %get3A_858 = arith.index_cast %scan3A_197 : i32 to index
        %get3A_859 = arith.constant 528 : index
        %get3A_860 = tpu.vector_load %arg8[%get3A_857, %get3A_858, %get3A_859] {strides = array<i32>} : memref<2x16x1024xf32, #tpu.memory_space<vmem>>, vector<1x1x16xf32>,
        %get3A_861 = vector.shape_cast %get3A_860 : vector<1x1x16xf32> to vector<16xf32>
        %get3A_862 = arith.constant 528 : index
        %get3A_863 = tpu.vector_load %arg6[%get3A_862] {strides = array<i32>} : memref<1024xf32, #tpu.memory_space<vmem>>, vector<16xf32>,
        %get3A_864 = vector.shape_cast %get3A_863 : vector<16xf32> to vector<16xf32>
        %mul3A_865 = arith.mulf %get3A_861, %get3A_864 : vector<16xf32>
        %mul3A_866 = arith.mulf %mul3A_865, %get3A_82 : vector<16xf32>
        %add3A_867 = arith.addf %mul3A_866, %get3A_77 : vector<16xf32>
        %mul3A_868 = arith.mulf %add3A_867, %mul3A_865 : vector<16xf32>
        %add3A_869 = arith.addf %mul3A_868, %get3A_72 : vector<16xf32>
        %mul3A_870 = arith.mulf %add3A_869, %mul3A_865 : vector<16xf32>
        %swap3A_871 = arith.index_cast %rem3A_152 : i32 to index
        %swap3A_872 = arith.index_cast %scan3A_197 : i32 to index
        %swap3A_873 = arith.constant 528 : index
        %swap3A_874 = tpu.vector_load %arg9[%swap3A_871, %swap3A_872, %swap3A_873] {strides = array<i32>} : memref<2x16x1024xf32, #tpu.memory_space<vmem>>, vector<1x1x16xf32>,
        %swap3A_875 = vector.shape_cast %swap3A_874 : vector<1x1x16xf32> to vector<16xf32>
        %swap3A_876 = vector.shape_cast %mul3A_870 : vector<16xf32> to vector<1x1x16xf32>
        tpu.vector_store %arg9[%swap3A_871, %swap3A_872, %swap3A_873], %swap3A_876 {strides = array<i32>} : memref<2x16x1024xf32, #tpu.memory_space<vmem>>, vector<1x1x16xf32>,
        %get3A_877 = arith.index_cast %rem3A_152 : i32 to index
        %get3A_878 = arith.index_cast %scan3A_197 : i32 to index
        %get3A_879 = arith.constant 544 : index
        %get3A_880 = tpu.vector_load %arg8[%get3A_877, %get3A_878, %get3A_879] {strides = array<i32>} : memref<2x16x1024xf32, #tpu.memory_space<vmem>>, vector<1x1x16xf32>,
        %get3A_881 = vector.shape_cast %get3A_880 : vector<1x1x16xf32> to vector<16xf32>
        %get3A_882 = arith.constant 544 : index
        %get3A_883 = tpu.vector_load %arg6[%get3A_882] {strides = array<i32>} : memref<1024xf32, #tpu.memory_space<vmem>>, vector<16xf32>,
        %get3A_884 = vector.shape_cast %get3A_883 : vector<16xf32> to vector<16xf32>
        %mul3A_885 = arith.mulf %get3A_881, %get3A_884 : vector<16xf32>
        %mul3A_886 = arith.mulf %mul3A_885, %get3A_82 : vector<16xf32>
        %add3A_887 = arith.addf %mul3A_886, %get3A_77 : vector<16xf32>
        %mul3A_888 = arith.mulf %add3A_887, %mul3A_885 : vector<16xf32>
        %add3A_889 = arith.addf %mul3A_888, %get3A_72 : vector<16xf32>
        %mul3A_890 = arith.mulf %add3A_889, %mul3A_885 : vector<16xf32>
        %swap3A_891 = arith.index_cast %rem3A_152 : i32 to index
        %swap3A_892 = arith.index_cast %scan3A_197 : i32 to index
        %swap3A_893 = arith.constant 544 : index
        %swap3A_894 = tpu.vector_load %arg9[%swap3A_891, %swap3A_892, %swap3A_893] {strides = array<i32>} : memref<2x16x1024xf32, #tpu.memory_space<vmem>>, vector<1x1x16xf32>,
        %swap3A_895 = vector.shape_cast %swap3A_894 : vector<1x1x16xf32> to vector<16xf32>
        %swap3A_896 = vector.shape_cast %mul3A_890 : vector<16xf32> to vector<1x1x16xf32>
        tpu.vector_store %arg9[%swap3A_891, %swap3A_892, %swap3A_893], %swap3A_896 {strides = array<i32>} : memref<2x16x1024xf32, #tpu.memory_space<vmem>>, vector<1x1x16xf32>,
        %get3A_897 = arith.index_cast %rem3A_152 : i32 to index
        %get3A_898 = arith.index_cast %scan3A_197 : i32 to index
        %get3A_899 = arith.constant 560 : index
        %get3A_900 = tpu.vector_load %arg8[%get3A_897, %get3A_898, %get3A_899] {strides = array<i32>} : memref<2x16x1024xf32, #tpu.memory_space<vmem>>, vector<1x1x16xf32>,
        %get3A_901 = vector.shape_cast %get3A_900 : vector<1x1x16xf32> to vector<16xf32>
        %get3A_902 = arith.constant 560 : index
        %get3A_903 = tpu.vector_load %arg6[%get3A_902] {strides = array<i32>} : memref<1024xf32, #tpu.memory_space<vmem>>, vector<16xf32>,
        %get3A_904 = vector.shape_cast %get3A_903 : vector<16xf32> to vector<16xf32>
        %mul3A_905 = arith.mulf %get3A_901, %get3A_904 : vector<16xf32>
        %mul3A_906 = arith.mulf %mul3A_905, %get3A_82 : vector<16xf32>
        %add3A_907 = arith.addf %mul3A_906, %get3A_77 : vector<16xf32>
        %mul3A_908 = arith.mulf %add3A_907, %mul3A_905 : vector<16xf32>
        %add3A_909 = arith.addf %mul3A_908, %get3A_72 : vector<16xf32>
        %mul3A_910 = arith.mulf %add3A_909, %mul3A_905 : vector<16xf32>
        %swap3A_911 = arith.index_cast %rem3A_152 : i32 to index
        %swap3A_912 = arith.index_cast %scan3A_197 : i32 to index
        %swap3A_913 = arith.constant 560 : index
        %swap3A_914 = tpu.vector_load %arg9[%swap3A_911, %swap3A_912, %swap3A_913] {strides = array<i32>} : memref<2x16x1024xf32, #tpu.memory_space<vmem>>, vector<1x1x16xf32>,
        %swap3A_915 = vector.shape_cast %swap3A_914 : vector<1x1x16xf32> to vector<16xf32>
        %swap3A_916 = vector.shape_cast %mul3A_910 : vector<16xf32> to vector<1x1x16xf32>
        tpu.vector_store %arg9[%swap3A_911, %swap3A_912, %swap3A_913], %swap3A_916 {strides = array<i32>} : memref<2x16x1024xf32, #tpu.memory_space<vmem>>, vector<1x1x16xf32>,
        %get3A_917 = arith.index_cast %rem3A_152 : i32 to index
        %get3A_918 = arith.index_cast %scan3A_197 : i32 to index
        %get3A_919 = arith.constant 576 : index
        %get3A_920 = tpu.vector_load %arg8[%get3A_917, %get3A_918, %get3A_919] {strides = array<i32>} : memref<2x16x1024xf32, #tpu.memory_space<vmem>>, vector<1x1x16xf32>,
        %get3A_921 = vector.shape_cast %get3A_920 : vector<1x1x16xf32> to vector<16xf32>
        %get3A_922 = arith.constant 576 : index
        %get3A_923 = tpu.vector_load %arg6[%get3A_922] {strides = array<i32>} : memref<1024xf32, #tpu.memory_space<vmem>>, vector<16xf32>,
        %get3A_924 = vector.shape_cast %get3A_923 : vector<16xf32> to vector<16xf32>
        %mul3A_925 = arith.mulf %get3A_921, %get3A_924 : vector<16xf32>
        %mul3A_926 = arith.mulf %mul3A_925, %get3A_82 : vector<16xf32>
        %add3A_927 = arith.addf %mul3A_926, %get3A_77 : vector<16xf32>
        %mul3A_928 = arith.mulf %add3A_927, %mul3A_925 : vector<16xf32>
        %add3A_929 = arith.addf %mul3A_928, %get3A_72 : vector<16xf32>
        %mul3A_930 = arith.mulf %add3A_929, %mul3A_925 : vector<16xf32>
        %swap3A_931 = arith.index_cast %rem3A_152 : i32 to index
        %swap3A_932 = arith.index_cast %scan3A_197 : i32 to index
        %swap3A_933 = arith.constant 576 : index
        %swap3A_934 = tpu.vector_load %arg9[%swap3A_931, %swap3A_932, %swap3A_933] {strides = array<i32>} : memref<2x16x1024xf32, #tpu.memory_space<vmem>>, vector<1x1x16xf32>,
        %swap3A_935 = vector.shape_cast %swap3A_934 : vector<1x1x16xf32> to vector<16xf32>
        %swap3A_936 = vector.shape_cast %mul3A_930 : vector<16xf32> to vector<1x1x16xf32>
        tpu.vector_store %arg9[%swap3A_931, %swap3A_932, %swap3A_933], %swap3A_936 {strides = array<i32>} : memref<2x16x1024xf32, #tpu.memory_space<vmem>>, vector<1x1x16xf32>,
        %get3A_937 = arith.index_cast %rem3A_152 : i32 to index
        %get3A_938 = arith.index_cast %scan3A_197 : i32 to index
        %get3A_939 = arith.constant 592 : index
        %get3A_940 = tpu.vector_load %arg8[%get3A_937, %get3A_938, %get3A_939] {strides = array<i32>} : memref<2x16x1024xf32, #tpu.memory_space<vmem>>, vector<1x1x16xf32>,
        %get3A_941 = vector.shape_cast %get3A_940 : vector<1x1x16xf32> to vector<16xf32>
        %get3A_942 = arith.constant 592 : index
        %get3A_943 = tpu.vector_load %arg6[%get3A_942] {strides = array<i32>} : memref<1024xf32, #tpu.memory_space<vmem>>, vector<16xf32>,
        %get3A_944 = vector.shape_cast %get3A_943 : vector<16xf32> to vector<16xf32>
        %mul3A_945 = arith.mulf %get3A_941, %get3A_944 : vector<16xf32>
        %mul3A_946 = arith.mulf %mul3A_945, %get3A_82 : vector<16xf32>
        %add3A_947 = arith.addf %mul3A_946, %get3A_77 : vector<16xf32>
        %mul3A_948 = arith.mulf %add3A_947, %mul3A_945 : vector<16xf32>
        %add3A_949 = arith.addf %mul3A_948, %get3A_72 : vector<16xf32>
        %mul3A_950 = arith.mulf %add3A_949, %mul3A_945 : vector<16xf32>
        %swap3A_951 = arith.index_cast %rem3A_152 : i32 to index
        %swap3A_952 = arith.index_cast %scan3A_197 : i32 to index
        %swap3A_953 = arith.constant 592 : index
        %swap3A_954 = tpu.vector_load %arg9[%swap3A_951, %swap3A_952, %swap3A_953] {strides = array<i32>} : memref<2x16x1024xf32, #tpu.memory_space<vmem>>, vector<1x1x16xf32>,
        %swap3A_955 = vector.shape_cast %swap3A_954 : vector<1x1x16xf32> to vector<16xf32>
        %swap3A_956 = vector.shape_cast %mul3A_950 : vector<16xf32> to vector<1x1x16xf32>
        tpu.vector_store %arg9[%swap3A_951, %swap3A_952, %swap3A_953], %swap3A_956 {strides = array<i32>} : memref<2x16x1024xf32, #tpu.memory_space<vmem>>, vector<1x1x16xf32>,
        %get3A_957 = arith.index_cast %rem3A_152 : i32 to index
        %get3A_958 = arith.index_cast %scan3A_197 : i32 to index
        %get3A_959 = arith.constant 608 : index
        %get3A_960 = tpu.vector_load %arg8[%get3A_957, %get3A_958, %get3A_959] {strides = array<i32>} : memref<2x16x1024xf32, #tpu.memory_space<vmem>>, vector<1x1x16xf32>,
        %get3A_961 = vector.shape_cast %get3A_960 : vector<1x1x16xf32> to vector<16xf32>
        %get3A_962 = arith.constant 608 : index
        %get3A_963 = tpu.vector_load %arg6[%get3A_962] {strides = array<i32>} : memref<1024xf32, #tpu.memory_space<vmem>>, vector<16xf32>,
        %get3A_964 = vector.shape_cast %get3A_963 : vector<16xf32> to vector<16xf32>
        %mul3A_965 = arith.mulf %get3A_961, %get3A_964 : vector<16xf32>
        %mul3A_966 = arith.mulf %mul3A_965, %get3A_82 : vector<16xf32>
        %add3A_967 = arith.addf %mul3A_966, %get3A_77 : vector<16xf32>
        %mul3A_968 = arith.mulf %add3A_967, %mul3A_965 : vector<16xf32>
        %add3A_969 = arith.addf %mul3A_968, %get3A_72 : vector<16xf32>
        %mul3A_970 = arith.mulf %add3A_969, %mul3A_965 : vector<16xf32>
        %swap3A_971 = arith.index_cast %rem3A_152 : i32 to index
        %swap3A_972 = arith.index_cast %scan3A_197 : i32 to index
        %swap3A_973 = arith.constant 608 : index
        %swap3A_974 = tpu.vector_load %arg9[%swap3A_971, %swap3A_972, %swap3A_973] {strides = array<i32>} : memref<2x16x1024xf32, #tpu.memory_space<vmem>>, vector<1x1x16xf32>,
        %swap3A_975 = vector.shape_cast %swap3A_974 : vector<1x1x16xf32> to vector<16xf32>
        %swap3A_976 = vector.shape_cast %mul3A_970 : vector<16xf32> to vector<1x1x16xf32>
        tpu.vector_store %arg9[%swap3A_971, %swap3A_972, %swap3A_973], %swap3A_976 {strides = array<i32>} : memref<2x16x1024xf32, #tpu.memory_space<vmem>>, vector<1x1x16xf32>,
        %get3A_977 = arith.index_cast %rem3A_152 : i32 to index
        %get3A_978 = arith.index_cast %scan3A_197 : i32 to index
        %get3A_979 = arith.constant 624 : index
        %get3A_980 = tpu.vector_load %arg8[%get3A_977, %get3A_978, %get3A_979] {strides = array<i32>} : memref<2x16x1024xf32, #tpu.memory_space<vmem>>, vector<1x1x16xf32>,
        %get3A_981 = vector.shape_cast %get3A_980 : vector<1x1x16xf32> to vector<16xf32>
        %get3A_982 = arith.constant 624 : index
        %get3A_983 = tpu.vector_load %arg6[%get3A_982] {strides = array<i32>} : memref<1024xf32, #tpu.memory_space<vmem>>, vector<16xf32>,
        %get3A_984 = vector.shape_cast %get3A_983 : vector<16xf32> to vector<16xf32>
        %mul3A_985 = arith.mulf %get3A_981, %get3A_984 : vector<16xf32>
        %mul3A_986 = arith.mulf %mul3A_985, %get3A_82 : vector<16xf32>
        %add3A_987 = arith.addf %mul3A_986, %get3A_77 : vector<16xf32>
        %mul3A_988 = arith.mulf %add3A_987, %mul3A_985 : vector<16xf32>
        %add3A_989 = arith.addf %mul3A_988, %get3A_72 : vector<16xf32>
        %mul3A_990 = arith.mulf %add3A_989, %mul3A_985 : vector<16xf32>
        %swap3A_991 = arith.index_cast %rem3A_152 : i32 to index
        %swap3A_992 = arith.index_cast %scan3A_197 : i32 to index
        %swap3A_993 = arith.constant 624 : index
        %swap3A_994 = tpu.vector_load %arg9[%swap3A_991, %swap3A_992, %swap3A_993] {strides = array<i32>} : memref<2x16x1024xf32, #tpu.memory_space<vmem>>, vector<1x1x16xf32>,
        %swap3A_995 = vector.shape_cast %swap3A_994 : vector<1x1x16xf32> to vector<16xf32>
        %swap3A_996 = vector.shape_cast %mul3A_990 : vector<16xf32> to vector<1x1x16xf32>
        tpu.vector_store %arg9[%swap3A_991, %swap3A_992, %swap3A_993], %swap3A_996 {strides = array<i32>} : memref<2x16x1024xf32, #tpu.memory_space<vmem>>, vector<1x1x16xf32>,
        %get3A_997 = arith.index_cast %rem3A_152 : i32 to index
        %get3A_998 = arith.index_cast %scan3A_197 : i32 to index
        %get3A_999 = arith.constant 640 : index
        %get3A_1000 = tpu.vector_load %arg8[%get3A_997, %get3A_998, %get3A_999] {strides = array<i32>} : memref<2x16x1024xf32, #tpu.memory_space<vmem>>, vector<1x1x16xf32>,
        %get3A_1001 = vector.shape_cast %get3A_1000 : vector<1x1x16xf32> to vector<16xf32>
        %get3A_1002 = arith.constant 640 : index
        %get3A_1003 = tpu.vector_load %arg6[%get3A_1002] {strides = array<i32>} : memref<1024xf32, #tpu.memory_space<vmem>>, vector<16xf32>,
        %get3A_1004 = vector.shape_cast %get3A_1003 : vector<16xf32> to vector<16xf32>
        %mul3A_1005 = arith.mulf %get3A_1001, %get3A_1004 : vector<16xf32>
        %mul3A_1006 = arith.mulf %mul3A_1005, %get3A_82 : vector<16xf32>
        %add3A_1007 = arith.addf %mul3A_1006, %get3A_77 : vector<16xf32>
        %mul3A_1008 = arith.mulf %add3A_1007, %mul3A_1005 : vector<16xf32>
        %add3A_1009 = arith.addf %mul3A_1008, %get3A_72 : vector<16xf32>
        %mul3A_1010 = arith.mulf %add3A_1009, %mul3A_1005 : vector<16xf32>
        %swap3A_1011 = arith.index_cast %rem3A_152 : i32 to index
        %swap3A_1012 = arith.index_cast %scan3A_197 : i32 to index
        %swap3A_1013 = arith.constant 640 : index
        %swap3A_1014 = tpu.vector_load %arg9[%swap3A_1011, %swap3A_1012, %swap3A_1013] {strides = array<i32>} : memref<2x16x1024xf32, #tpu.memory_space<vmem>>, vector<1x1x16xf32>,
        %swap3A_1015 = vector.shape_cast %swap3A_1014 : vector<1x1x16xf32> to vector<16xf32>
        %swap3A_1016 = vector.shape_cast %mul3A_1010 : vector<16xf32> to vector<1x1x16xf32>
        tpu.vector_store %arg9[%swap3A_1011, %swap3A_1012, %swap3A_1013], %swap3A_1016 {strides = array<i32>} : memref<2x16x1024xf32, #tpu.memory_space<vmem>>, vector<1x1x16xf32>,
        %get3A_1017 = arith.index_cast %rem3A_152 : i32 to index
        %get3A_1018 = arith.index_cast %scan3A_197 : i32 to index
        %get3A_1019 = arith.constant 656 : index
        %get3A_1020 = tpu.vector_load %arg8[%get3A_1017, %get3A_1018, %get3A_1019] {strides = array<i32>} : memref<2x16x1024xf32, #tpu.memory_space<vmem>>, vector<1x1x16xf32>,
        %get3A_1021 = vector.shape_cast %get3A_1020 : vector<1x1x16xf32> to vector<16xf32>
        %get3A_1022 = arith.constant 656 : index
        %get3A_1023 = tpu.vector_load %arg6[%get3A_1022] {strides = array<i32>} : memref<1024xf32, #tpu.memory_space<vmem>>, vector<16xf32>,
        %get3A_1024 = vector.shape_cast %get3A_1023 : vector<16xf32> to vector<16xf32>
        %mul3A_1025 = arith.mulf %get3A_1021, %get3A_1024 : vector<16xf32>
        %mul3A_1026 = arith.mulf %mul3A_1025, %get3A_82 : vector<16xf32>
        %add3A_1027 = arith.addf %mul3A_1026, %get3A_77 : vector<16xf32>
        %mul3A_1028 = arith.mulf %add3A_1027, %mul3A_1025 : vector<16xf32>
        %add3A_1029 = arith.addf %mul3A_1028, %get3A_72 : vector<16xf32>
        %mul3A_1030 = arith.mulf %add3A_1029, %mul3A_1025 : vector<16xf32>
        %swap3A_1031 = arith.index_cast %rem3A_152 : i32 to index
        %swap3A_1032 = arith.index_cast %scan3A_197 : i32 to index
        %swap3A_1033 = arith.constant 656 : index
        %swap3A_1034 = tpu.vector_load %arg9[%swap3A_1031, %swap3A_1032, %swap3A_1033] {strides = array<i32>} : memref<2x16x1024xf32, #tpu.memory_space<vmem>>, vector<1x1x16xf32>,
        %swap3A_1035 = vector.shape_cast %swap3A_1034 : vector<1x1x16xf32> to vector<16xf32>
        %swap3A_1036 = vector.shape_cast %mul3A_1030 : vector<16xf32> to vector<1x1x16xf32>
        tpu.vector_store %arg9[%swap3A_1031, %swap3A_1032, %swap3A_1033], %swap3A_1036 {strides = array<i32>} : memref<2x16x1024xf32, #tpu.memory_space<vmem>>, vector<1x1x16xf32>,
        %get3A_1037 = arith.index_cast %rem3A_152 : i32 to index
        %get3A_1038 = arith.index_cast %scan3A_197 : i32 to index
        %get3A_1039 = arith.constant 672 : index
        %get3A_1040 = tpu.vector_load %arg8[%get3A_1037, %get3A_1038, %get3A_1039] {strides = array<i32>} : memref<2x16x1024xf32, #tpu.memory_space<vmem>>, vector<1x1x16xf32>,
        %get3A_1041 = vector.shape_cast %get3A_1040 : vector<1x1x16xf32> to vector<16xf32>
        %get3A_1042 = arith.constant 672 : index
        %get3A_1043 = tpu.vector_load %arg6[%get3A_1042] {strides = array<i32>} : memref<1024xf32, #tpu.memory_space<vmem>>, vector<16xf32>,
        %get3A_1044 = vector.shape_cast %get3A_1043 : vector<16xf32> to vector<16xf32>
        %mul3A_1045 = arith.mulf %get3A_1041, %get3A_1044 : vector<16xf32>
        %mul3A_1046 = arith.mulf %mul3A_1045, %get3A_82 : vector<16xf32>
        %add3A_1047 = arith.addf %mul3A_1046, %get3A_77 : vector<16xf32>
        %mul3A_1048 = arith.mulf %add3A_1047, %mul3A_1045 : vector<16xf32>
        %add3A_1049 = arith.addf %mul3A_1048, %get3A_72 : vector<16xf32>
        %mul3A_1050 = arith.mulf %add3A_1049, %mul3A_1045 : vector<16xf32>
        %swap3A_1051 = arith.index_cast %rem3A_152 : i32 to index
        %swap3A_1052 = arith.index_cast %scan3A_197 : i32 to index
        %swap3A_1053 = arith.constant 672 : index
        %swap3A_1054 = tpu.vector_load %arg9[%swap3A_1051, %swap3A_1052, %swap3A_1053] {strides = array<i32>} : memref<2x16x1024xf32, #tpu.memory_space<vmem>>, vector<1x1x16xf32>,
        %swap3A_1055 = vector.shape_cast %swap3A_1054 : vector<1x1x16xf32> to vector<16xf32>
        %swap3A_1056 = vector.shape_cast %mul3A_1050 : vector<16xf32> to vector<1x1x16xf32>
        tpu.vector_store %arg9[%swap3A_1051, %swap3A_1052, %swap3A_1053], %swap3A_1056 {strides = array<i32>} : memref<2x16x1024xf32, #tpu.memory_space<vmem>>, vector<1x1x16xf32>,
        %get3A_1057 = arith.index_cast %rem3A_152 : i32 to index
        %get3A_1058 = arith.index_cast %scan3A_197 : i32 to index
        %get3A_1059 = arith.constant 688 : index
        %get3A_1060 = tpu.vector_load %arg8[%get3A_1057, %get3A_1058, %get3A_1059] {strides = array<i32>} : memref<2x16x1024xf32, #tpu.memory_space<vmem>>, vector<1x1x16xf32>,
        %get3A_1061 = vector.shape_cast %get3A_1060 : vector<1x1x16xf32> to vector<16xf32>
        %get3A_1062 = arith.constant 688 : index
        %get3A_1063 = tpu.vector_load %arg6[%get3A_1062] {strides = array<i32>} : memref<1024xf32, #tpu.memory_space<vmem>>, vector<16xf32>,
        %get3A_1064 = vector.shape_cast %get3A_1063 : vector<16xf32> to vector<16xf32>
        %mul3A_1065 = arith.mulf %get3A_1061, %get3A_1064 : vector<16xf32>
        %mul3A_1066 = arith.mulf %mul3A_1065, %get3A_82 : vector<16xf32>
        %add3A_1067 = arith.addf %mul3A_1066, %get3A_77 : vector<16xf32>
        %mul3A_1068 = arith.mulf %add3A_1067, %mul3A_1065 : vector<16xf32>
        %add3A_1069 = arith.addf %mul3A_1068, %get3A_72 : vector<16xf32>
        %mul3A_1070 = arith.mulf %add3A_1069, %mul3A_1065 : vector<16xf32>
        %swap3A_1071 = arith.index_cast %rem3A_152 : i32 to index
        %swap3A_1072 = arith.index_cast %scan3A_197 : i32 to index
        %swap3A_1073 = arith.constant 688 : index
        %swap3A_1074 = tpu.vector_load %arg9[%swap3A_1071, %swap3A_1072, %swap3A_1073] {strides = array<i32>} : memref<2x16x1024xf32, #tpu.memory_space<vmem>>, vector<1x1x16xf32>,
        %swap3A_1075 = vector.shape_cast %swap3A_1074 : vector<1x1x16xf32> to vector<16xf32>
        %swap3A_1076 = vector.shape_cast %mul3A_1070 : vector<16xf32> to vector<1x1x16xf32>
        tpu.vector_store %arg9[%swap3A_1071, %swap3A_1072, %swap3A_1073], %swap3A_1076 {strides = array<i32>} : memref<2x16x1024xf32, #tpu.memory_space<vmem>>, vector<1x1x16xf32>,
        %get3A_1077 = arith.index_cast %rem3A_152 : i32 to index
        %get3A_1078 = arith.index_cast %scan3A_197 : i32 to index
        %get3A_1079 = arith.constant 704 : index
        %get3A_1080 = tpu.vector_load %arg8[%get3A_1077, %get3A_1078, %get3A_1079] {strides = array<i32>} : memref<2x16x1024xf32, #tpu.memory_space<vmem>>, vector<1x1x16xf32>,
        %get3A_1081 = vector.shape_cast %get3A_1080 : vector<1x1x16xf32> to vector<16xf32>
        %get3A_1082 = arith.constant 704 : index
        %get3A_1083 = tpu.vector_load %arg6[%get3A_1082] {strides = array<i32>} : memref<1024xf32, #tpu.memory_space<vmem>>, vector<16xf32>,
        %get3A_1084 = vector.shape_cast %get3A_1083 : vector<16xf32> to vector<16xf32>
        %mul3A_1085 = arith.mulf %get3A_1081, %get3A_1084 : vector<16xf32>
        %mul3A_1086 = arith.mulf %mul3A_1085, %get3A_82 : vector<16xf32>
        %add3A_1087 = arith.addf %mul3A_1086, %get3A_77 : vector<16xf32>
        %mul3A_1088 = arith.mulf %add3A_1087, %mul3A_1085 : vector<16xf32>
        %add3A_1089 = arith.addf %mul3A_1088, %get3A_72 : vector<16xf32>
        %mul3A_1090 = arith.mulf %add3A_1089, %mul3A_1085 : vector<16xf32>
        %swap3A_1091 = arith.index_cast %rem3A_152 : i32 to index
        %swap3A_1092 = arith.index_cast %scan3A_197 : i32 to index
        %swap3A_1093 = arith.constant 704 : index
        %swap3A_1094 = tpu.vector_load %arg9[%swap3A_1091, %swap3A_1092, %swap3A_1093] {strides = array<i32>} : memref<2x16x1024xf32, #tpu.memory_space<vmem>>, vector<1x1x16xf32>,
        %swap3A_1095 = vector.shape_cast %swap3A_1094 : vector<1x1x16xf32> to vector<16xf32>
        %swap3A_1096 = vector.shape_cast %mul3A_1090 : vector<16xf32> to vector<1x1x16xf32>
        tpu.vector_store %arg9[%swap3A_1091, %swap3A_1092, %swap3A_1093], %swap3A_1096 {strides = array<i32>} : memref<2x16x1024xf32, #tpu.memory_space<vmem>>, vector<1x1x16xf32>,
        %get3A_1097 = arith.index_cast %rem3A_152 : i32 to index
        %get3A_1098 = arith.index_cast %scan3A_197 : i32 to index
        %get3A_1099 = arith.constant 720 : index
        %get3A_1100 = tpu.vector_load %arg8[%get3A_1097, %get3A_1098, %get3A_1099] {strides = array<i32>} : memref<2x16x1024xf32, #tpu.memory_space<vmem>>, vector<1x1x16xf32>,
        %get3A_1101 = vector.shape_cast %get3A_1100 : vector<1x1x16xf32> to vector<16xf32>
        %get3A_1102 = arith.constant 720 : index
        %get3A_1103 = tpu.vector_load %arg6[%get3A_1102] {strides = array<i32>} : memref<1024xf32, #tpu.memory_space<vmem>>, vector<16xf32>,
        %get3A_1104 = vector.shape_cast %get3A_1103 : vector<16xf32> to vector<16xf32>
        %mul3A_1105 = arith.mulf %get3A_1101, %get3A_1104 : vector<16xf32>
        %mul3A_1106 = arith.mulf %mul3A_1105, %get3A_82 : vector<16xf32>
        %add3A_1107 = arith.addf %mul3A_1106, %get3A_77 : vector<16xf32>
        %mul3A_1108 = arith.mulf %add3A_1107, %mul3A_1105 : vector<16xf32>
        %add3A_1109 = arith.addf %mul3A_1108, %get3A_72 : vector<16xf32>
        %mul3A_1110 = arith.mulf %add3A_1109, %mul3A_1105 : vector<16xf32>
        %swap3A_1111 = arith.index_cast %rem3A_152 : i32 to index
        %swap3A_1112 = arith.index_cast %scan3A_197 : i32 to index
        %swap3A_1113 = arith.constant 720 : index
        %swap3A_1114 = tpu.vector_load %arg9[%swap3A_1111, %swap3A_1112, %swap3A_1113] {strides = array<i32>} : memref<2x16x1024xf32, #tpu.memory_space<vmem>>, vector<1x1x16xf32>,
        %swap3A_1115 = vector.shape_cast %swap3A_1114 : vector<1x1x16xf32> to vector<16xf32>
        %swap3A_1116 = vector.shape_cast %mul3A_1110 : vector<16xf32> to vector<1x1x16xf32>
        tpu.vector_store %arg9[%swap3A_1111, %swap3A_1112, %swap3A_1113], %swap3A_1116 {strides = array<i32>} : memref<2x16x1024xf32, #tpu.memory_space<vmem>>, vector<1x1x16xf32>,
        %get3A_1117 = arith.index_cast %rem3A_152 : i32 to index
        %get3A_1118 = arith.index_cast %scan3A_197 : i32 to index
        %get3A_1119 = arith.constant 736 : index
        %get3A_1120 = tpu.vector_load %arg8[%get3A_1117, %get3A_1118, %get3A_1119] {strides = array<i32>} : memref<2x16x1024xf32, #tpu.memory_space<vmem>>, vector<1x1x16xf32>,
        %get3A_1121 = vector.shape_cast %get3A_1120 : vector<1x1x16xf32> to vector<16xf32>
        %get3A_1122 = arith.constant 736 : index
        %get3A_1123 = tpu.vector_load %arg6[%get3A_1122] {strides = array<i32>} : memref<1024xf32, #tpu.memory_space<vmem>>, vector<16xf32>,
        %get3A_1124 = vector.shape_cast %get3A_1123 : vector<16xf32> to vector<16xf32>
        %mul3A_1125 = arith.mulf %get3A_1121, %get3A_1124 : vector<16xf32>
        %mul3A_1126 = arith.mulf %mul3A_1125, %get3A_82 : vector<16xf32>
        %add3A_1127 = arith.addf %mul3A_1126, %get3A_77 : vector<16xf32>
        %mul3A_1128 = arith.mulf %add3A_1127, %mul3A_1125 : vector<16xf32>
        %add3A_1129 = arith.addf %mul3A_1128, %get3A_72 : vector<16xf32>
        %mul3A_1130 = arith.mulf %add3A_1129, %mul3A_1125 : vector<16xf32>
        %swap3A_1131 = arith.index_cast %rem3A_152 : i32 to index
        %swap3A_1132 = arith.index_cast %scan3A_197 : i32 to index
        %swap3A_1133 = arith.constant 736 : index
        %swap3A_1134 = tpu.vector_load %arg9[%swap3A_1131, %swap3A_1132, %swap3A_1133] {strides = array<i32>} : memref<2x16x1024xf32, #tpu.memory_space<vmem>>, vector<1x1x16xf32>,
        %swap3A_1135 = vector.shape_cast %swap3A_1134 : vector<1x1x16xf32> to vector<16xf32>
        %swap3A_1136 = vector.shape_cast %mul3A_1130 : vector<16xf32> to vector<1x1x16xf32>
        tpu.vector_store %arg9[%swap3A_1131, %swap3A_1132, %swap3A_1133], %swap3A_1136 {strides = array<i32>} : memref<2x16x1024xf32, #tpu.memory_space<vmem>>, vector<1x1x16xf32>,
        %get3A_1137 = arith.index_cast %rem3A_152 : i32 to index
        %get3A_1138 = arith.index_cast %scan3A_197 : i32 to index
        %get3A_1139 = arith.constant 752 : index
        %get3A_1140 = tpu.vector_load %arg8[%get3A_1137, %get3A_1138, %get3A_1139] {strides = array<i32>} : memref<2x16x1024xf32, #tpu.memory_space<vmem>>, vector<1x1x16xf32>,
        %get3A_1141 = vector.shape_cast %get3A_1140 : vector<1x1x16xf32> to vector<16xf32>
        %get3A_1142 = arith.constant 752 : index
        %get3A_1143 = tpu.vector_load %arg6[%get3A_1142] {strides = array<i32>} : memref<1024xf32, #tpu.memory_space<vmem>>, vector<16xf32>,
        %get3A_1144 = vector.shape_cast %get3A_1143 : vector<16xf32> to vector<16xf32>
        %mul3A_1145 = arith.mulf %get3A_1141, %get3A_1144 : vector<16xf32>
        %mul3A_1146 = arith.mulf %mul3A_1145, %get3A_82 : vector<16xf32>
        %add3A_1147 = arith.addf %mul3A_1146, %get3A_77 : vector<16xf32>
        %mul3A_1148 = arith.mulf %add3A_1147, %mul3A_1145 : vector<16xf32>
        %add3A_1149 = arith.addf %mul3A_1148, %get3A_72 : vector<16xf32>
        %mul3A_1150 = arith.mulf %add3A_1149, %mul3A_1145 : vector<16xf32>
        %swap3A_1151 = arith.index_cast %rem3A_152 : i32 to index
        %swap3A_1152 = arith.index_cast %scan3A_197 : i32 to index
        %swap3A_1153 = arith.constant 752 : index
        %swap3A_1154 = tpu.vector_load %arg9[%swap3A_1151, %swap3A_1152, %swap3A_1153] {strides = array<i32>} : memref<2x16x1024xf32, #tpu.memory_space<vmem>>, vector<1x1x16xf32>,
        %swap3A_1155 = vector.shape_cast %swap3A_1154 : vector<1x1x16xf32> to vector<16xf32>
        %swap3A_1156 = vector.shape_cast %mul3A_1150 : vector<16xf32> to vector<1x1x16xf32>
        tpu.vector_store %arg9[%swap3A_1151, %swap3A_1152, %swap3A_1153], %swap3A_1156 {strides = array<i32>} : memref<2x16x1024xf32, #tpu.memory_space<vmem>>, vector<1x1x16xf32>,
        %get3A_1157 = arith.index_cast %rem3A_152 : i32 to index
        %get3A_1158 = arith.index_cast %scan3A_197 : i32 to index
        %get3A_1159 = arith.constant 768 : index
        %get3A_1160 = tpu.vector_load %arg8[%get3A_1157, %get3A_1158, %get3A_1159] {strides = array<i32>} : memref<2x16x1024xf32, #tpu.memory_space<vmem>>, vector<1x1x16xf32>,
        %get3A_1161 = vector.shape_cast %get3A_1160 : vector<1x1x16xf32> to vector<16xf32>
        %get3A_1162 = arith.constant 768 : index
        %get3A_1163 = tpu.vector_load %arg6[%get3A_1162] {strides = array<i32>} : memref<1024xf32, #tpu.memory_space<vmem>>, vector<16xf32>,
        %get3A_1164 = vector.shape_cast %get3A_1163 : vector<16xf32> to vector<16xf32>
        %mul3A_1165 = arith.mulf %get3A_1161, %get3A_1164 : vector<16xf32>
        %mul3A_1166 = arith.mulf %mul3A_1165, %get3A_82 : vector<16xf32>
        %add3A_1167 = arith.addf %mul3A_1166, %get3A_77 : vector<16xf32>
        %mul3A_1168 = arith.mulf %add3A_1167, %mul3A_1165 : vector<16xf32>
        %add3A_1169 = arith.addf %mul3A_1168, %get3A_72 : vector<16xf32>
        %mul3A_1170 = arith.mulf %add3A_1169, %mul3A_1165 : vector<16xf32>
        %swap3A_1171 = arith.index_cast %rem3A_152 : i32 to index
        %swap3A_1172 = arith.index_cast %scan3A_197 : i32 to index
        %swap3A_1173 = arith.constant 768 : index
        %swap3A_1174 = tpu.vector_load %arg9[%swap3A_1171, %swap3A_1172, %swap3A_1173] {strides = array<i32>} : memref<2x16x1024xf32, #tpu.memory_space<vmem>>, vector<1x1x16xf32>,
        %swap3A_1175 = vector.shape_cast %swap3A_1174 : vector<1x1x16xf32> to vector<16xf32>
        %swap3A_1176 = vector.shape_cast %mul3A_1170 : vector<16xf32> to vector<1x1x16xf32>
        tpu.vector_store %arg9[%swap3A_1171, %swap3A_1172, %swap3A_1173], %swap3A_1176 {strides = array<i32>} : memref<2x16x1024xf32, #tpu.memory_space<vmem>>, vector<1x1x16xf32>,
        %get3A_1177 = arith.index_cast %rem3A_152 : i32 to index
        %get3A_1178 = arith.index_cast %scan3A_197 : i32 to index
        %get3A_1179 = arith.constant 784 : index
        %get3A_1180 = tpu.vector_load %arg8[%get3A_1177, %get3A_1178, %get3A_1179] {strides = array<i32>} : memref<2x16x1024xf32, #tpu.memory_space<vmem>>, vector<1x1x16xf32>,
        %get3A_1181 = vector.shape_cast %get3A_1180 : vector<1x1x16xf32> to vector<16xf32>
        %get3A_1182 = arith.constant 784 : index
        %get3A_1183 = tpu.vector_load %arg6[%get3A_1182] {strides = array<i32>} : memref<1024xf32, #tpu.memory_space<vmem>>, vector<16xf32>,
        %get3A_1184 = vector.shape_cast %get3A_1183 : vector<16xf32> to vector<16xf32>
        %mul3A_1185 = arith.mulf %get3A_1181, %get3A_1184 : vector<16xf32>
        %mul3A_1186 = arith.mulf %mul3A_1185, %get3A_82 : vector<16xf32>
        %add3A_1187 = arith.addf %mul3A_1186, %get3A_77 : vector<16xf32>
        %mul3A_1188 = arith.mulf %add3A_1187, %mul3A_1185 : vector<16xf32>
        %add3A_1189 = arith.addf %mul3A_1188, %get3A_72 : vector<16xf32>
        %mul3A_1190 = arith.mulf %add3A_1189, %mul3A_1185 : vector<16xf32>
        %swap3A_1191 = arith.index_cast %rem3A_152 : i32 to index
        %swap3A_1192 = arith.index_cast %scan3A_197 : i32 to index
        %swap3A_1193 = arith.constant 784 : index
        %swap3A_1194 = tpu.vector_load %arg9[%swap3A_1191, %swap3A_1192, %swap3A_1193] {strides = array<i32>} : memref<2x16x1024xf32, #tpu.memory_space<vmem>>, vector<1x1x16xf32>,
        %swap3A_1195 = vector.shape_cast %swap3A_1194 : vector<1x1x16xf32> to vector<16xf32>
        %swap3A_1196 = vector.shape_cast %mul3A_1190 : vector<16xf32> to vector<1x1x16xf32>
        tpu.vector_store %arg9[%swap3A_1191, %swap3A_1192, %swap3A_1193], %swap3A_1196 {strides = array<i32>} : memref<2x16x1024xf32, #tpu.memory_space<vmem>>, vector<1x1x16xf32>,
        %get3A_1197 = arith.index_cast %rem3A_152 : i32 to index
        %get3A_1198 = arith.index_cast %scan3A_197 : i32 to index
        %get3A_1199 = arith.constant 800 : index
        %get3A_1200 = tpu.vector_load %arg8[%get3A_1197, %get3A_1198, %get3A_1199] {strides = array<i32>} : memref<2x16x1024xf32, #tpu.memory_space<vmem>>, vector<1x1x16xf32>,
        %get3A_1201 = vector.shape_cast %get3A_1200 : vector<1x1x16xf32> to vector<16xf32>
        %get3A_1202 = arith.constant 800 : index
        %get3A_1203 = tpu.vector_load %arg6[%get3A_1202] {strides = array<i32>} : memref<1024xf32, #tpu.memory_space<vmem>>, vector<16xf32>,
        %get3A_1204 = vector.shape_cast %get3A_1203 : vector<16xf32> to vector<16xf32>
        %mul3A_1205 = arith.mulf %get3A_1201, %get3A_1204 : vector<16xf32>
        %mul3A_1206 = arith.mulf %mul3A_1205, %get3A_82 : vector<16xf32>
        %add3A_1207 = arith.addf %mul3A_1206, %get3A_77 : vector<16xf32>
        %mul3A_1208 = arith.mulf %add3A_1207, %mul3A_1205 : vector<16xf32>
        %add3A_1209 = arith.addf %mul3A_1208, %get3A_72 : vector<16xf32>
        %mul3A_1210 = arith.mulf %add3A_1209, %mul3A_1205 : vector<16xf32>
        %swap3A_1211 = arith.index_cast %rem3A_152 : i32 to index
        %swap3A_1212 = arith.index_cast %scan3A_197 : i32 to index
        %swap3A_1213 = arith.constant 800 : index
        %swap3A_1214 = tpu.vector_load %arg9[%swap3A_1211, %swap3A_1212, %swap3A_1213] {strides = array<i32>} : memref<2x16x1024xf32, #tpu.memory_space<vmem>>, vector<1x1x16xf32>,
        %swap3A_1215 = vector.shape_cast %swap3A_1214 : vector<1x1x16xf32> to vector<16xf32>
        %swap3A_1216 = vector.shape_cast %mul3A_1210 : vector<16xf32> to vector<1x1x16xf32>
        tpu.vector_store %arg9[%swap3A_1211, %swap3A_1212, %swap3A_1213], %swap3A_1216 {strides = array<i32>} : memref<2x16x1024xf32, #tpu.memory_space<vmem>>, vector<1x1x16xf32>,
        %get3A_1217 = arith.index_cast %rem3A_152 : i32 to index
        %get3A_1218 = arith.index_cast %scan3A_197 : i32 to index
        %get3A_1219 = arith.constant 816 : index
        %get3A_1220 = tpu.vector_load %arg8[%get3A_1217, %get3A_1218, %get3A_1219] {strides = array<i32>} : memref<2x16x1024xf32, #tpu.memory_space<vmem>>, vector<1x1x16xf32>,
        %get3A_1221 = vector.shape_cast %get3A_1220 : vector<1x1x16xf32> to vector<16xf32>
        %get3A_1222 = arith.constant 816 : index
        %get3A_1223 = tpu.vector_load %arg6[%get3A_1222] {strides = array<i32>} : memref<1024xf32, #tpu.memory_space<vmem>>, vector<16xf32>,
        %get3A_1224 = vector.shape_cast %get3A_1223 : vector<16xf32> to vector<16xf32>
        %mul3A_1225 = arith.mulf %get3A_1221, %get3A_1224 : vector<16xf32>
        %mul3A_1226 = arith.mulf %mul3A_1225, %get3A_82 : vector<16xf32>
        %add3A_1227 = arith.addf %mul3A_1226, %get3A_77 : vector<16xf32>
        %mul3A_1228 = arith.mulf %add3A_1227, %mul3A_1225 : vector<16xf32>
        %add3A_1229 = arith.addf %mul3A_1228, %get3A_72 : vector<16xf32>
        %mul3A_1230 = arith.mulf %add3A_1229, %mul3A_1225 : vector<16xf32>
        %swap3A_1231 = arith.index_cast %rem3A_152 : i32 to index
        %swap3A_1232 = arith.index_cast %scan3A_197 : i32 to index
        %swap3A_1233 = arith.constant 816 : index
        %swap3A_1234 = tpu.vector_load %arg9[%swap3A_1231, %swap3A_1232, %swap3A_1233] {strides = array<i32>} : memref<2x16x1024xf32, #tpu.memory_space<vmem>>, vector<1x1x16xf32>,
        %swap3A_1235 = vector.shape_cast %swap3A_1234 : vector<1x1x16xf32> to vector<16xf32>
        %swap3A_1236 = vector.shape_cast %mul3A_1230 : vector<16xf32> to vector<1x1x16xf32>
        tpu.vector_store %arg9[%swap3A_1231, %swap3A_1232, %swap3A_1233], %swap3A_1236 {strides = array<i32>} : memref<2x16x1024xf32, #tpu.memory_space<vmem>>, vector<1x1x16xf32>,
        %get3A_1237 = arith.index_cast %rem3A_152 : i32 to index
        %get3A_1238 = arith.index_cast %scan3A_197 : i32 to index
        %get3A_1239 = arith.constant 832 : index
        %get3A_1240 = tpu.vector_load %arg8[%get3A_1237, %get3A_1238, %get3A_1239] {strides = array<i32>} : memref<2x16x1024xf32, #tpu.memory_space<vmem>>, vector<1x1x16xf32>,
        %get3A_1241 = vector.shape_cast %get3A_1240 : vector<1x1x16xf32> to vector<16xf32>
        %get3A_1242 = arith.constant 832 : index
        %get3A_1243 = tpu.vector_load %arg6[%get3A_1242] {strides = array<i32>} : memref<1024xf32, #tpu.memory_space<vmem>>, vector<16xf32>,
        %get3A_1244 = vector.shape_cast %get3A_1243 : vector<16xf32> to vector<16xf32>
        %mul3A_1245 = arith.mulf %get3A_1241, %get3A_1244 : vector<16xf32>
        %mul3A_1246 = arith.mulf %mul3A_1245, %get3A_82 : vector<16xf32>
        %add3A_1247 = arith.addf %mul3A_1246, %get3A_77 : vector<16xf32>
        %mul3A_1248 = arith.mulf %add3A_1247, %mul3A_1245 : vector<16xf32>
        %add3A_1249 = arith.addf %mul3A_1248, %get3A_72 : vector<16xf32>
        %mul3A_1250 = arith.mulf %add3A_1249, %mul3A_1245 : vector<16xf32>
        %swap3A_1251 = arith.index_cast %rem3A_152 : i32 to index
        %swap3A_1252 = arith.index_cast %scan3A_197 : i32 to index
        %swap3A_1253 = arith.constant 832 : index
        %swap3A_1254 = tpu.vector_load %arg9[%swap3A_1251, %swap3A_1252, %swap3A_1253] {strides = array<i32>} : memref<2x16x1024xf32, #tpu.memory_space<vmem>>, vector<1x1x16xf32>,
        %swap3A_1255 = vector.shape_cast %swap3A_1254 : vector<1x1x16xf32> to vector<16xf32>
        %swap3A_1256 = vector.shape_cast %mul3A_1250 : vector<16xf32> to vector<1x1x16xf32>
        tpu.vector_store %arg9[%swap3A_1251, %swap3A_1252, %swap3A_1253], %swap3A_1256 {strides = array<i32>} : memref<2x16x1024xf32, #tpu.memory_space<vmem>>, vector<1x1x16xf32>,
        %get3A_1257 = arith.index_cast %rem3A_152 : i32 to index
        %get3A_1258 = arith.index_cast %scan3A_197 : i32 to index
        %get3A_1259 = arith.constant 848 : index
        %get3A_1260 = tpu.vector_load %arg8[%get3A_1257, %get3A_1258, %get3A_1259] {strides = array<i32>} : memref<2x16x1024xf32, #tpu.memory_space<vmem>>, vector<1x1x16xf32>,
        %get3A_1261 = vector.shape_cast %get3A_1260 : vector<1x1x16xf32> to vector<16xf32>
        %get3A_1262 = arith.constant 848 : index
        %get3A_1263 = tpu.vector_load %arg6[%get3A_1262] {strides = array<i32>} : memref<1024xf32, #tpu.memory_space<vmem>>, vector<16xf32>,
        %get3A_1264 = vector.shape_cast %get3A_1263 : vector<16xf32> to vector<16xf32>
        %mul3A_1265 = arith.mulf %get3A_1261, %get3A_1264 : vector<16xf32>
        %mul3A_1266 = arith.mulf %mul3A_1265, %get3A_82 : vector<16xf32>
        %add3A_1267 = arith.addf %mul3A_1266, %get3A_77 : vector<16xf32>
        %mul3A_1268 = arith.mulf %add3A_1267, %mul3A_1265 : vector<16xf32>
        %add3A_1269 = arith.addf %mul3A_1268, %get3A_72 : vector<16xf32>
        %mul3A_1270 = arith.mulf %add3A_1269, %mul3A_1265 : vector<16xf32>
        %swap3A_1271 = arith.index_cast %rem3A_152 : i32 to index
        %swap3A_1272 = arith.index_cast %scan3A_197 : i32 to index
        %swap3A_1273 = arith.constant 848 : index
        %swap3A_1274 = tpu.vector_load %arg9[%swap3A_1271, %swap3A_1272, %swap3A_1273] {strides = array<i32>} : memref<2x16x1024xf32, #tpu.memory_space<vmem>>, vector<1x1x16xf32>,
        %swap3A_1275 = vector.shape_cast %swap3A_1274 : vector<1x1x16xf32> to vector<16xf32>
        %swap3A_1276 = vector.shape_cast %mul3A_1270 : vector<16xf32> to vector<1x1x16xf32>
        tpu.vector_store %arg9[%swap3A_1271, %swap3A_1272, %swap3A_1273], %swap3A_1276 {strides = array<i32>} : memref<2x16x1024xf32, #tpu.memory_space<vmem>>, vector<1x1x16xf32>,
        %get3A_1277 = arith.index_cast %rem3A_152 : i32 to index
        %get3A_1278 = arith.index_cast %scan3A_197 : i32 to index
        %get3A_1279 = arith.constant 864 : index
        %get3A_1280 = tpu.vector_load %arg8[%get3A_1277, %get3A_1278, %get3A_1279] {strides = array<i32>} : memref<2x16x1024xf32, #tpu.memory_space<vmem>>, vector<1x1x16xf32>,
        %get3A_1281 = vector.shape_cast %get3A_1280 : vector<1x1x16xf32> to vector<16xf32>
        %get3A_1282 = arith.constant 864 : index
        %get3A_1283 = tpu.vector_load %arg6[%get3A_1282] {strides = array<i32>} : memref<1024xf32, #tpu.memory_space<vmem>>, vector<16xf32>,
        %get3A_1284 = vector.shape_cast %get3A_1283 : vector<16xf32> to vector<16xf32>
        %mul3A_1285 = arith.mulf %get3A_1281, %get3A_1284 : vector<16xf32>
        %mul3A_1286 = arith.mulf %mul3A_1285, %get3A_82 : vector<16xf32>
        %add3A_1287 = arith.addf %mul3A_1286, %get3A_77 : vector<16xf32>
        %mul3A_1288 = arith.mulf %add3A_1287, %mul3A_1285 : vector<16xf32>
        %add3A_1289 = arith.addf %mul3A_1288, %get3A_72 : vector<16xf32>
        %mul3A_1290 = arith.mulf %add3A_1289, %mul3A_1285 : vector<16xf32>
        %swap3A_1291 = arith.index_cast %rem3A_152 : i32 to index
        %swap3A_1292 = arith.index_cast %scan3A_197 : i32 to index
        %swap3A_1293 = arith.constant 864 : index
        %swap3A_1294 = tpu.vector_load %arg9[%swap3A_1291, %swap3A_1292, %swap3A_1293] {strides = array<i32>} : memref<2x16x1024xf32, #tpu.memory_space<vmem>>, vector<1x1x16xf32>,
        %swap3A_1295 = vector.shape_cast %swap3A_1294 : vector<1x1x16xf32> to vector<16xf32>
        %swap3A_1296 = vector.shape_cast %mul3A_1290 : vector<16xf32> to vector<1x1x16xf32>
        tpu.vector_store %arg9[%swap3A_1291, %swap3A_1292, %swap3A_1293], %swap3A_1296 {strides = array<i32>} : memref<2x16x1024xf32, #tpu.memory_space<vmem>>, vector<1x1x16xf32>,
        %get3A_1297 = arith.index_cast %rem3A_152 : i32 to index
        %get3A_1298 = arith.index_cast %scan3A_197 : i32 to index
        %get3A_1299 = arith.constant 880 : index
        %get3A_1300 = tpu.vector_load %arg8[%get3A_1297, %get3A_1298, %get3A_1299] {strides = array<i32>} : memref<2x16x1024xf32, #tpu.memory_space<vmem>>, vector<1x1x16xf32>,
        %get3A_1301 = vector.shape_cast %get3A_1300 : vector<1x1x16xf32> to vector<16xf32>
        %get3A_1302 = arith.constant 880 : index
        %get3A_1303 = tpu.vector_load %arg6[%get3A_1302] {strides = array<i32>} : memref<1024xf32, #tpu.memory_space<vmem>>, vector<16xf32>,
        %get3A_1304 = vector.shape_cast %get3A_1303 : vector<16xf32> to vector<16xf32>
        %mul3A_1305 = arith.mulf %get3A_1301, %get3A_1304 : vector<16xf32>
        %mul3A_1306 = arith.mulf %mul3A_1305, %get3A_82 : vector<16xf32>
        %add3A_1307 = arith.addf %mul3A_1306, %get3A_77 : vector<16xf32>
        %mul3A_1308 = arith.mulf %add3A_1307, %mul3A_1305 : vector<16xf32>
        %add3A_1309 = arith.addf %mul3A_1308, %get3A_72 : vector<16xf32>
        %mul3A_1310 = arith.mulf %add3A_1309, %mul3A_1305 : vector<16xf32>
        %swap3A_1311 = arith.index_cast %rem3A_152 : i32 to index
        %swap3A_1312 = arith.index_cast %scan3A_197 : i32 to index
        %swap3A_1313 = arith.constant 880 : index
        %swap3A_1314 = tpu.vector_load %arg9[%swap3A_1311, %swap3A_1312, %swap3A_1313] {strides = array<i32>} : memref<2x16x1024xf32, #tpu.memory_space<vmem>>, vector<1x1x16xf32>,
        %swap3A_1315 = vector.shape_cast %swap3A_1314 : vector<1x1x16xf32> to vector<16xf32>
        %swap3A_1316 = vector.shape_cast %mul3A_1310 : vector<16xf32> to vector<1x1x16xf32>
        tpu.vector_store %arg9[%swap3A_1311, %swap3A_1312, %swap3A_1313], %swap3A_1316 {strides = array<i32>} : memref<2x16x1024xf32, #tpu.memory_space<vmem>>, vector<1x1x16xf32>,
        %get3A_1317 = arith.index_cast %rem3A_152 : i32 to index
        %get3A_1318 = arith.index_cast %scan3A_197 : i32 to index
        %get3A_1319 = arith.constant 896 : index
        %get3A_1320 = tpu.vector_load %arg8[%get3A_1317, %get3A_1318, %get3A_1319] {strides = array<i32>} : memref<2x16x1024xf32, #tpu.memory_space<vmem>>, vector<1x1x16xf32>,
        %get3A_1321 = vector.shape_cast %get3A_1320 : vector<1x1x16xf32> to vector<16xf32>
        %get3A_1322 = arith.constant 896 : index
        %get3A_1323 = tpu.vector_load %arg6[%get3A_1322] {strides = array<i32>} : memref<1024xf32, #tpu.memory_space<vmem>>, vector<16xf32>,
        %get3A_1324 = vector.shape_cast %get3A_1323 : vector<16xf32> to vector<16xf32>
        %mul3A_1325 = arith.mulf %get3A_1321, %get3A_1324 : vector<16xf32>
        %mul3A_1326 = arith.mulf %mul3A_1325, %get3A_82 : vector<16xf32>
        %add3A_1327 = arith.addf %mul3A_1326, %get3A_77 : vector<16xf32>
        %mul3A_1328 = arith.mulf %add3A_1327, %mul3A_1325 : vector<16xf32>
        %add3A_1329 = arith.addf %mul3A_1328, %get3A_72 : vector<16xf32>
        %mul3A_1330 = arith.mulf %add3A_1329, %mul3A_1325 : vector<16xf32>
        %swap3A_1331 = arith.index_cast %rem3A_152 : i32 to index
        %swap3A_1332 = arith.index_cast %scan3A_197 : i32 to index
        %swap3A_1333 = arith.constant 896 : index
        %swap3A_1334 = tpu.vector_load %arg9[%swap3A_1331, %swap3A_1332, %swap3A_1333] {strides = array<i32>} : memref<2x16x1024xf32, #tpu.memory_space<vmem>>, vector<1x1x16xf32>,
        %swap3A_1335 = vector.shape_cast %swap3A_1334 : vector<1x1x16xf32> to vector<16xf32>
        %swap3A_1336 = vector.shape_cast %mul3A_1330 : vector<16xf32> to vector<1x1x16xf32>
        tpu.vector_store %arg9[%swap3A_1331, %swap3A_1332, %swap3A_1333], %swap3A_1336 {strides = array<i32>} : memref<2x16x1024xf32, #tpu.memory_space<vmem>>, vector<1x1x16xf32>,
        %get3A_1337 = arith.index_cast %rem3A_152 : i32 to index
        %get3A_1338 = arith.index_cast %scan3A_197 : i32 to index
        %get3A_1339 = arith.constant 912 : index
        %get3A_1340 = tpu.vector_load %arg8[%get3A_1337, %get3A_1338, %get3A_1339] {strides = array<i32>} : memref<2x16x1024xf32, #tpu.memory_space<vmem>>, vector<1x1x16xf32>,
        %get3A_1341 = vector.shape_cast %get3A_1340 : vector<1x1x16xf32> to vector<16xf32>
        %get3A_1342 = arith.constant 912 : index
        %get3A_1343 = tpu.vector_load %arg6[%get3A_1342] {strides = array<i32>} : memref<1024xf32, #tpu.memory_space<vmem>>, vector<16xf32>,
        %get3A_1344 = vector.shape_cast %get3A_1343 : vector<16xf32> to vector<16xf32>
        %mul3A_1345 = arith.mulf %get3A_1341, %get3A_1344 : vector<16xf32>
        %mul3A_1346 = arith.mulf %mul3A_1345, %get3A_82 : vector<16xf32>
        %add3A_1347 = arith.addf %mul3A_1346, %get3A_77 : vector<16xf32>
        %mul3A_1348 = arith.mulf %add3A_1347, %mul3A_1345 : vector<16xf32>
        %add3A_1349 = arith.addf %mul3A_1348, %get3A_72 : vector<16xf32>
        %mul3A_1350 = arith.mulf %add3A_1349, %mul3A_1345 : vector<16xf32>
        %swap3A_1351 = arith.index_cast %rem3A_152 : i32 to index
        %swap3A_1352 = arith.index_cast %scan3A_197 : i32 to index
        %swap3A_1353 = arith.constant 912 : index
        %swap3A_1354 = tpu.vector_load %arg9[%swap3A_1351, %swap3A_1352, %swap3A_1353] {strides = array<i32>} : memref<2x16x1024xf32, #tpu.memory_space<vmem>>, vector<1x1x16xf32>,
        %swap3A_1355 = vector.shape_cast %swap3A_1354 : vector<1x1x16xf32> to vector<16xf32>
        %swap3A_1356 = vector.shape_cast %mul3A_1350 : vector<16xf32> to vector<1x1x16xf32>
        tpu.vector_store %arg9[%swap3A_1351, %swap3A_1352, %swap3A_1353], %swap3A_1356 {strides = array<i32>} : memref<2x16x1024xf32, #tpu.memory_space<vmem>>, vector<1x1x16xf32>,
        %get3A_1357 = arith.index_cast %rem3A_152 : i32 to index
        %get3A_1358 = arith.index_cast %scan3A_197 : i32 to index
        %get3A_1359 = arith.constant 928 : index
        %get3A_1360 = tpu.vector_load %arg8[%get3A_1357, %get3A_1358, %get3A_1359] {strides = array<i32>} : memref<2x16x1024xf32, #tpu.memory_space<vmem>>, vector<1x1x16xf32>,
        %get3A_1361 = vector.shape_cast %get3A_1360 : vector<1x1x16xf32> to vector<16xf32>
        %get3A_1362 = arith.constant 928 : index
        %get3A_1363 = tpu.vector_load %arg6[%get3A_1362] {strides = array<i32>} : memref<1024xf32, #tpu.memory_space<vmem>>, vector<16xf32>,
        %get3A_1364 = vector.shape_cast %get3A_1363 : vector<16xf32> to vector<16xf32>
        %mul3A_1365 = arith.mulf %get3A_1361, %get3A_1364 : vector<16xf32>
        %mul3A_1366 = arith.mulf %mul3A_1365, %get3A_82 : vector<16xf32>
        %add3A_1367 = arith.addf %mul3A_1366, %get3A_77 : vector<16xf32>
        %mul3A_1368 = arith.mulf %add3A_1367, %mul3A_1365 : vector<16xf32>
        %add3A_1369 = arith.addf %mul3A_1368, %get3A_72 : vector<16xf32>
        %mul3A_1370 = arith.mulf %add3A_1369, %mul3A_1365 : vector<16xf32>
        %swap3A_1371 = arith.index_cast %rem3A_152 : i32 to index
        %swap3A_1372 = arith.index_cast %scan3A_197 : i32 to index
        %swap3A_1373 = arith.constant 928 : index
        %swap3A_1374 = tpu.vector_load %arg9[%swap3A_1371, %swap3A_1372, %swap3A_1373] {strides = array<i32>} : memref<2x16x1024xf32, #tpu.memory_space<vmem>>, vector<1x1x16xf32>,
        %swap3A_1375 = vector.shape_cast %swap3A_1374 : vector<1x1x16xf32> to vector<16xf32>
        %swap3A_1376 = vector.shape_cast %mul3A_1370 : vector<16xf32> to vector<1x1x16xf32>
        tpu.vector_store %arg9[%swap3A_1371, %swap3A_1372, %swap3A_1373], %swap3A_1376 {strides = array<i32>} : memref<2x16x1024xf32, #tpu.memory_space<vmem>>, vector<1x1x16xf32>,
        %get3A_1377 = arith.index_cast %rem3A_152 : i32 to index
        %get3A_1378 = arith.index_cast %scan3A_197 : i32 to index
        %get3A_1379 = arith.constant 944 : index
        %get3A_1380 = tpu.vector_load %arg8[%get3A_1377, %get3A_1378, %get3A_1379] {strides = array<i32>} : memref<2x16x1024xf32, #tpu.memory_space<vmem>>, vector<1x1x16xf32>,
        %get3A_1381 = vector.shape_cast %get3A_1380 : vector<1x1x16xf32> to vector<16xf32>
        %get3A_1382 = arith.constant 944 : index
        %get3A_1383 = tpu.vector_load %arg6[%get3A_1382] {strides = array<i32>} : memref<1024xf32, #tpu.memory_space<vmem>>, vector<16xf32>,
        %get3A_1384 = vector.shape_cast %get3A_1383 : vector<16xf32> to vector<16xf32>
        %mul3A_1385 = arith.mulf %get3A_1381, %get3A_1384 : vector<16xf32>
        %mul3A_1386 = arith.mulf %mul3A_1385, %get3A_82 : vector<16xf32>
        %add3A_1387 = arith.addf %mul3A_1386, %get3A_77 : vector<16xf32>
        %mul3A_1388 = arith.mulf %add3A_1387, %mul3A_1385 : vector<16xf32>
        %add3A_1389 = arith.addf %mul3A_1388, %get3A_72 : vector<16xf32>
        %mul3A_1390 = arith.mulf %add3A_1389, %mul3A_1385 : vector<16xf32>
        %swap3A_1391 = arith.index_cast %rem3A_152 : i32 to index
        %swap3A_1392 = arith.index_cast %scan3A_197 : i32 to index
        %swap3A_1393 = arith.constant 944 : index
        %swap3A_1394 = tpu.vector_load %arg9[%swap3A_1391, %swap3A_1392, %swap3A_1393] {strides = array<i32>} : memref<2x16x1024xf32, #tpu.memory_space<vmem>>, vector<1x1x16xf32>,
        %swap3A_1395 = vector.shape_cast %swap3A_1394 : vector<1x1x16xf32> to vector<16xf32>
        %swap3A_1396 = vector.shape_cast %mul3A_1390 : vector<16xf32> to vector<1x1x16xf32>
        tpu.vector_store %arg9[%swap3A_1391, %swap3A_1392, %swap3A_1393], %swap3A_1396 {strides = array<i32>} : memref<2x16x1024xf32, #tpu.memory_space<vmem>>, vector<1x1x16xf32>,
        %get3A_1397 = arith.index_cast %rem3A_152 : i32 to index
        %get3A_1398 = arith.index_cast %scan3A_197 : i32 to index
        %get3A_1399 = arith.constant 960 : index
        %get3A_1400 = tpu.vector_load %arg8[%get3A_1397, %get3A_1398, %get3A_1399] {strides = array<i32>} : memref<2x16x1024xf32, #tpu.memory_space<vmem>>, vector<1x1x16xf32>,
        %get3A_1401 = vector.shape_cast %get3A_1400 : vector<1x1x16xf32> to vector<16xf32>
        %get3A_1402 = arith.constant 960 : index
        %get3A_1403 = tpu.vector_load %arg6[%get3A_1402] {strides = array<i32>} : memref<1024xf32, #tpu.memory_space<vmem>>, vector<16xf32>,
        %get3A_1404 = vector.shape_cast %get3A_1403 : vector<16xf32> to vector<16xf32>
        %mul3A_1405 = arith.mulf %get3A_1401, %get3A_1404 : vector<16xf32>
        %mul3A_1406 = arith.mulf %mul3A_1405, %get3A_82 : vector<16xf32>
        %add3A_1407 = arith.addf %mul3A_1406, %get3A_77 : vector<16xf32>
        %mul3A_1408 = arith.mulf %add3A_1407, %mul3A_1405 : vector<16xf32>
        %add3A_1409 = arith.addf %mul3A_1408, %get3A_72 : vector<16xf32>
        %mul3A_1410 = arith.mulf %add3A_1409, %mul3A_1405 : vector<16xf32>
        %swap3A_1411 = arith.index_cast %rem3A_152 : i32 to index
        %swap3A_1412 = arith.index_cast %scan3A_197 : i32 to index
        %swap3A_1413 = arith.constant 960 : index
        %swap3A_1414 = tpu.vector_load %arg9[%swap3A_1411, %swap3A_1412, %swap3A_1413] {strides = array<i32>} : memref<2x16x1024xf32, #tpu.memory_space<vmem>>, vector<1x1x16xf32>,
        %swap3A_1415 = vector.shape_cast %swap3A_1414 : vector<1x1x16xf32> to vector<16xf32>
        %swap3A_1416 = vector.shape_cast %mul3A_1410 : vector<16xf32> to vector<1x1x16xf32>
        tpu.vector_store %arg9[%swap3A_1411, %swap3A_1412, %swap3A_1413], %swap3A_1416 {strides = array<i32>} : memref<2x16x1024xf32, #tpu.memory_space<vmem>>, vector<1x1x16xf32>,
        %get3A_1417 = arith.index_cast %rem3A_152 : i32 to index
        %get3A_1418 = arith.index_cast %scan3A_197 : i32 to index
        %get3A_1419 = arith.constant 976 : index
        %get3A_1420 = tpu.vector_load %arg8[%get3A_1417, %get3A_1418, %get3A_1419] {strides = array<i32>} : memref<2x16x1024xf32, #tpu.memory_space<vmem>>, vector<1x1x16xf32>,
        %get3A_1421 = vector.shape_cast %get3A_1420 : vector<1x1x16xf32> to vector<16xf32>
        %get3A_1422 = arith.constant 976 : index
        %get3A_1423 = tpu.vector_load %arg6[%get3A_1422] {strides = array<i32>} : memref<1024xf32, #tpu.memory_space<vmem>>, vector<16xf32>,
        %get3A_1424 = vector.shape_cast %get3A_1423 : vector<16xf32> to vector<16xf32>
        %mul3A_1425 = arith.mulf %get3A_1421, %get3A_1424 : vector<16xf32>
        %mul3A_1426 = arith.mulf %mul3A_1425, %get3A_82 : vector<16xf32>
        %add3A_1427 = arith.addf %mul3A_1426, %get3A_77 : vector<16xf32>
        %mul3A_1428 = arith.mulf %add3A_1427, %mul3A_1425 : vector<16xf32>
        %add3A_1429 = arith.addf %mul3A_1428, %get3A_72 : vector<16xf32>
        %mul3A_1430 = arith.mulf %add3A_1429, %mul3A_1425 : vector<16xf32>
        %swap3A_1431 = arith.index_cast %rem3A_152 : i32 to index
        %swap3A_1432 = arith.index_cast %scan3A_197 : i32 to index
        %swap3A_1433 = arith.constant 976 : index
        %swap3A_1434 = tpu.vector_load %arg9[%swap3A_1431, %swap3A_1432, %swap3A_1433] {strides = array<i32>} : memref<2x16x1024xf32, #tpu.memory_space<vmem>>, vector<1x1x16xf32>,
        %swap3A_1435 = vector.shape_cast %swap3A_1434 : vector<1x1x16xf32> to vector<16xf32>
        %swap3A_1436 = vector.shape_cast %mul3A_1430 : vector<16xf32> to vector<1x1x16xf32>
        tpu.vector_store %arg9[%swap3A_1431, %swap3A_1432, %swap3A_1433], %swap3A_1436 {strides = array<i32>} : memref<2x16x1024xf32, #tpu.memory_space<vmem>>, vector<1x1x16xf32>,
        %get3A_1437 = arith.index_cast %rem3A_152 : i32 to index
        %get3A_1438 = arith.index_cast %scan3A_197 : i32 to index
        %get3A_1439 = arith.constant 992 : index
        %get3A_1440 = tpu.vector_load %arg8[%get3A_1437, %get3A_1438, %get3A_1439] {strides = array<i32>} : memref<2x16x1024xf32, #tpu.memory_space<vmem>>, vector<1x1x16xf32>,
        %get3A_1441 = vector.shape_cast %get3A_1440 : vector<1x1x16xf32> to vector<16xf32>
        %get3A_1442 = arith.constant 992 : index
        %get3A_1443 = tpu.vector_load %arg6[%get3A_1442] {strides = array<i32>} : memref<1024xf32, #tpu.memory_space<vmem>>, vector<16xf32>,
        %get3A_1444 = vector.shape_cast %get3A_1443 : vector<16xf32> to vector<16xf32>
        %mul3A_1445 = arith.mulf %get3A_1441, %get3A_1444 : vector<16xf32>
        %mul3A_1446 = arith.mulf %mul3A_1445, %get3A_82 : vector<16xf32>
        %add3A_1447 = arith.addf %mul3A_1446, %get3A_77 : vector<16xf32>
        %mul3A_1448 = arith.mulf %add3A_1447, %mul3A_1445 : vector<16xf32>
        %add3A_1449 = arith.addf %mul3A_1448, %get3A_72 : vector<16xf32>
        %mul3A_1450 = arith.mulf %add3A_1449, %mul3A_1445 : vector<16xf32>
        %swap3A_1451 = arith.index_cast %rem3A_152 : i32 to index
        %swap3A_1452 = arith.index_cast %scan3A_197 : i32 to index
        %swap3A_1453 = arith.constant 992 : index
        %swap3A_1454 = tpu.vector_load %arg9[%swap3A_1451, %swap3A_1452, %swap3A_1453] {strides = array<i32>} : memref<2x16x1024xf32, #tpu.memory_space<vmem>>, vector<1x1x16xf32>,
        %swap3A_1455 = vector.shape_cast %swap3A_1454 : vector<1x1x16xf32> to vector<16xf32>
        %swap3A_1456 = vector.shape_cast %mul3A_1450 : vector<16xf32> to vector<1x1x16xf32>
        tpu.vector_store %arg9[%swap3A_1451, %swap3A_1452, %swap3A_1453], %swap3A_1456 {strides = array<i32>} : memref<2x16x1024xf32, #tpu.memory_space<vmem>>, vector<1x1x16xf32>,
        %get3A_1457 = arith.index_cast %rem3A_152 : i32 to index
        %get3A_1458 = arith.index_cast %scan3A_197 : i32 to index
        %get3A_1459 = arith.constant 1008 : index
        %get3A_1460 = tpu.vector_load %arg8[%get3A_1457, %get3A_1458, %get3A_1459] {strides = array<i32>} : memref<2x16x1024xf32, #tpu.memory_space<vmem>>, vector<1x1x16xf32>,
        %get3A_1461 = vector.shape_cast %get3A_1460 : vector<1x1x16xf32> to vector<16xf32>
        %get3A_1462 = arith.constant 1008 : index
        %get3A_1463 = tpu.vector_load %arg6[%get3A_1462] {strides = array<i32>} : memref<1024xf32, #tpu.memory_space<vmem>>, vector<16xf32>,
        %get3A_1464 = vector.shape_cast %get3A_1463 : vector<16xf32> to vector<16xf32>
        %mul3A_1465 = arith.mulf %get3A_1461, %get3A_1464 : vector<16xf32>
        %mul3A_1466 = arith.mulf %mul3A_1465, %get3A_82 : vector<16xf32>
        %add3A_1467 = arith.addf %mul3A_1466, %get3A_77 : vector<16xf32>
        %mul3A_1468 = arith.mulf %add3A_1467, %mul3A_1465 : vector<16xf32>
        %add3A_1469 = arith.addf %mul3A_1468, %get3A_72 : vector<16xf32>
        %mul3A_1470 = arith.mulf %add3A_1469, %mul3A_1465 : vector<16xf32>
        %swap3A_1471 = arith.index_cast %rem3A_152 : i32 to index
        %swap3A_1472 = arith.index_cast %scan3A_197 : i32 to index
        %swap3A_1473 = arith.constant 1008 : index
        %swap3A_1474 = tpu.vector_load %arg9[%swap3A_1471, %swap3A_1472, %swap3A_1473] {strides = array<i32>} : memref<2x16x1024xf32, #tpu.memory_space<vmem>>, vector<1x1x16xf32>,
        %swap3A_1475 = vector.shape_cast %swap3A_1474 : vector<1x1x16xf32> to vector<16xf32>
        %swap3A_1476 = vector.shape_cast %mul3A_1470 : vector<16xf32> to vector<1x1x16xf32>
        tpu.vector_store %arg9[%swap3A_1471, %swap3A_1472, %swap3A_1473], %swap3A_1476 {strides = array<i32>} : memref<2x16x1024xf32, #tpu.memory_space<vmem>>, vector<1x1x16xf32>,
      }
      %scan3A_175 = arith.constant 16 : i32
      %mul3A_176 = arith.constant 16 : i32
      %mul3A_177 = arith.muli %scan3A_150, %mul3A_176 : i32
      %add3A_178 = arith.addi %mul3A_2, %mul3A_177 : i32
      %dma_start3A_179 = arith.constant 0 : i32
      %dma_start3A_180 = arith.constant 0 : i32
      %dma_start3A_181 = tpu.memref_slice %arg9[%rem3A_152, %dma_start3A_179, %dma_start3A_180] : memref<2x16x1024xf32, #tpu.memory_space<vmem>> -> memref<1x16x1024xf32, #tpu.memory_space<vmem>>
      %dma_start3A_182 = tpu.memref_squeeze %dma_start3A_181 : memref<1x16x1024xf32, #tpu.memory_space<vmem>> -> memref<16x1024xf32, #tpu.memory_space<vmem>>
      %dma_start3A_183 = arith.constant 0 : i32
      %dma_start3A_184 = tpu.memref_slice %arg5[%add3A_178, %dma_start3A_183] : memref<32768x1024xf32, #tpu.memory_space<hbm>> -> memref<16x1024xf32, #tpu.memory_space<hbm>>
      %dma_start3A_185 = arith.constant 0 : i32
      %dma_start3A_186 = tpu.memref_slice %arg5[%add3A_178, %dma_start3A_185] : memref<32768x1024xf32, #tpu.memory_space<hbm>> -> memref<16x1024xf32, #tpu.memory_space<hbm>>
      %dma_start3A_187 = arith.constant 0 : i32
      %dma_start3A_188 = arith.constant 0 : i32
      %dma_start3A_189 = tpu.memref_slice %arg9[%rem3A_152, %dma_start3A_187, %dma_start3A_188] : memref<2x16x1024xf32, #tpu.memory_space<vmem>> -> memref<1x16x1024xf32, #tpu.memory_space<vmem>>
      %dma_start3A_190 = tpu.memref_squeeze %dma_start3A_189 : memref<1x16x1024xf32, #tpu.memory_space<vmem>> -> memref<16x1024xf32, #tpu.memory_space<vmem>>
      tpu.enqueue_dma source(%dma_start3A_190 : memref<16x1024xf32, #tpu.memory_space<vmem>>) target(%dma_start3A_186 : memref<16x1024xf32, #tpu.memory_space<hbm>>) target_semaphore(%arg11 : memref<!tpu.dma_semaphore, #tpu.memory_space<semaphore_mem>>)
      %add3A_191 = arith.constant 2 : i32
      %add3A_192 = arith.addi %scan3A_150, %add3A_191 : i32
      %lt3A = arith.constant 64 : i32
      %lt3A_193 = arith.cmpi slt, %add3A_192, %lt3A : i32
      %convert_element_type3A_194 = arith.extui %lt3A_193 : i1 to i32
      %cond3A_195 = arith.constant 0 : i32
      %cond3A_196 = arith.cmpi ne, %convert_element_type3A_194, %cond3A_195 : i32
      scf.if %cond3A_196 {
        %add3A_197 = arith.constant 2 : i32
        %add3A_198 = arith.addi %scan3A_150, %add3A_197 : i32
        %mul3A_199 = arith.constant 16 : i32
        %mul3A_200 = arith.muli %add3A_198, %mul3A_199 : i32
        %add3A_201 = arith.addi %mul3A_2, %mul3A_200 : i32
        %dma_start3A_202 = arith.constant 0 : i32
        %dma_start3A_203 = arith.constant 0 : i32
        %dma_start3A_204 = tpu.memref_slice %arg8[%rem3A_152, %dma_start3A_202, %dma_start3A_203] : memref<2x16x1024xf32, #tpu.memory_space<vmem>> -> memref<1x16x1024xf32, #tpu.memory_space<vmem>>
        %dma_start3A_205 = tpu.memref_squeeze %dma_start3A_204 : memref<1x16x1024xf32, #tpu.memory_space<vmem>> -> memref<16x1024xf32, #tpu.memory_space<vmem>>
        %dma_start3A_206 = arith.constant 0 : i32
        %dma_start3A_207 = tpu.memref_slice %arg2[%add3A_201, %dma_start3A_206] : memref<32768x1024xf32, #tpu.memory_space<hbm>> -> memref<16x1024xf32, #tpu.memory_space<hbm>>
        %dma_start3A_208 = arith.constant 0 : i32
        %dma_start3A_209 = arith.constant 0 : i32
        %dma_start3A_210 = tpu.memref_slice %arg8[%rem3A_152, %dma_start3A_208, %dma_start3A_209] : memref<2x16x1024xf32, #tpu.memory_space<vmem>> -> memref<1x16x1024xf32, #tpu.memory_space<vmem>>
        %dma_start3A_211 = tpu.memref_squeeze %dma_start3A_210 : memref<1x16x1024xf32, #tpu.memory_space<vmem>> -> memref<16x1024xf32, #tpu.memory_space<vmem>>
        %dma_start3A_212 = arith.constant 0 : i32
        %dma_start3A_213 = tpu.memref_slice %arg2[%add3A_201, %dma_start3A_212] : memref<32768x1024xf32, #tpu.memory_space<hbm>> -> memref<16x1024xf32, #tpu.memory_space<hbm>>
        tpu.enqueue_dma source(%dma_start3A_213 : memref<16x1024xf32, #tpu.memory_space<hbm>>) target(%dma_start3A_211 : memref<16x1024xf32, #tpu.memory_space<vmem>>) target_semaphore(%arg10 : memref<!tpu.dma_semaphore, #tpu.memory_space<semaphore_mem>>)
      } else {
      }
    }
    %scan3A_117 = arith.constant 64 : i32
    %rem3A = arith.constant 62 : i32
    %rem3A_118 = arith.constant 2 : i32
    %rem3A_119 = arith.remsi %rem3A, %rem3A_118 : i32
    %add3A_120 = arith.constant 992 : i32
    %add3A_121 = arith.addi %mul3A_2, %add3A_120 : i32
    %dma_wait3A = arith.constant 0 : i32
    %dma_wait3A_122 = arith.constant 0 : i32
    %dma_wait3A_123 = tpu.memref_slice %arg9[%rem3A_119, %dma_wait3A, %dma_wait3A_122] : memref<2x16x1024xf32, #tpu.memory_space<vmem>> -> memref<1x16x1024xf32, #tpu.memory_space<vmem>>
    %dma_wait3A_124 = tpu.memref_squeeze %dma_wait3A_123 : memref<1x16x1024xf32, #tpu.memory_space<vmem>> -> memref<16x1024xf32, #tpu.memory_space<vmem>>
    %dma_wait3A_125 = arith.constant 0 : i32
    %dma_wait3A_126 = tpu.memref_slice %arg5[%add3A_121, %dma_wait3A_125] : memref<32768x1024xf32, #tpu.memory_space<hbm>> -> memref<16x1024xf32, #tpu.memory_space<hbm>>
    %dma_wait3A_127 = arith.constant 0 : i32
    %dma_wait3A_128 = tpu.memref_slice %arg5[%add3A_121, %dma_wait3A_127] : memref<32768x1024xf32, #tpu.memory_space<hbm>> -> memref<16x1024xf32, #tpu.memory_space<hbm>>
    %dma_wait3A_129 = arith.constant 0 : i32
    %dma_wait3A_130 = arith.constant 0 : i32
    %dma_wait3A_131 = tpu.memref_slice %arg9[%rem3A_119, %dma_wait3A_129, %dma_wait3A_130] : memref<2x16x1024xf32, #tpu.memory_space<vmem>> -> memref<1x16x1024xf32, #tpu.memory_space<vmem>>
    %dma_wait3A_132 = tpu.memref_squeeze %dma_wait3A_131 : memref<1x16x1024xf32, #tpu.memory_space<vmem>> -> memref<16x1024xf32, #tpu.memory_space<vmem>>
    tpu.wait_dma2 semaphore(%arg11 : memref<!tpu.dma_semaphore, #tpu.memory_space<semaphore_mem>>) src(%dma_wait3A_132 : memref<16x1024xf32, #tpu.memory_space<vmem>>) dst(%dma_wait3A_128 : memref<16x1024xf32, #tpu.memory_space<hbm>>)
    %rem3A_133 = arith.constant 63 : i32
    %rem3A_134 = arith.constant 2 : i32
    %rem3A_135 = arith.remsi %rem3A_133, %rem3A_134 : i32
    %add3A_136 = arith.constant 1008 : i32
    %add3A_137 = arith.addi %mul3A_2, %add3A_136 : i32
    %dma_wait3A_138 = arith.constant 0 : i32
    %dma_wait3A_139 = arith.constant 0 : i32
    %dma_wait3A_140 = tpu.memref_slice %arg9[%rem3A_135, %dma_wait3A_138, %dma_wait3A_139] : memref<2x16x1024xf32, #tpu.memory_space<vmem>> -> memref<1x16x1024xf32, #tpu.memory_space<vmem>>
    %dma_wait3A_141 = tpu.memref_squeeze %dma_wait3A_140 : memref<1x16x1024xf32, #tpu.memory_space<vmem>> -> memref<16x1024xf32, #tpu.memory_space<vmem>>
    %dma_wait3A_142 = arith.constant 0 : i32
    %dma_wait3A_143 = tpu.memref_slice %arg5[%add3A_137, %dma_wait3A_142] : memref<32768x1024xf32, #tpu.memory_space<hbm>> -> memref<16x1024xf32, #tpu.memory_space<hbm>>
    %dma_wait3A_144 = arith.constant 0 : i32
    %dma_wait3A_145 = tpu.memref_slice %arg5[%add3A_137, %dma_wait3A_144] : memref<32768x1024xf32, #tpu.memory_space<hbm>> -> memref<16x1024xf32, #tpu.memory_space<hbm>>
    %dma_wait3A_146 = arith.constant 0 : i32
    %dma_wait3A_147 = arith.constant 0 : i32
    %dma_wait3A_148 = tpu.memref_slice %arg9[%rem3A_135, %dma_wait3A_146, %dma_wait3A_147] : memref<2x16x1024xf32, #tpu.memory_space<vmem>> -> memref<1x16x1024xf32, #tpu.memory_space<vmem>>
    %dma_wait3A_149 = tpu.memref_squeeze %dma_wait3A_148 : memref<1x16x1024xf32, #tpu.memory_space<vmem>> -> memref<16x1024xf32, #tpu.memory_space<vmem>>
    tpu.wait_dma2 semaphore(%arg11 : memref<!tpu.dma_semaphore, #tpu.memory_space<semaphore_mem>>) src(%dma_wait3A_149 : memref<16x1024xf32, #tpu.memory_space<vmem>>) dst(%dma_wait3A_145 : memref<16x1024xf32, #tpu.memory_space<hbm>>)
    return
  }
}

</mosaic_0001>

<sc_bundles>
// kernel: kernel.3.cloned.1.call-start
scs
__scs_entry_jumppad:
0x0: {  	(pc) =	sbr.rel $0x88, $3  }
0x1: {  	(tag) =	ssettag $0x0;
	lr =	simm.s32 $0x1  }
0x2: {  	[smem:$0x3F9E] =	sst lr;
	_ =	strace $0xD0000000  }
0x3: {  	_ = 	snop  }
0x4: {  	_ = 	snop  }
0x5: {  	_ = 	snop  }
0x6: {  	_ = 	snop  }
0x7: {  	_ = 	snop  }
__scs_overlays_trampoline_lowered:
0x8: {  	[smem:$0x3FAD] =	sst s0  }
0x9: {  	[smem:$0x3FAE] =	sst s1  }
0xa: {  	[smem:$0x3FAF] =	sst s2  }
0xb: {  	[smem:$0x3FB0] =	sst s3  }
0xc: {  	[smem:$0x3FB1] =	sst s4  }
0xd: {  	[smem:$0x3FB2] =	sst s5  }
0xe: {  	[smem:$0x3FB3] =	sst s6  }
0xf: {  	[smem:$0x3FB4] =	sst s7  }
0x10: {  	[smem:$0x3FB5] =	sst s8  }
0x11: {  	[smem:$0x3FB6] =	sst s9;
	s0 =	simm.s32 @!p0 $0x0  }
0x12: {  	s1 =	sld [smem:$0x3F9C];
	s0 =	simm.s32 @p0 $0x1  }
0x13: {  	[smem:$0x3FB7] =	sst s0;
	s0 =	simm.s32 @!p1 $0x0  }
0x14: {  	s2 =	sld [smem:$0x3F9B];
	s0 =	simm.s32 @p1 $0x1  }
0x15: {  	[smem:$0x3FB8] =	sst s0;
	s0 =	simm.s32 @!p2 $0x0  }
0x16: {  	s3 =	sld [smem:$0x3FDB];
	s0 =	simm.s32 @p2 $0x1  }
0x17: {  	s4 =	simm.s32 $0x1BF5;
	[smem:$0x3FBA] =	sst s0  }
0x18: {  	s0 =	sld [smem:$0x3F9D];
	_ =	swait.ge [sflag:s4], $0x0  }
0x19: {  	s7 =	sld [smem:$0x3F9E]  }
0x1a: {  	s8 =	sadd.s32 $0xFFFFE003, lr  }
0x1b: {  	s9 =	sadd.s32 $0xFFFFFEF7, lr;
	s5 =	simm.s32 $0xFFFFFFFF;
	p2 =	slt.u32 s8, $0xFFFFF086  }
0x1c: {  	p1 =	slt.u32 s9, $0xF7A;
	s5 =	simm.s32 @!p2 $0x0  }
0x1d: {  	s5 =	simm.s32 @p1 $0x1;
	p0 =	seq.s32 s7, s2  }
0x1e: {  	s7 =	smul.u32 @!p0 $0xF7A, s2;
	p2 =	seq.s32 @!p0 s5, $0x0  }
0x1f: {  	s9 =	smul.u32 $0xF7A, s1;
	s8 =	simm.s32 @!p0 $0x1BF5;
	p2 =	por !p2, p0  }
0x20: {  	[sflag:s8] =	ssyncset.s32 @!p0 $0xFFFFF086;
	s6 =	sadd.s32 @!p0 s3, s7;
	s7 =	simm.s32 @!p0 $0x108  }
0x21: {  	s3 =	sadd.s32 s3, s9;
	s6 =	sadd.s32 @!p0 $0x88, s6;
	s7 =	simm.s32 @p2 $0x1082  }
0x22: {  	[simem:s7], [sflag:s8] =	dma.local @!p0 [hbm:s6], $0xF7A  }
0x23: {  	s9 =	sor.u32 $0xD0000000, s2;
	s6 =	simm.s32 $0x108;
	_ =	swait.ge @!p0 [sflag:s8], $0x0  }
0x24: {  	s3 =	sadd.s32 $0x88, s3;
	s6 =	simm.s32 @!p1 $0x1082;
	[sflag:s4] =	ssyncset.s32 $0xFFFFF086  }
0x25: {  	[simem:s6], [sflag:s4] =	dma.local [hbm:s3], $0xF7A  }
0x26: {  	[smem:$0x3F9E] =	sst s1;
	(tag) =	ssettag s2;
	_ =	strace s9  }
0x27: {  	s1 =	sld [smem:$0x3FAE]  }
0x28: {  	s2 =	sld [smem:$0x3FAF]  }
0x29: {  	s4 =	sld [smem:$0x3FB1]  }
0x2a: {  	p0 =	seq.s32 s5, $0x0;
	s5 =	sld [smem:$0x3FB2]  }
0x2b: {  	s6 =	sld [smem:$0x3FB3]  }
0x2c: {  	s7 =	sld [smem:$0x3FB4]  }
0x2d: {  	s3 =	simm.s32 $0x108;
	s8 =	sld [smem:$0x3FB5]  }
0x2e: {  	s3 =	simm.s32 @!p0 $0x1082;
	s9 =	sld [smem:$0x3FB6]  }
0x2f: {  	lr =	sadd.s32 s0, s3;
	s0 =	sld [smem:$0x3FAD]  }
0x30: {  	s3 =	sld [smem:$0x3FB0]  }
0x31: {  	[smem:$0x3FB9] =	sst s10  }
0x32: {  	s10 =	sld [smem:$0x3FB7];
	_ =	sdelay $0x3  }
0x33: {  	p0 =	seq.s32 s10, $0x1;
	s10 =	sld [smem:$0x3FB9];
	_ =	sdelay $0x3  }
0x34: {  	[smem:$0x3FB9] =	sst s10  }
0x35: {  	s10 =	sld [smem:$0x3FB8];
	_ =	sdelay $0x3  }
0x36: {  	p1 =	seq.s32 s10, $0x1;
	s10 =	sld [smem:$0x3FB9];
	_ =	sdelay $0x3  }
0x37: {  	[smem:$0x3FB9] =	sst s10  }
0x38: {  	s10 =	sld [smem:$0x3FBA]  }
0x39: {  	_ = 	snop;
	(pc) =	sbr.ind lr, $3  }
0x3a: {  	_ = 	snop  }
0x3b: {  	_ = 	snop  }
0x3c: {  	p2 =	seq.s32 s10, $0x1;
	s10 =	sld [smem:$0x3FB9]  }
0x3d: {  	_ =	shalt  }
0x3e: {  	_ =	shalt  }
0x3f: {  	_ =	shalt  }
0x40: {  	_ =	shalt  }
0x41: {  	_ =	shalt  }
0x42: {  	_ =	shalt  }
0x43: {  	_ =	shalt  }
0x44: {  	_ =	shalt  }
0x45: {  	_ =	shalt  }
0x46: {  	_ =	shalt  }
0x47: {  	_ =	shalt  }
0x48: {  	_ =	shalt  }
0x49: {  	_ =	shalt  }
0x4a: {  	_ =	shalt  }
0x4b: {  	_ =	shalt  }
0x4c: {  	_ =	shalt  }
0x4d: {  	_ =	shalt  }
0x4e: {  	_ =	shalt  }
0x4f: {  	_ =	shalt  }
0x50: {  	_ =	shalt  }
0x51: {  	_ =	shalt  }
0x52: {  	_ =	shalt  }
0x53: {  	_ =	shalt  }
0x54: {  	_ =	shalt  }
0x55: {  	_ =	shalt  }
0x56: {  	_ =	shalt  }
0x57: {  	_ =	shalt  }
0x58: {  	_ =	shalt  }
0x59: {  	_ =	shalt  }
0x5a: {  	_ =	shalt  }
0x5b: {  	_ =	shalt  }
0x5c: {  	_ =	shalt  }
0x5d: {  	_ =	shalt  }
0x5e: {  	_ =	shalt  }
0x5f: {  	_ =	shalt  }
0x60: {  	_ =	shalt  }
0x61: {  	_ =	shalt  }
0x62: {  	_ =	shalt  }
0x63: {  	_ =	shalt  }
0x64: {  	_ =	shalt  }
0x65: {  	_ =	shalt  }
0x66: {  	_ =	shalt  }
0x67: {  	_ =	shalt  }
0x68: {  	_ =	shalt  }
0x69: {  	_ =	shalt  }
0x6a: {  	_ =	shalt  }
0x6b: {  	_ =	shalt  }
0x6c: {  	_ =	shalt  }
0x6d: {  	_ =	shalt  }
0x6e: {  	_ =	shalt  }
0x6f: {  	_ =	shalt  }
0x70: {  	_ =	shalt  }
0x71: {  	_ =	shalt  }
0x72: {  	_ =	shalt  }
0x73: {  	_ =	shalt  }
0x74: {  	_ =	shalt  }
0x75: {  	_ =	shalt  }
0x76: {  	_ =	shalt  }
0x77: {  	_ =	shalt  }
0x78: {  	_ =	shalt  }
0x79: {  	_ =	shalt  }
0x7a: {  	_ =	shalt  }
0x7b: {  	_ =	shalt  }
0x7c: {  	_ =	shalt  }
0x7d: {  	_ =	shalt  }
0x7e: {  	_ =	shalt  }
0x7f: {  	_ =	shalt  }
0x80: {  	_ =	shalt  }
0x81: {  	_ =	shalt  }
0x82: {  	_ =	shalt  }
0x83: {  	_ =	shalt  }
0x84: {  	_ =	shalt  }
0x85: {  	_ =	shalt  }
0x86: {  	_ =	shalt  }
0x87: {  	_ =	shalt  }
.Lfunc_end0:
.L_simem_size_0:
called_computation_lowered:
.L_overlay_start_0:
0x88: {  	s2 =	sld [smem:$0x3FD9]  }
0x89: {  	s3 =	sld [smem:$0x3FFE];
	_ =	sdelay $0x1  }
0x8a: {  	s1 =	srdreg.scid  }
0x8b: {  	s0 =	sand.u32 $0x1, s1  }
0x8c: {  	s17 =	sshll.u32 s0, $0xA;
	s2 =	sadd.s32 s3, s2  }
0x8d: {  	s2 =	sadd.s32 s2, s17  }
0x8e: {  	[smem:$0x3FC5] =	sst s2  }
0x8f: {  	_ = 	snop  }
0x90: {  	s2 =	sld [smem:$0x3FC9]  }
0x91: {  	s18 =	sld [smem:$0x3FC7]  }
0x92: {  	s4 =	sld [smem:$0x3FD0];
	(tm) =	ssettm $0x1  }
0x93: {  	s5 =	sld [smem:$0x3FFB];
	_ =	sdelay $0x3  }
0x94: {  	_ =	strace s5  }
0x95: {  	s5 =	sld [smem:$0x3FFC];
	_ =	sdelay $0x3  }
0x96: {  	_ =	strace s5  }
0x97: {  	s5 =	sld [smem:$0x3FFD];
	_ =	sdelay $0x3  }
0x98: {  	_ =	strace s5  }
0x99: {  	_ =	strace $0x8FFFFFFF  }
0x9a: {  	s19 =	sld [smem:$0x3FDB];
	_ =	sdelay $0x1  }
0x9b: {  	s6 =	simm.s32 $_scs_section_size  }
0x9c: {  	s7 =	simm.s32 $_size__tile_overlayer_lowered;
	s8 =	simm.s32 $_tile_overlayer_lowered  }
0x9d: {  	s22 =	simm.s32 $0x1BFF;
	s21 =	sshll.u32 s8, $0x1;
	s5 =	sadd.s32 s6, s19  }
0x9e: {  	s9 =	simm.s32 $0x0;
	s20 =	sshll.u32 s7, $0x1;
	s7 =	sadd.s32 s21, s5  }
0x9f: {  	[timem:s9], [sflag:s22] =	dma.local [hbm:s7], s20  }
0xa0: {  	_ =	swait.ge [sflag:s22], s20  }
0xa1: {  	s6 =	ssub.s32 $0x0, s20;
	[sflag:s22] =	ssyncset.done $0x0  }
0xa2: {  	[sflag:s22] =	ssyncadd.s32 s6;
	_ =	sdelay $0x1  }
0xa3: {  	s23 =	simm.s32 $0x1B8B  }
0xa4: {  	_ =	swait.ge [sflag:s23], $0x1  }
0xa5: {  	[sflag:s23] =	ssyncset.done $0x0  }
0xa6: {  	s25 =	simm.s32 $0x1B8E;
	s24 =	sld [smem:$0x3FFE];
	[sflag:s23] =	ssyncadd.s32 $0xFFFFFFFF  }
0xa7: {  	s26 =	simm.s32 $execute0_lowered;
	[smem:$0x3FD2] =	sst s25  }
0xa8: {  	s7 =	sshll.u32 s26, $0x1;
	_ =	strace $0x80000046;
	[dreg:$0x1] =	wrdreg $0xFFFFFFFF  }
0xa9: {  	s28 =	simm.s32 $_size_execute0_lowered;
	s5 =	sadd.s32 s5, s7;
	[dreg:$0x0] =	wrdreg $0x0  }
0xaa: {  	s7 =	sshll.u32 s28, $0x1;
	[dreg:$0x2] =	wrdreg s5  }
0xab: {  	[dreg:$0x3] =	wrdreg s7  }
0xac: {  	[dreg:$0x4] =	wrdreg $0xC0  }
0xad: {  	_ =	task [dreg:s9], $0x5FFFF  }
0xae: {  	[dreg:$0x1] =	wrdreg $0xFFFFFFFF  }
0xaf: {  	[dreg:$0x0] =	wrdreg $0x60  }
0xb0: {  	[dreg:$0x2] =	wrdreg s2  }
0xb1: {  	[dreg:$0x3] =	wrdreg s24  }
0xb2: {  	[dreg:$0x4] =	wrdreg s18  }
0xb3: {  	[dreg:$0x5] =	wrdreg s4  }
0xb4: {  	[dreg:$0x6] =	wrdreg $0x9  }
0xb5: {  	_ =	task.clear_ibuf [dreg:s9], $0x7FFFF;
	_ =	strace $0x90000046  }
0xb6: {  	s29 =	simm.s32 $0x9;
	_ =	strace $0x80000048  }
0xb7: {  	_ =	swait.ge [sflag:s29], $0x1  }
0xb8: {  	[sflag:s29] =	ssyncadd.s32 $0xFFFFFFFF  }
0xb9: {  	_ =	strace $0x90000048  }
0xba: {  	_ =	sfence  }
0xbb: {  	s30 =	sld [smem:$0x0];
	_ =	sdelay $0x2  }
0xbc: {  	s31 =	sshll.u32 s1, $0xD;
	s1 =	sshrl.u32 s1, $0x2  }
0xbd: {  	s3 =	sand.u32 $0x4000, s31;
	s1 =	sadd.s32 s1, s30  }
0xbe: {  	s0 =	sor.u32 s3, s0;
	s1 =	sshll.u32 s1, $0x11  }
0xbf: {  	s0 =	sor.u32 s1, s0  }
0xc0: {  	s0 =	sadd.s32 $0x8F2B, s0  }
0xc1: {  	[sflag:s0] =	ssyncadd.remote.s32 $0x1  }
0xc2: {  	_ =	sfence.sel $0xFFFF  }
0xc3: {  	[dreg:$0x0] =	wrdreg $0xFFFFFFFF;
	(pc) =	sbr.abs _section_cstart, $3  }
0xc4: {  	[dreg:$0x1] =	wrdreg $0xFFFFFFFF  }
0xc5: {  	_ =	task.clear_ibuf [dreg:s9], $0x2FFFF;
	_ =	strace $0x9FFFFFFF  }
0xc6: {  	(tm) =	ssettm $0x7FFFFFFF  }
0xc7: {  	_ =	shalt  }
tec
execute0_lowered:
.L_overlay_start_1:
0x0: {  	(tag) =	ssettag $0x1  }
0x1: {  	s5 =	rddreg [dreg:$0x0]  }
0x2: {  	s4 =	rddreg [dreg:$0x1]  }
0x3: {  	s1 =	rddreg [dreg:$0x2]  }
0x4: {  	s7 =	rddreg [dreg:$0x3];
	s2 =	simm.s32 $0x0  }
0x5: {  	[smem:$0x7FF] =	sst s2  }
0x6: {  	s0 =	rddreg [dreg:$0x4];
	v0 =	vimm.f32 $1.024000000e+03;
	_ =	strace $0x80000047  }
0x7: {  	(erf) = vrcp.f32 v0;
	_ =	sdelay $0x1  }
0x8: {  	s6 =	srdreg.scid  }
0x9: {  	s3 =	stileid.u32;
	s10 =	simm.s32 $0x400;
	s11 =	simm.s32 $0x3  }
0xa: {  	s12 =	simm.s32 $0x600;
	s13 =	simm.s32 $0x4600;
	s14 =	simm.s32 $0x1  }
0xb: {  	s15 =	simm.s32 $0x2;
	s16 =	simm.s32 $0x0;
	s6 =	sand.u32 $0x1, s6  }
0xc: {  	s8 =	sshll.u32 s3, $0x12;
	s9 =	sshll.u32 s6, $0x11;
	s6 =	ssub.s32 $0x2, s6  }
0xd: {  	s4 =	sadd.s32 $0x400, s4;
	s8 =	sor.u32 s9, s8;
	s31 =	sshrl.u32 s6, $0x1  }
0xe: {  	s5 =	sadd.s32 s5, s8;
	s9 =	ssub.s32 s6, s31;
	s7 =	sadd.s32 s7, s8  }
0xf: {  	s6 =	sadd.s32 $0x800, s5;
	s8 =	sadd.s32 $0x1000, s5;
	s9 =	smax.u32 s9, $0x1;
	v0 =	vpop (erf)  }
.LBB2_1:
0x10: {  	[tilespmem:s10], [sflag:$0x3] =	stream.linear.gather [hbm4b:s4+s2], $0x180, $0x38;
	[tilespmem:$0x10600] =	vst v63  }
0x11: {  	_ =	swait.ge [sflag:s11], $0x180  }
0x12: {  	[sflag:s11] =	ssyncset.done $0x0  }
0x13: {  	[sflag:s11] =	ssyncadd.s32 $0xFFFFFE80  }
0x14: {  	[tilespmem:s2], [sflag:$0x3] =	stream.linear.gather [hbm4b:s1+s2], $0x400, $0x38;
	[tilespmem:$0x10600] =	vst v63  }
0x15: {  	_ =	swait.ge [sflag:s11], $0x400  }
0x16: {  	[sflag:s11] =	ssyncset.done $0x0  }
0x17: {  	v1 =	vimm.f32 $0.0e+00;
	s17 =	simm.s32 $0x0;
	s18 =	simm.s32 $0x40;
	[sflag:s11] =	ssyncadd.s32 $0xFFFFFC00  }
.LBB2_2:
0x18: {  	p0 =	sne.s32 s18, $0xFC0;
	v2 =	vld [tilespmem:s17+$0x0];
	_ =	sdelay $0x4  }
0x19: {  	v2 =	vsub.f32 $0.0e+00, v2;
	_ =	sdelay $0x1  }
0x1a: {  	v2 =	vmul.f32 $1.442695020e+00, v2;
	_ =	sdelay $0x1  }
0x1b: {  	(erf) = vpow2.f32 v2;
	_ =	sdelay $0x8  }
0x1c: {  	v2 =	vpop (erf)  }
0x1d: {  	v2 =	vadd.f32 $1.000000000e+00, v2;
	_ =	sdelay $0x1  }
0x1e: {  	(erf) = vrcp.f32 v2;
	_ =	sdelay $0x5  }
.Ltmp0:
0x1f: {  	(pc) =	sbr.rel @p0 .LBB2_2-.Ltmp0, $3  }
0x20: {  	_ =	sdelay $0x1  }
0x21: {  	v2 =	vpop (erf)  }
0x22: {  	[tilespmem:s17+$0x0] =	vst v2;
	s17 =	sshra.s32 s18, $0x2;
	s18 =	sadd.s32 $0x40, s18;
	v1 =	vadd.f32 v2, v1  }
0x23: {  	v2 =	vld [tilespmem:s17+$0x0];
	_ =	sdelay $0x4  }
0x24: {  	v2 =	vsub.f32 $0.0e+00, v2;
	_ =	sdelay $0x1  }
0x25: {  	v2 =	vmul.f32 $1.442695020e+00, v2;
	_ =	sdelay $0x1  }
0x26: {  	(erf) = vpow2.f32 v2;
	_ =	sdelay $0x8  }
0x27: {  	v2 =	vpop (erf)  }
0x28: {  	v2 =	vadd.f32 $1.000000000e+00, v2;
	_ =	sdelay $0x1  }
0x29: {  	(erf) = vrcp.f32 v2;
	_ =	sdelay $0x8  }
0x2a: {  	v2 =	vpop (erf)  }
0x2b: {  	v1 =	vadd.f32 v2, v1;
	_ =	sdelay $0x1  }
0x2c: {  	(v2sf) =	vpush v1, $0x0  }
0x2d: {  	(v2sf) =	vpush v1, $0x1;
	_ =	sdelay $0x1  }
0x2e: {  	(v2sf) =	vpush v1, $0x2;
	_ =	sdelay $0x1  }
0x2f: {  	(v2sf) =	vpush v1, $0x3;
	_ =	sdelay $0x1  }
0x30: {  	(v2sf) =	vpush v1, $0x4;
	_ =	sdelay $0x1  }
0x31: {  	(v2sf) =	vpush v1, $0x5;
	_ =	sdelay $0x1  }
0x32: {  	(v2sf) =	vpush v1, $0x6;
	_ =	sdelay $0x1  }
0x33: {  	(v2sf) =	vpush v1, $0x7;
	_ =	sdelay $0x1  }
0x34: {  	s18 =	spop (v2sf);
	(v2sf) =	vpush v1, $0x8  }
0x35: {  	s19 =	spop (v2sf)  }
0x36: {  	(v2sf) =	vpush v1, $0x9;
	s18 =	sadd.f32 s19, s18  }
0x37: {  	s29 =	spop (v2sf)  }
0x38: {  	(v2sf) =	vpush v1, $0xA;
	s18 =	sadd.f32 s18, s29  }
0x39: {  	s30 =	spop (v2sf)  }
0x3a: {  	(v2sf) =	vpush v1, $0xB;
	s18 =	sadd.f32 s18, s30  }
0x3b: {  	s31 =	spop (v2sf)  }
0x3c: {  	(v2sf) =	vpush v1, $0xC;
	s18 =	sadd.f32 s18, s31  }
0x3d: {  	s20 =	spop (v2sf)  }
0x3e: {  	(v2sf) =	vpush v1, $0xD;
	s18 =	sadd.f32 s18, s20  }
0x3f: {  	s21 =	spop (v2sf)  }
0x40: {  	(v2sf) =	vpush v1, $0xE;
	s18 =	sadd.f32 s18, s21  }
0x41: {  	s22 =	spop (v2sf)  }
0x42: {  	(v2sf) =	vpush v1, $0xF;
	s18 =	sadd.f32 s18, s22  }
0x43: {  	s23 =	spop (v2sf)  }
0x44: {  	s18 =	sadd.f32 s18, s23  }
0x45: {  	s24 =	spop (v2sf)  }
0x46: {  	s18 =	sadd.f32 s18, s24  }
0x47: {  	s25 =	spop (v2sf)  }
0x48: {  	s18 =	sadd.f32 s18, s25  }
0x49: {  	s26 =	spop (v2sf)  }
0x4a: {  	s18 =	sadd.f32 s18, s26  }
0x4b: {  	s28 =	spop (v2sf)  }
0x4c: {  	s18 =	sadd.f32 s18, s28  }
0x4d: {  	s29 =	spop (v2sf)  }
0x4e: {  	s18 =	sadd.f32 s18, s29  }
0x4f: {  	s30 =	spop (v2sf)  }
0x50: {  	s18 =	sadd.f32 s18, s30  }
0x51: {  	s31 =	spop (v2sf)  }
0x52: {  	s18 =	sadd.f32 s18, s31;
	_ =	sdelay $0x1  }
0x53: {  	v1 =	vmul.f32 s18, v0;
	_ =	sdelay $0x1  }
0x54: {  	v1 =	vadd.f32 $9.999999970e-07, v1;
	_ =	sdelay $0x1  }
0x55: {  	(erf) = vrcp.f32 v1;
	_ =	sdelay $0x8  }
0x56: {  	[tilespmem:s17+$0x0] =	vst v2;
	s17 =	simm.s32 $0x0;
	s18 =	simm.s32 $0x40;
	v1 =	vpop (erf)  }
.LBB2_4:
0x57: {  	p0 =	sne.s32 s18, $0xFC0;
	v2 =	vld [tilespmem:s17+$0x0];
	_ =	sdelay $0x2  }
.Ltmp1:
0x58: {  	(pc) =	sbr.rel @p0 .LBB2_4-.Ltmp1, $3  }
0x59: {  	_ = 	snop  }
0x5a: {  	v2 =	vmul.f32 v2, v1;
	_ =	sdelay $0x1  }
0x5b: {  	[tilespmem:s17+$0x0] =	vst v2;
	s17 =	sshra.s32 s18, $0x2;
	s18 =	sadd.s32 $0x40, s18  }
0x5c: {  	v2 =	vld [tilespmem:s17+$0x0];
	_ =	sdelay $0x4  }
0x5d: {  	v1 =	vmul.f32 v2, v1;
	_ =	sdelay $0x1  }
0x5e: {  	[tilespmem:s17+$0x0] =	vst v1  }
0x5f: {  	v1 =	vld [tilespmem:$0x400]  }
0x60: {  	s17 =	simm.s32 $0x0;
	v2 =	vld [tilespmem:$0x480]  }
0x61: {  	v3 =	vld [tilespmem:$0x500];
	[tilespmem:s12], [sflag:$0x1] =	stream.linear.gather [hbm4b:s5+s17], $0x4000, $0x38  }
0x62: {  	s18 =	simm.s32 $0x0  }
0x63: {  	[tilespmem:s13], [sflag:$0x1] =	stream.linear.gather [hbm4b:s6+s17], $0x4000, $0x38;
	[tilespmem:$0x10600] =	vst v63  }
.LBB2_6:
0x64: {  	_ =	swait.ge [sflag:s14], $0x4000  }
0x65: {  	p0 =	slt.u32 s18, $0x2;
	[sflag:s14] =	ssyncset.done $0x0  }
0x66: {  	s19 =	sshll.u32 s18, $0xE;
	s20 =	simm.s32 @!p0 $0x2;
	[sflag:s14] =	ssyncadd.s32 $0xFFFFC000  }
0x67: {  	s21 =	sand.u32 $0x2000, s17;
	s22 =	sand.u32 $0x380, s17;
	_ =	swait.ge @!p0 [sflag:s20], $0x4000  }
0x68: {  	s19 =	sand.u32 $0x4000, s19;
	s21 =	sor.u32 s21, s22;
	[sflag:s20] =	ssyncset.done @!p0 $0x0  }
0x69: {  	s21 =	sor.u32 s19, s21;
	[sflag:s20] =	ssyncadd.s32 @!p0 $0xFFFFC000  }
0x6a: {  	v4 =	vld [tilespmem:s21+$0x600]  }
0x6b: {  	v5 =	vld [tilespmem:$0x0];
	_ =	sdelay $0x4  }
0x6c: {  	v4 =	vmul.f32 v5, v4;
	_ =	sdelay $0x1  }
0x6d: {  	v5 =	vmul.f32 v4, v3;
	_ =	sdelay $0x1  }
0x6e: {  	v5 =	vadd.f32 v5, v2;
	_ =	sdelay $0x1  }
0x6f: {  	v5 =	vmul.f32 v5, v4;
	_ =	sdelay $0x1  }
0x70: {  	v5 =	vadd.f32 v5, v1;
	_ =	sdelay $0x1  }
0x71: {  	v4 =	vmul.f32 v5, v4;
	_ =	sdelay $0x1  }
0x72: {  	[tilespmem:s21+$0x8600] =	vst v4;
	v4 =	vld [tilespmem:s21+$0x610]  }
0x73: {  	v5 =	vld [tilespmem:$0x10];
	_ =	sdelay $0x4  }
0x74: {  	v4 =	vmul.f32 v5, v4;
	_ =	sdelay $0x1  }
0x75: {  	v5 =	vmul.f32 v4, v3;
	_ =	sdelay $0x1  }
0x76: {  	v5 =	vadd.f32 v5, v2;
	_ =	sdelay $0x1  }
0x77: {  	v5 =	vmul.f32 v5, v4;
	_ =	sdelay $0x1  }
0x78: {  	v5 =	vadd.f32 v5, v1;
	_ =	sdelay $0x1  }
0x79: {  	v4 =	vmul.f32 v5, v4;
	_ =	sdelay $0x1  }
0x7a: {  	[tilespmem:s21+$0x8610] =	vst v4;
	v4 =	vld [tilespmem:s21+$0x620]  }
0x7b: {  	v5 =	vld [tilespmem:$0x20];
	_ =	sdelay $0x4  }
0x7c: {  	v4 =	vmul.f32 v5, v4;
	_ =	sdelay $0x1  }
0x7d: {  	v5 =	vmul.f32 v4, v3;
	_ =	sdelay $0x1  }
0x7e: {  	v5 =	vadd.f32 v5, v2;
	_ =	sdelay $0x1  }
0x7f: {  	v5 =	vmul.f32 v5, v4;
	_ =	sdelay $0x1  }
0x80: {  	v5 =	vadd.f32 v5, v1;
	_ =	sdelay $0x1  }
0x81: {  	v4 =	vmul.f32 v5, v4;
	_ =	sdelay $0x1  }
0x82: {  	[tilespmem:s21+$0x8620] =	vst v4;
	v4 =	vld [tilespmem:s21+$0x630]  }
0x83: {  	v5 =	vld [tilespmem:$0x30];
	_ =	sdelay $0x4  }
0x84: {  	v4 =	vmul.f32 v5, v4;
	_ =	sdelay $0x1  }
0x85: {  	v5 =	vmul.f32 v4, v3;
	_ =	sdelay $0x1  }
0x86: {  	v5 =	vadd.f32 v5, v2;
	_ =	sdelay $0x1  }
0x87: {  	v5 =	vmul.f32 v5, v4;
	_ =	sdelay $0x1  }
0x88: {  	v5 =	vadd.f32 v5, v1;
	_ =	sdelay $0x1  }
0x89: {  	v4 =	vmul.f32 v5, v4;
	_ =	sdelay $0x1  }
0x8a: {  	[tilespmem:s21+$0x8630] =	vst v4;
	v4 =	vld [tilespmem:s21+$0x640]  }
0x8b: {  	v5 =	vld [tilespmem:$0x40];
	_ =	sdelay $0x4  }
0x8c: {  	v4 =	vmul.f32 v5, v4;
	_ =	sdelay $0x1  }
0x8d: {  	v5 =	vmul.f32 v4, v3;
	_ =	sdelay $0x1  }
0x8e: {  	v5 =	vadd.f32 v5, v2;
	_ =	sdelay $0x1  }
0x8f: {  	v5 =	vmul.f32 v5, v4;
	_ =	sdelay $0x1  }
0x90: {  	v5 =	vadd.f32 v5, v1;
	_ =	sdelay $0x1  }
0x91: {  	v4 =	vmul.f32 v5, v4;
	_ =	sdelay $0x1  }
0x92: {  	[tilespmem:s21+$0x8640] =	vst v4;
	v4 =	vld [tilespmem:s21+$0x650]  }
0x93: {  	v5 =	vld [tilespmem:$0x50];
	_ =	sdelay $0x4  }
0x94: {  	v4 =	vmul.f32 v5, v4;
	_ =	sdelay $0x1  }
0x95: {  	v5 =	vmul.f32 v4, v3;
	_ =	sdelay $0x1  }
0x96: {  	v5 =	vadd.f32 v5, v2;
	_ =	sdelay $0x1  }
0x97: {  	v5 =	vmul.f32 v5, v4;
	_ =	sdelay $0x1  }
0x98: {  	v5 =	vadd.f32 v5, v1;
	_ =	sdelay $0x1  }
0x99: {  	v4 =	vmul.f32 v5, v4;
	_ =	sdelay $0x1  }
0x9a: {  	[tilespmem:s21+$0x8650] =	vst v4;
	v4 =	vld [tilespmem:s21+$0x660]  }
0x9b: {  	v5 =	vld [tilespmem:$0x60];
	_ =	sdelay $0x4  }
0x9c: {  	v4 =	vmul.f32 v5, v4;
	_ =	sdelay $0x1  }
0x9d: {  	v5 =	vmul.f32 v4, v3;
	_ =	sdelay $0x1  }
0x9e: {  	v5 =	vadd.f32 v5, v2;
	_ =	sdelay $0x1  }
0x9f: {  	v5 =	vmul.f32 v5, v4;
	_ =	sdelay $0x1  }
0xa0: {  	v5 =	vadd.f32 v5, v1;
	_ =	sdelay $0x1  }
0xa1: {  	v4 =	vmul.f32 v5, v4;
	_ =	sdelay $0x1  }
0xa2: {  	[tilespmem:s21+$0x8660] =	vst v4;
	v4 =	vld [tilespmem:s21+$0x670]  }
0xa3: {  	v5 =	vld [tilespmem:$0x70];
	_ =	sdelay $0x4  }
0xa4: {  	v4 =	vmul.f32 v5, v4;
	_ =	sdelay $0x1  }
0xa5: {  	v5 =	vmul.f32 v4, v3;
	_ =	sdelay $0x1  }
0xa6: {  	v5 =	vadd.f32 v5, v2;
	_ =	sdelay $0x1  }
0xa7: {  	v5 =	vmul.f32 v5, v4;
	_ =	sdelay $0x1  }
0xa8: {  	v5 =	vadd.f32 v5, v1;
	_ =	sdelay $0x1  }
0xa9: {  	v4 =	vmul.f32 v5, v4;
	_ =	sdelay $0x1  }
0xaa: {  	[tilespmem:s21+$0x8670] =	vst v4;
	v4 =	vld [tilespmem:s21+$0xA00]  }
0xab: {  	v5 =	vld [tilespmem:$0x80];
	_ =	sdelay $0x4  }
0xac: {  	v4 =	vmul.f32 v5, v4;
	_ =	sdelay $0x1  }
0xad: {  	v5 =	vmul.f32 v4, v3;
	_ =	sdelay $0x1  }
0xae: {  	v5 =	vadd.f32 v5, v2;
	_ =	sdelay $0x1  }
0xaf: {  	v5 =	vmul.f32 v5, v4;
	_ =	sdelay $0x1  }
0xb0: {  	v5 =	vadd.f32 v5, v1;
	_ =	sdelay $0x1  }
0xb1: {  	v4 =	vmul.f32 v5, v4;
	_ =	sdelay $0x1  }
0xb2: {  	[tilespmem:s21+$0x8A00] =	vst v4;
	v4 =	vld [tilespmem:s21+$0xA10]  }
0xb3: {  	v5 =	vld [tilespmem:$0x90];
	_ =	sdelay $0x4  }
0xb4: {  	v4 =	vmul.f32 v5, v4;
	_ =	sdelay $0x1  }
0xb5: {  	v5 =	vmul.f32 v4, v3;
	_ =	sdelay $0x1  }
0xb6: {  	v5 =	vadd.f32 v5, v2;
	_ =	sdelay $0x1  }
0xb7: {  	v5 =	vmul.f32 v5, v4;
	_ =	sdelay $0x1  }
0xb8: {  	v5 =	vadd.f32 v5, v1;
	_ =	sdelay $0x1  }
0xb9: {  	v4 =	vmul.f32 v5, v4;
	_ =	sdelay $0x1  }
0xba: {  	[tilespmem:s21+$0x8A10] =	vst v4;
	v4 =	vld [tilespmem:s21+$0xA20]  }
0xbb: {  	v5 =	vld [tilespmem:$0xA0];
	_ =	sdelay $0x4  }
0xbc: {  	v4 =	vmul.f32 v5, v4;
	_ =	sdelay $0x1  }
0xbd: {  	v5 =	vmul.f32 v4, v3;
	_ =	sdelay $0x1  }
0xbe: {  	v5 =	vadd.f32 v5, v2;
	_ =	sdelay $0x1  }
0xbf: {  	v5 =	vmul.f32 v5, v4;
	_ =	sdelay $0x1  }
0xc0: {  	v5 =	vadd.f32 v5, v1;
	_ =	sdelay $0x1  }
0xc1: {  	v4 =	vmul.f32 v5, v4;
	_ =	sdelay $0x1  }
0xc2: {  	[tilespmem:s21+$0x8A20] =	vst v4;
	v4 =	vld [tilespmem:s21+$0xA30]  }
0xc3: {  	v5 =	vld [tilespmem:$0xB0];
	_ =	sdelay $0x4  }
0xc4: {  	v4 =	vmul.f32 v5, v4;
	_ =	sdelay $0x1  }
0xc5: {  	v5 =	vmul.f32 v4, v3;
	_ =	sdelay $0x1  }
0xc6: {  	v5 =	vadd.f32 v5, v2;
	_ =	sdelay $0x1  }
0xc7: {  	v5 =	vmul.f32 v5, v4;
	_ =	sdelay $0x1  }
0xc8: {  	v5 =	vadd.f32 v5, v1;
	_ =	sdelay $0x1  }
0xc9: {  	v4 =	vmul.f32 v5, v4;
	_ =	sdelay $0x1  }
0xca: {  	[tilespmem:s21+$0x8A30] =	vst v4;
	v4 =	vld [tilespmem:s21+$0xA40]  }
0xcb: {  	v5 =	vld [tilespmem:$0xC0];
	_ =	sdelay $0x4  }
0xcc: {  	v4 =	vmul.f32 v5, v4;
	_ =	sdelay $0x1  }
0xcd: {  	v5 =	vmul.f32 v4, v3;
	_ =	sdelay $0x1  }
0xce: {  	v5 =	vadd.f32 v5, v2;
	_ =	sdelay $0x1  }
0xcf: {  	v5 =	vmul.f32 v5, v4;
	_ =	sdelay $0x1  }
0xd0: {  	v5 =	vadd.f32 v5, v1;
	_ =	sdelay $0x1  }
0xd1: {  	v4 =	vmul.f32 v5, v4;
	_ =	sdelay $0x1  }
0xd2: {  	[tilespmem:s21+$0x8A40] =	vst v4;
	v4 =	vld [tilespmem:s21+$0xA50]  }
0xd3: {  	v5 =	vld [tilespmem:$0xD0];
	_ =	sdelay $0x4  }
0xd4: {  	v4 =	vmul.f32 v5, v4;
	_ =	sdelay $0x1  }
0xd5: {  	v5 =	vmul.f32 v4, v3;
	_ =	sdelay $0x1  }
0xd6: {  	v5 =	vadd.f32 v5, v2;
	_ =	sdelay $0x1  }
0xd7: {  	v5 =	vmul.f32 v5, v4;
	_ =	sdelay $0x1  }
0xd8: {  	v5 =	vadd.f32 v5, v1;
	_ =	sdelay $0x1  }
0xd9: {  	v4 =	vmul.f32 v5, v4;
	_ =	sdelay $0x1  }
0xda: {  	[tilespmem:s21+$0x8A50] =	vst v4;
	v4 =	vld [tilespmem:s21+$0xA60]  }
0xdb: {  	v5 =	vld [tilespmem:$0xE0];
	_ =	sdelay $0x4  }
0xdc: {  	v4 =	vmul.f32 v5, v4;
	_ =	sdelay $0x1  }
0xdd: {  	v5 =	vmul.f32 v4, v3;
	_ =	sdelay $0x1  }
0xde: {  	v5 =	vadd.f32 v5, v2;
	_ =	sdelay $0x1  }
0xdf: {  	v5 =	vmul.f32 v5, v4;
	_ =	sdelay $0x1  }
0xe0: {  	v5 =	vadd.f32 v5, v1;
	_ =	sdelay $0x1  }
0xe1: {  	v4 =	vmul.f32 v5, v4;
	_ =	sdelay $0x1  }
0xe2: {  	[tilespmem:s21+$0x8A60] =	vst v4;
	v4 =	vld [tilespmem:s21+$0xA70]  }
0xe3: {  	v5 =	vld [tilespmem:$0xF0];
	_ =	sdelay $0x4  }
0xe4: {  	v4 =	vmul.f32 v5, v4;
	_ =	sdelay $0x1  }
0xe5: {  	v5 =	vmul.f32 v4, v3;
	_ =	sdelay $0x1  }
0xe6: {  	v5 =	vadd.f32 v5, v2;
	_ =	sdelay $0x1  }
0xe7: {  	v5 =	vmul.f32 v5, v4;
	_ =	sdelay $0x1  }
0xe8: {  	v5 =	vadd.f32 v5, v1;
	_ =	sdelay $0x1  }
0xe9: {  	v4 =	vmul.f32 v5, v4;
	_ =	sdelay $0x1  }
0xea: {  	[tilespmem:s21+$0x8A70] =	vst v4;
	v4 =	vld [tilespmem:s21+$0xE00]  }
0xeb: {  	v5 =	vld [tilespmem:$0x100];
	_ =	sdelay $0x4  }
0xec: {  	v4 =	vmul.f32 v5, v4;
	_ =	sdelay $0x1  }
0xed: {  	v5 =	vmul.f32 v4, v3;
	_ =	sdelay $0x1  }
0xee: {  	v5 =	vadd.f32 v5, v2;
	_ =	sdelay $0x1  }
0xef: {  	v5 =	vmul.f32 v5, v4;
	_ =	sdelay $0x1  }
0xf0: {  	v5 =	vadd.f32 v5, v1;
	_ =	sdelay $0x1  }
0xf1: {  	v4 =	vmul.f32 v5, v4;
	_ =	sdelay $0x1  }
0xf2: {  	[tilespmem:s21+$0x8E00] =	vst v4;
	v4 =	vld [tilespmem:s21+$0xE10]  }
0xf3: {  	v5 =	vld [tilespmem:$0x110];
	_ =	sdelay $0x4  }
0xf4: {  	v4 =	vmul.f32 v5, v4;
	_ =	sdelay $0x1  }
0xf5: {  	v5 =	vmul.f32 v4, v3;
	_ =	sdelay $0x1  }
0xf6: {  	v5 =	vadd.f32 v5, v2;
	_ =	sdelay $0x1  }
0xf7: {  	v5 =	vmul.f32 v5, v4;
	_ =	sdelay $0x1  }
0xf8: {  	v5 =	vadd.f32 v5, v1;
	_ =	sdelay $0x1  }
0xf9: {  	v4 =	vmul.f32 v5, v4;
	_ =	sdelay $0x1  }
0xfa: {  	[tilespmem:s21+$0x8E10] =	vst v4;
	v4 =	vld [tilespmem:s21+$0xE20]  }
0xfb: {  	v5 =	vld [tilespmem:$0x120];
	_ =	sdelay $0x4  }
0xfc: {  	v4 =	vmul.f32 v5, v4;
	_ =	sdelay $0x1  }
0xfd: {  	v5 =	vmul.f32 v4, v3;
	_ =	sdelay $0x1  }
0xfe: {  	v5 =	vadd.f32 v5, v2;
	_ =	sdelay $0x1  }
0xff: {  	v5 =	vmul.f32 v5, v4;
	_ =	sdelay $0x1  }
0x100: {  	v5 =	vadd.f32 v5, v1;
	_ =	sdelay $0x1  }
0x101: {  	v4 =	vmul.f32 v5, v4;
	_ =	sdelay $0x1  }
0x102: {  	[tilespmem:s21+$0x8E20] =	vst v4;
	v4 =	vld [tilespmem:s21+$0xE30]  }
0x103: {  	v5 =	vld [tilespmem:$0x130];
	_ =	sdelay $0x4  }
0x104: {  	v4 =	vmul.f32 v5, v4;
	_ =	sdelay $0x1  }
0x105: {  	v5 =	vmul.f32 v4, v3;
	_ =	sdelay $0x1  }
0x106: {  	v5 =	vadd.f32 v5, v2;
	_ =	sdelay $0x1  }
0x107: {  	v5 =	vmul.f32 v5, v4;
	_ =	sdelay $0x1  }
0x108: {  	v5 =	vadd.f32 v5, v1;
	_ =	sdelay $0x1  }
0x109: {  	v4 =	vmul.f32 v5, v4;
	_ =	sdelay $0x1  }
0x10a: {  	[tilespmem:s21+$0x8E30] =	vst v4;
	v4 =	vld [tilespmem:s21+$0xE40]  }
0x10b: {  	v5 =	vld [tilespmem:$0x140];
	_ =	sdelay $0x4  }
0x10c: {  	v4 =	vmul.f32 v5, v4;
	_ =	sdelay $0x1  }
0x10d: {  	v5 =	vmul.f32 v4, v3;
	_ =	sdelay $0x1  }
0x10e: {  	v5 =	vadd.f32 v5, v2;
	_ =	sdelay $0x1  }
0x10f: {  	v5 =	vmul.f32 v5, v4;
	_ =	sdelay $0x1  }
0x110: {  	v5 =	vadd.f32 v5, v1;
	_ =	sdelay $0x1  }
0x111: {  	v4 =	vmul.f32 v5, v4;
	_ =	sdelay $0x1  }
0x112: {  	[tilespmem:s21+$0x8E40] =	vst v4;
	v4 =	vld [tilespmem:s21+$0xE50]  }
0x113: {  	v5 =	vld [tilespmem:$0x150];
	_ =	sdelay $0x4  }
0x114: {  	v4 =	vmul.f32 v5, v4;
	_ =	sdelay $0x1  }
0x115: {  	v5 =	vmul.f32 v4, v3;
	_ =	sdelay $0x1  }
0x116: {  	v5 =	vadd.f32 v5, v2;
	_ =	sdelay $0x1  }
0x117: {  	v5 =	vmul.f32 v5, v4;
	_ =	sdelay $0x1  }
0x118: {  	v5 =	vadd.f32 v5, v1;
	_ =	sdelay $0x1  }
0x119: {  	v4 =	vmul.f32 v5, v4;
	_ =	sdelay $0x1  }
0x11a: {  	[tilespmem:s21+$0x8E50] =	vst v4;
	v4 =	vld [tilespmem:s21+$0xE60]  }
0x11b: {  	v5 =	vld [tilespmem:$0x160];
	_ =	sdelay $0x4  }
0x11c: {  	v4 =	vmul.f32 v5, v4;
	_ =	sdelay $0x1  }
0x11d: {  	v5 =	vmul.f32 v4, v3;
	_ =	sdelay $0x1  }
0x11e: {  	v5 =	vadd.f32 v5, v2;
	_ =	sdelay $0x1  }
0x11f: {  	v5 =	vmul.f32 v5, v4;
	_ =	sdelay $0x1  }
0x120: {  	v5 =	vadd.f32 v5, v1;
	_ =	sdelay $0x1  }
0x121: {  	v4 =	vmul.f32 v5, v4;
	_ =	sdelay $0x1  }
0x122: {  	[tilespmem:s21+$0x8E60] =	vst v4;
	v4 =	vld [tilespmem:s21+$0xE70]  }
0x123: {  	v5 =	vld [tilespmem:$0x170];
	_ =	sdelay $0x4  }
0x124: {  	v4 =	vmul.f32 v5, v4;
	_ =	sdelay $0x1  }
0x125: {  	v5 =	vmul.f32 v4, v3;
	_ =	sdelay $0x1  }
0x126: {  	v5 =	vadd.f32 v5, v2;
	_ =	sdelay $0x1  }
0x127: {  	v5 =	vmul.f32 v5, v4;
	_ =	sdelay $0x1  }
0x128: {  	v5 =	vadd.f32 v5, v1;
	_ =	sdelay $0x1  }
0x129: {  	v4 =	vmul.f32 v5, v4;
	_ =	sdelay $0x1  }
0x12a: {  	[tilespmem:s21+$0x8E70] =	vst v4;
	v4 =	vld [tilespmem:s21+$0x1200]  }
0x12b: {  	v5 =	vld [tilespmem:$0x180];
	_ =	sdelay $0x4  }
0x12c: {  	v4 =	vmul.f32 v5, v4;
	_ =	sdelay $0x1  }
0x12d: {  	v5 =	vmul.f32 v4, v3;
	_ =	sdelay $0x1  }
0x12e: {  	v5 =	vadd.f32 v5, v2;
	_ =	sdelay $0x1  }
0x12f: {  	v5 =	vmul.f32 v5, v4;
	_ =	sdelay $0x1  }
0x130: {  	v5 =	vadd.f32 v5, v1;
	_ =	sdelay $0x1  }
0x131: {  	v4 =	vmul.f32 v5, v4;
	_ =	sdelay $0x1  }
0x132: {  	[tilespmem:s21+$0x9200] =	vst v4;
	v4 =	vld [tilespmem:s21+$0x1210]  }
0x133: {  	v5 =	vld [tilespmem:$0x190];
	_ =	sdelay $0x4  }
0x134: {  	v4 =	vmul.f32 v5, v4;
	_ =	sdelay $0x1  }
0x135: {  	v5 =	vmul.f32 v4, v3;
	_ =	sdelay $0x1  }
0x136: {  	v5 =	vadd.f32 v5, v2;
	_ =	sdelay $0x1  }
0x137: {  	v5 =	vmul.f32 v5, v4;
	_ =	sdelay $0x1  }
0x138: {  	v5 =	vadd.f32 v5, v1;
	_ =	sdelay $0x1  }
0x139: {  	v4 =	vmul.f32 v5, v4;
	_ =	sdelay $0x1  }
0x13a: {  	[tilespmem:s21+$0x9210] =	vst v4;
	v4 =	vld [tilespmem:s21+$0x1220]  }
0x13b: {  	v5 =	vld [tilespmem:$0x1A0];
	_ =	sdelay $0x4  }
0x13c: {  	v4 =	vmul.f32 v5, v4;
	_ =	sdelay $0x1  }
0x13d: {  	v5 =	vmul.f32 v4, v3;
	_ =	sdelay $0x1  }
0x13e: {  	v5 =	vadd.f32 v5, v2;
	_ =	sdelay $0x1  }
0x13f: {  	v5 =	vmul.f32 v5, v4;
	_ =	sdelay $0x1  }
0x140: {  	v5 =	vadd.f32 v5, v1;
	_ =	sdelay $0x1  }
0x141: {  	v4 =	vmul.f32 v5, v4;
	_ =	sdelay $0x1  }
0x142: {  	[tilespmem:s21+$0x9220] =	vst v4;
	v4 =	vld [tilespmem:s21+$0x1230]  }
0x143: {  	v5 =	vld [tilespmem:$0x1B0];
	_ =	sdelay $0x4  }
0x144: {  	v4 =	vmul.f32 v5, v4;
	_ =	sdelay $0x1  }
0x145: {  	v5 =	vmul.f32 v4, v3;
	_ =	sdelay $0x1  }
0x146: {  	v5 =	vadd.f32 v5, v2;
	_ =	sdelay $0x1  }
0x147: {  	v5 =	vmul.f32 v5, v4;
	_ =	sdelay $0x1  }
0x148: {  	v5 =	vadd.f32 v5, v1;
	_ =	sdelay $0x1  }
0x149: {  	v4 =	vmul.f32 v5, v4;
	_ =	sdelay $0x1  }
0x14a: {  	[tilespmem:s21+$0x9230] =	vst v4;
	v4 =	vld [tilespmem:s21+$0x1240]  }
0x14b: {  	v5 =	vld [tilespmem:$0x1C0];
	_ =	sdelay $0x4  }
0x14c: {  	v4 =	vmul.f32 v5, v4;
	_ =	sdelay $0x1  }
0x14d: {  	v5 =	vmul.f32 v4, v3;
	_ =	sdelay $0x1  }
0x14e: {  	v5 =	vadd.f32 v5, v2;
	_ =	sdelay $0x1  }
0x14f: {  	v5 =	vmul.f32 v5, v4;
	_ =	sdelay $0x1  }
0x150: {  	v5 =	vadd.f32 v5, v1;
	_ =	sdelay $0x1  }
0x151: {  	v4 =	vmul.f32 v5, v4;
	_ =	sdelay $0x1  }
0x152: {  	[tilespmem:s21+$0x9240] =	vst v4;
	v4 =	vld [tilespmem:s21+$0x1250]  }
0x153: {  	v5 =	vld [tilespmem:$0x1D0];
	_ =	sdelay $0x4  }
0x154: {  	v4 =	vmul.f32 v5, v4;
	_ =	sdelay $0x1  }
0x155: {  	v5 =	vmul.f32 v4, v3;
	_ =	sdelay $0x1  }
0x156: {  	v5 =	vadd.f32 v5, v2;
	_ =	sdelay $0x1  }
0x157: {  	v5 =	vmul.f32 v5, v4;
	_ =	sdelay $0x1  }
0x158: {  	v5 =	vadd.f32 v5, v1;
	_ =	sdelay $0x1  }
0x159: {  	v4 =	vmul.f32 v5, v4;
	_ =	sdelay $0x1  }
0x15a: {  	[tilespmem:s21+$0x9250] =	vst v4;
	v4 =	vld [tilespmem:s21+$0x1260]  }
0x15b: {  	v5 =	vld [tilespmem:$0x1E0];
	_ =	sdelay $0x4  }
0x15c: {  	v4 =	vmul.f32 v5, v4;
	_ =	sdelay $0x1  }
0x15d: {  	v5 =	vmul.f32 v4, v3;
	_ =	sdelay $0x1  }
0x15e: {  	v5 =	vadd.f32 v5, v2;
	_ =	sdelay $0x1  }
0x15f: {  	v5 =	vmul.f32 v5, v4;
	_ =	sdelay $0x1  }
0x160: {  	v5 =	vadd.f32 v5, v1;
	_ =	sdelay $0x1  }
0x161: {  	v4 =	vmul.f32 v5, v4;
	_ =	sdelay $0x1  }
0x162: {  	[tilespmem:s21+$0x9260] =	vst v4;
	v4 =	vld [tilespmem:s21+$0x1270]  }
0x163: {  	v5 =	vld [tilespmem:$0x1F0];
	_ =	sdelay $0x4  }
0x164: {  	v4 =	vmul.f32 v5, v4;
	_ =	sdelay $0x1  }
0x165: {  	v5 =	vmul.f32 v4, v3;
	_ =	sdelay $0x1  }
0x166: {  	v5 =	vadd.f32 v5, v2;
	_ =	sdelay $0x1  }
0x167: {  	v5 =	vmul.f32 v5, v4;
	_ =	sdelay $0x1  }
0x168: {  	v5 =	vadd.f32 v5, v1;
	_ =	sdelay $0x1  }
0x169: {  	v4 =	vmul.f32 v5, v4;
	_ =	sdelay $0x1  }
0x16a: {  	[tilespmem:s21+$0x9270] =	vst v4;
	v4 =	vld [tilespmem:s21+$0x1600]  }
0x16b: {  	v5 =	vld [tilespmem:$0x200];
	_ =	sdelay $0x4  }
0x16c: {  	v4 =	vmul.f32 v5, v4;
	_ =	sdelay $0x1  }
0x16d: {  	v5 =	vmul.f32 v4, v3;
	_ =	sdelay $0x1  }
0x16e: {  	v5 =	vadd.f32 v5, v2;
	_ =	sdelay $0x1  }
0x16f: {  	v5 =	vmul.f32 v5, v4;
	_ =	sdelay $0x1  }
0x170: {  	v5 =	vadd.f32 v5, v1;
	_ =	sdelay $0x1  }
0x171: {  	v4 =	vmul.f32 v5, v4;
	_ =	sdelay $0x1  }
0x172: {  	[tilespmem:s21+$0x9600] =	vst v4;
	v4 =	vld [tilespmem:s21+$0x1610]  }
0x173: {  	v5 =	vld [tilespmem:$0x210];
	_ =	sdelay $0x4  }
0x174: {  	v4 =	vmul.f32 v5, v4;
	_ =	sdelay $0x1  }
0x175: {  	v5 =	vmul.f32 v4, v3;
	_ =	sdelay $0x1  }
0x176: {  	v5 =	vadd.f32 v5, v2;
	_ =	sdelay $0x1  }
0x177: {  	v5 =	vmul.f32 v5, v4;
	_ =	sdelay $0x1  }
0x178: {  	v5 =	vadd.f32 v5, v1;
	_ =	sdelay $0x1  }
0x179: {  	v4 =	vmul.f32 v5, v4;
	_ =	sdelay $0x1  }
0x17a: {  	[tilespmem:s21+$0x9610] =	vst v4;
	v4 =	vld [tilespmem:s21+$0x1620]  }
0x17b: {  	v5 =	vld [tilespmem:$0x220];
	_ =	sdelay $0x4  }
0x17c: {  	v4 =	vmul.f32 v5, v4;
	_ =	sdelay $0x1  }
0x17d: {  	v5 =	vmul.f32 v4, v3;
	_ =	sdelay $0x1  }
0x17e: {  	v5 =	vadd.f32 v5, v2;
	_ =	sdelay $0x1  }
0x17f: {  	v5 =	vmul.f32 v5, v4;
	_ =	sdelay $0x1  }
0x180: {  	v5 =	vadd.f32 v5, v1;
	_ =	sdelay $0x1  }
0x181: {  	v4 =	vmul.f32 v5, v4;
	_ =	sdelay $0x1  }
0x182: {  	[tilespmem:s21+$0x9620] =	vst v4;
	v4 =	vld [tilespmem:s21+$0x1630]  }
0x183: {  	v5 =	vld [tilespmem:$0x230];
	_ =	sdelay $0x4  }
0x184: {  	v4 =	vmul.f32 v5, v4;
	_ =	sdelay $0x1  }
0x185: {  	v5 =	vmul.f32 v4, v3;
	_ =	sdelay $0x1  }
0x186: {  	v5 =	vadd.f32 v5, v2;
	_ =	sdelay $0x1  }
0x187: {  	v5 =	vmul.f32 v5, v4;
	_ =	sdelay $0x1  }
0x188: {  	v5 =	vadd.f32 v5, v1;
	_ =	sdelay $0x1  }
0x189: {  	v4 =	vmul.f32 v5, v4;
	_ =	sdelay $0x1  }
0x18a: {  	[tilespmem:s21+$0x9630] =	vst v4;
	v4 =	vld [tilespmem:s21+$0x1640]  }
0x18b: {  	v5 =	vld [tilespmem:$0x240];
	_ =	sdelay $0x4  }
0x18c: {  	v4 =	vmul.f32 v5, v4;
	_ =	sdelay $0x1  }
0x18d: {  	v5 =	vmul.f32 v4, v3;
	_ =	sdelay $0x1  }
0x18e: {  	v5 =	vadd.f32 v5, v2;
	_ =	sdelay $0x1  }
0x18f: {  	v5 =	vmul.f32 v5, v4;
	_ =	sdelay $0x1  }
0x190: {  	v5 =	vadd.f32 v5, v1;
	_ =	sdelay $0x1  }
0x191: {  	v4 =	vmul.f32 v5, v4;
	_ =	sdelay $0x1  }
0x192: {  	[tilespmem:s21+$0x9640] =	vst v4;
	v4 =	vld [tilespmem:s21+$0x1650]  }
0x193: {  	v5 =	vld [tilespmem:$0x250];
	_ =	sdelay $0x4  }
0x194: {  	v4 =	vmul.f32 v5, v4;
	_ =	sdelay $0x1  }
0x195: {  	v5 =	vmul.f32 v4, v3;
	_ =	sdelay $0x1  }
0x196: {  	v5 =	vadd.f32 v5, v2;
	_ =	sdelay $0x1  }
0x197: {  	v5 =	vmul.f32 v5, v4;
	_ =	sdelay $0x1  }
0x198: {  	v5 =	vadd.f32 v5, v1;
	_ =	sdelay $0x1  }
0x199: {  	v4 =	vmul.f32 v5, v4;
	_ =	sdelay $0x1  }
0x19a: {  	[tilespmem:s21+$0x9650] =	vst v4;
	v4 =	vld [tilespmem:s21+$0x1660]  }
0x19b: {  	v5 =	vld [tilespmem:$0x260];
	_ =	sdelay $0x4  }
0x19c: {  	v4 =	vmul.f32 v5, v4;
	_ =	sdelay $0x1  }
0x19d: {  	v5 =	vmul.f32 v4, v3;
	_ =	sdelay $0x1  }
0x19e: {  	v5 =	vadd.f32 v5, v2;
	_ =	sdelay $0x1  }
0x19f: {  	v5 =	vmul.f32 v5, v4;
	_ =	sdelay $0x1  }
0x1a0: {  	v5 =	vadd.f32 v5, v1;
	_ =	sdelay $0x1  }
0x1a1: {  	v4 =	vmul.f32 v5, v4;
	_ =	sdelay $0x1  }
0x1a2: {  	[tilespmem:s21+$0x9660] =	vst v4;
	v4 =	vld [tilespmem:s21+$0x1670]  }
0x1a3: {  	v5 =	vld [tilespmem:$0x270];
	_ =	sdelay $0x4  }
0x1a4: {  	v4 =	vmul.f32 v5, v4;
	_ =	sdelay $0x1  }
0x1a5: {  	v5 =	vmul.f32 v4, v3;
	_ =	sdelay $0x1  }
0x1a6: {  	v5 =	vadd.f32 v5, v2;
	_ =	sdelay $0x1  }
0x1a7: {  	v5 =	vmul.f32 v5, v4;
	_ =	sdelay $0x1  }
0x1a8: {  	v5 =	vadd.f32 v5, v1;
	_ =	sdelay $0x1  }
0x1a9: {  	v4 =	vmul.f32 v5, v4;
	_ =	sdelay $0x1  }
0x1aa: {  	[tilespmem:s21+$0x9670] =	vst v4;
	v4 =	vld [tilespmem:s21+$0x1A00]  }
0x1ab: {  	v5 =	vld [tilespmem:$0x280];
	_ =	sdelay $0x4  }
0x1ac: {  	v4 =	vmul.f32 v5, v4;
	_ =	sdelay $0x1  }
0x1ad: {  	v5 =	vmul.f32 v4, v3;
	_ =	sdelay $0x1  }
0x1ae: {  	v5 =	vadd.f32 v5, v2;
	_ =	sdelay $0x1  }
0x1af: {  	v5 =	vmul.f32 v5, v4;
	_ =	sdelay $0x1  }
0x1b0: {  	v5 =	vadd.f32 v5, v1;
	_ =	sdelay $0x1  }
0x1b1: {  	v4 =	vmul.f32 v5, v4;
	_ =	sdelay $0x1  }
0x1b2: {  	[tilespmem:s21+$0x9A00] =	vst v4;
	v4 =	vld [tilespmem:s21+$0x1A10]  }
0x1b3: {  	v5 =	vld [tilespmem:$0x290];
	_ =	sdelay $0x4  }
0x1b4: {  	v4 =	vmul.f32 v5, v4;
	_ =	sdelay $0x1  }
0x1b5: {  	v5 =	vmul.f32 v4, v3;
	_ =	sdelay $0x1  }
0x1b6: {  	v5 =	vadd.f32 v5, v2;
	_ =	sdelay $0x1  }
0x1b7: {  	v5 =	vmul.f32 v5, v4;
	_ =	sdelay $0x1  }
0x1b8: {  	v5 =	vadd.f32 v5, v1;
	_ =	sdelay $0x1  }
0x1b9: {  	v4 =	vmul.f32 v5, v4;
	_ =	sdelay $0x1  }
0x1ba: {  	[tilespmem:s21+$0x9A10] =	vst v4;
	v4 =	vld [tilespmem:s21+$0x1A20]  }
0x1bb: {  	v5 =	vld [tilespmem:$0x2A0];
	_ =	sdelay $0x4  }
0x1bc: {  	v4 =	vmul.f32 v5, v4;
	_ =	sdelay $0x1  }
0x1bd: {  	v5 =	vmul.f32 v4, v3;
	_ =	sdelay $0x1  }
0x1be: {  	v5 =	vadd.f32 v5, v2;
	_ =	sdelay $0x1  }
0x1bf: {  	v5 =	vmul.f32 v5, v4;
	_ =	sdelay $0x1  }
0x1c0: {  	v5 =	vadd.f32 v5, v1;
	_ =	sdelay $0x1  }
0x1c1: {  	v4 =	vmul.f32 v5, v4;
	_ =	sdelay $0x1  }
0x1c2: {  	[tilespmem:s21+$0x9A20] =	vst v4;
	v4 =	vld [tilespmem:s21+$0x1A30]  }
0x1c3: {  	v5 =	vld [tilespmem:$0x2B0];
	_ =	sdelay $0x4  }
0x1c4: {  	v4 =	vmul.f32 v5, v4;
	_ =	sdelay $0x1  }
0x1c5: {  	v5 =	vmul.f32 v4, v3;
	_ =	sdelay $0x1  }
0x1c6: {  	v5 =	vadd.f32 v5, v2;
	_ =	sdelay $0x1  }
0x1c7: {  	v5 =	vmul.f32 v5, v4;
	_ =	sdelay $0x1  }
0x1c8: {  	v5 =	vadd.f32 v5, v1;
	_ =	sdelay $0x1  }
0x1c9: {  	v4 =	vmul.f32 v5, v4;
	_ =	sdelay $0x1  }
0x1ca: {  	[tilespmem:s21+$0x9A30] =	vst v4;
	v4 =	vld [tilespmem:s21+$0x1A40]  }
0x1cb: {  	v5 =	vld [tilespmem:$0x2C0];
	_ =	sdelay $0x4  }
0x1cc: {  	v4 =	vmul.f32 v5, v4;
	_ =	sdelay $0x1  }
0x1cd: {  	v5 =	vmul.f32 v4, v3;
	_ =	sdelay $0x1  }
0x1ce: {  	v5 =	vadd.f32 v5, v2;
	_ =	sdelay $0x1  }
0x1cf: {  	v5 =	vmul.f32 v5, v4;
	_ =	sdelay $0x1  }
0x1d0: {  	v5 =	vadd.f32 v5, v1;
	_ =	sdelay $0x1  }
0x1d1: {  	v4 =	vmul.f32 v5, v4;
	_ =	sdelay $0x1  }
0x1d2: {  	[tilespmem:s21+$0x9A40] =	vst v4;
	v4 =	vld [tilespmem:s21+$0x1A50]  }
0x1d3: {  	v5 =	vld [tilespmem:$0x2D0];
	_ =	sdelay $0x4  }
0x1d4: {  	v4 =	vmul.f32 v5, v4;
	_ =	sdelay $0x1  }
0x1d5: {  	v5 =	vmul.f32 v4, v3;
	_ =	sdelay $0x1  }
0x1d6: {  	v5 =	vadd.f32 v5, v2;
	_ =	sdelay $0x1  }
0x1d7: {  	v5 =	vmul.f32 v5, v4;
	_ =	sdelay $0x1  }
0x1d8: {  	v5 =	vadd.f32 v5, v1;
	_ =	sdelay $0x1  }
0x1d9: {  	v4 =	vmul.f32 v5, v4;
	_ =	sdelay $0x1  }
0x1da: {  	[tilespmem:s21+$0x9A50] =	vst v4;
	v4 =	vld [tilespmem:s21+$0x1A60]  }
0x1db: {  	v5 =	vld [tilespmem:$0x2E0];
	_ =	sdelay $0x4  }
0x1dc: {  	v4 =	vmul.f32 v5, v4;
	_ =	sdelay $0x1  }
0x1dd: {  	v5 =	vmul.f32 v4, v3;
	_ =	sdelay $0x1  }
0x1de: {  	v5 =	vadd.f32 v5, v2;
	_ =	sdelay $0x1  }
0x1df: {  	v5 =	vmul.f32 v5, v4;
	_ =	sdelay $0x1  }
0x1e0: {  	v5 =	vadd.f32 v5, v1;
	_ =	sdelay $0x1  }
0x1e1: {  	v4 =	vmul.f32 v5, v4;
	_ =	sdelay $0x1  }
0x1e2: {  	[tilespmem:s21+$0x9A60] =	vst v4;
	v4 =	vld [tilespmem:s21+$0x1A70]  }
0x1e3: {  	v5 =	vld [tilespmem:$0x2F0];
	_ =	sdelay $0x4  }
0x1e4: {  	v4 =	vmul.f32 v5, v4;
	_ =	sdelay $0x1  }
0x1e5: {  	v5 =	vmul.f32 v4, v3;
	_ =	sdelay $0x1  }
0x1e6: {  	v5 =	vadd.f32 v5, v2;
	_ =	sdelay $0x1  }
0x1e7: {  	v5 =	vmul.f32 v5, v4;
	_ =	sdelay $0x1  }
0x1e8: {  	v5 =	vadd.f32 v5, v1;
	_ =	sdelay $0x1  }
0x1e9: {  	v4 =	vmul.f32 v5, v4;
	_ =	sdelay $0x1  }
0x1ea: {  	[tilespmem:s21+$0x9A70] =	vst v4;
	v4 =	vld [tilespmem:s21+$0x1E00]  }
0x1eb: {  	v5 =	vld [tilespmem:$0x300];
	_ =	sdelay $0x4  }
0x1ec: {  	v4 =	vmul.f32 v5, v4;
	_ =	sdelay $0x1  }
0x1ed: {  	v5 =	vmul.f32 v4, v3;
	_ =	sdelay $0x1  }
0x1ee: {  	v5 =	vadd.f32 v5, v2;
	_ =	sdelay $0x1  }
0x1ef: {  	v5 =	vmul.f32 v5, v4;
	_ =	sdelay $0x1  }
0x1f0: {  	v5 =	vadd.f32 v5, v1;
	_ =	sdelay $0x1  }
0x1f1: {  	v4 =	vmul.f32 v5, v4;
	_ =	sdelay $0x1  }
0x1f2: {  	[tilespmem:s21+$0x9E00] =	vst v4;
	v4 =	vld [tilespmem:s21+$0x1E10]  }
0x1f3: {  	v5 =	vld [tilespmem:$0x310];
	_ =	sdelay $0x4  }
0x1f4: {  	v4 =	vmul.f32 v5, v4;
	_ =	sdelay $0x1  }
0x1f5: {  	v5 =	vmul.f32 v4, v3;
	_ =	sdelay $0x1  }
0x1f6: {  	v5 =	vadd.f32 v5, v2;
	_ =	sdelay $0x1  }
0x1f7: {  	v5 =	vmul.f32 v5, v4;
	_ =	sdelay $0x1  }
0x1f8: {  	v5 =	vadd.f32 v5, v1;
	_ =	sdelay $0x1  }
0x1f9: {  	v4 =	vmul.f32 v5, v4;
	_ =	sdelay $0x1  }
0x1fa: {  	[tilespmem:s21+$0x9E10] =	vst v4;
	v4 =	vld [tilespmem:s21+$0x1E20]  }
0x1fb: {  	v5 =	vld [tilespmem:$0x320];
	_ =	sdelay $0x4  }
0x1fc: {  	v4 =	vmul.f32 v5, v4;
	_ =	sdelay $0x1  }
0x1fd: {  	v5 =	vmul.f32 v4, v3;
	_ =	sdelay $0x1  }
0x1fe: {  	v5 =	vadd.f32 v5, v2;
	_ =	sdelay $0x1  }
0x1ff: {  	v5 =	vmul.f32 v5, v4;
	_ =	sdelay $0x1  }
0x200: {  	v5 =	vadd.f32 v5, v1;
	_ =	sdelay $0x1  }
0x201: {  	v4 =	vmul.f32 v5, v4;
	_ =	sdelay $0x1  }
0x202: {  	[tilespmem:s21+$0x9E20] =	vst v4;
	v4 =	vld [tilespmem:s21+$0x1E30]  }
0x203: {  	v5 =	vld [tilespmem:$0x330];
	_ =	sdelay $0x4  }
0x204: {  	v4 =	vmul.f32 v5, v4;
	_ =	sdelay $0x1  }
0x205: {  	v5 =	vmul.f32 v4, v3;
	_ =	sdelay $0x1  }
0x206: {  	v5 =	vadd.f32 v5, v2;
	_ =	sdelay $0x1  }
0x207: {  	v5 =	vmul.f32 v5, v4;
	_ =	sdelay $0x1  }
0x208: {  	v5 =	vadd.f32 v5, v1;
	_ =	sdelay $0x1  }
0x209: {  	v4 =	vmul.f32 v5, v4;
	_ =	sdelay $0x1  }
0x20a: {  	[tilespmem:s21+$0x9E30] =	vst v4;
	v4 =	vld [tilespmem:s21+$0x1E40]  }
0x20b: {  	v5 =	vld [tilespmem:$0x340];
	_ =	sdelay $0x4  }
0x20c: {  	v4 =	vmul.f32 v5, v4;
	_ =	sdelay $0x1  }
0x20d: {  	v5 =	vmul.f32 v4, v3;
	_ =	sdelay $0x1  }
0x20e: {  	v5 =	vadd.f32 v5, v2;
	_ =	sdelay $0x1  }
0x20f: {  	v5 =	vmul.f32 v5, v4;
	_ =	sdelay $0x1  }
0x210: {  	v5 =	vadd.f32 v5, v1;
	_ =	sdelay $0x1  }
0x211: {  	v4 =	vmul.f32 v5, v4;
	_ =	sdelay $0x1  }
0x212: {  	[tilespmem:s21+$0x9E40] =	vst v4;
	v4 =	vld [tilespmem:s21+$0x1E50]  }
0x213: {  	v5 =	vld [tilespmem:$0x350];
	_ =	sdelay $0x4  }
0x214: {  	v4 =	vmul.f32 v5, v4;
	_ =	sdelay $0x1  }
0x215: {  	v5 =	vmul.f32 v4, v3;
	_ =	sdelay $0x1  }
0x216: {  	v5 =	vadd.f32 v5, v2;
	_ =	sdelay $0x1  }
0x217: {  	v5 =	vmul.f32 v5, v4;
	_ =	sdelay $0x1  }
0x218: {  	v5 =	vadd.f32 v5, v1;
	_ =	sdelay $0x1  }
0x219: {  	v4 =	vmul.f32 v5, v4;
	_ =	sdelay $0x1  }
0x21a: {  	[tilespmem:s21+$0x9E50] =	vst v4;
	v4 =	vld [tilespmem:s21+$0x1E60]  }
0x21b: {  	v5 =	vld [tilespmem:$0x360];
	_ =	sdelay $0x4  }
0x21c: {  	v4 =	vmul.f32 v5, v4;
	_ =	sdelay $0x1  }
0x21d: {  	v5 =	vmul.f32 v4, v3;
	_ =	sdelay $0x1  }
0x21e: {  	v5 =	vadd.f32 v5, v2;
	_ =	sdelay $0x1  }
0x21f: {  	v5 =	vmul.f32 v5, v4;
	_ =	sdelay $0x1  }
0x220: {  	v5 =	vadd.f32 v5, v1;
	_ =	sdelay $0x1  }
0x221: {  	v4 =	vmul.f32 v5, v4;
	_ =	sdelay $0x1  }
0x222: {  	[tilespmem:s21+$0x9E60] =	vst v4;
	v4 =	vld [tilespmem:s21+$0x1E70]  }
0x223: {  	v5 =	vld [tilespmem:$0x370];
	_ =	sdelay $0x4  }
0x224: {  	v4 =	vmul.f32 v5, v4;
	_ =	sdelay $0x1  }
0x225: {  	v5 =	vmul.f32 v4, v3;
	_ =	sdelay $0x1  }
0x226: {  	v5 =	vadd.f32 v5, v2;
	_ =	sdelay $0x1  }
0x227: {  	v5 =	vmul.f32 v5, v4;
	_ =	sdelay $0x1  }
0x228: {  	v5 =	vadd.f32 v5, v1;
	_ =	sdelay $0x1  }
0x229: {  	v4 =	vmul.f32 v5, v4;
	_ =	sdelay $0x1  }
0x22a: {  	[tilespmem:s21+$0x9E70] =	vst v4;
	v4 =	vld [tilespmem:s21+$0x2200]  }
0x22b: {  	v5 =	vld [tilespmem:$0x380];
	_ =	sdelay $0x4  }
0x22c: {  	v4 =	vmul.f32 v5, v4;
	_ =	sdelay $0x1  }
0x22d: {  	v5 =	vmul.f32 v4, v3;
	_ =	sdelay $0x1  }
0x22e: {  	v5 =	vadd.f32 v5, v2;
	_ =	sdelay $0x1  }
0x22f: {  	v5 =	vmul.f32 v5, v4;
	_ =	sdelay $0x1  }
0x230: {  	v5 =	vadd.f32 v5, v1;
	_ =	sdelay $0x1  }
0x231: {  	v4 =	vmul.f32 v5, v4;
	_ =	sdelay $0x1  }
0x232: {  	[tilespmem:s21+$0xA200] =	vst v4;
	v4 =	vld [tilespmem:s21+$0x2210]  }
0x233: {  	v5 =	vld [tilespmem:$0x390];
	_ =	sdelay $0x4  }
0x234: {  	v4 =	vmul.f32 v5, v4;
	_ =	sdelay $0x1  }
0x235: {  	v5 =	vmul.f32 v4, v3;
	_ =	sdelay $0x1  }
0x236: {  	v5 =	vadd.f32 v5, v2;
	_ =	sdelay $0x1  }
0x237: {  	v5 =	vmul.f32 v5, v4;
	_ =	sdelay $0x1  }
0x238: {  	v5 =	vadd.f32 v5, v1;
	_ =	sdelay $0x1  }
0x239: {  	v4 =	vmul.f32 v5, v4;
	_ =	sdelay $0x1  }
0x23a: {  	[tilespmem:s21+$0xA210] =	vst v4;
	v4 =	vld [tilespmem:s21+$0x2220]  }
0x23b: {  	v5 =	vld [tilespmem:$0x3A0];
	_ =	sdelay $0x4  }
0x23c: {  	v4 =	vmul.f32 v5, v4;
	_ =	sdelay $0x1  }
0x23d: {  	v5 =	vmul.f32 v4, v3;
	_ =	sdelay $0x1  }
0x23e: {  	v5 =	vadd.f32 v5, v2;
	_ =	sdelay $0x1  }
0x23f: {  	v5 =	vmul.f32 v5, v4;
	_ =	sdelay $0x1  }
0x240: {  	v5 =	vadd.f32 v5, v1;
	_ =	sdelay $0x1  }
0x241: {  	v4 =	vmul.f32 v5, v4;
	_ =	sdelay $0x1  }
0x242: {  	[tilespmem:s21+$0xA220] =	vst v4;
	v4 =	vld [tilespmem:s21+$0x2230]  }
0x243: {  	v5 =	vld [tilespmem:$0x3B0];
	_ =	sdelay $0x4  }
0x244: {  	v4 =	vmul.f32 v5, v4;
	_ =	sdelay $0x1  }
0x245: {  	v5 =	vmul.f32 v4, v3;
	_ =	sdelay $0x1  }
0x246: {  	v5 =	vadd.f32 v5, v2;
	_ =	sdelay $0x1  }
0x247: {  	v5 =	vmul.f32 v5, v4;
	_ =	sdelay $0x1  }
0x248: {  	v5 =	vadd.f32 v5, v1;
	_ =	sdelay $0x1  }
0x249: {  	v4 =	vmul.f32 v5, v4;
	_ =	sdelay $0x1  }
0x24a: {  	[tilespmem:s21+$0xA230] =	vst v4;
	v4 =	vld [tilespmem:s21+$0x2240]  }
0x24b: {  	v5 =	vld [tilespmem:$0x3C0];
	_ =	sdelay $0x4  }
0x24c: {  	v4 =	vmul.f32 v5, v4;
	_ =	sdelay $0x1  }
0x24d: {  	v5 =	vmul.f32 v4, v3;
	_ =	sdelay $0x1  }
0x24e: {  	v5 =	vadd.f32 v5, v2;
	_ =	sdelay $0x1  }
0x24f: {  	v5 =	vmul.f32 v5, v4;
	_ =	sdelay $0x1  }
0x250: {  	v5 =	vadd.f32 v5, v1;
	_ =	sdelay $0x1  }
0x251: {  	v4 =	vmul.f32 v5, v4;
	_ =	sdelay $0x1  }
0x252: {  	[tilespmem:s21+$0xA240] =	vst v4;
	v4 =	vld [tilespmem:s21+$0x2250]  }
0x253: {  	v5 =	vld [tilespmem:$0x3D0];
	_ =	sdelay $0x4  }
0x254: {  	v4 =	vmul.f32 v5, v4;
	_ =	sdelay $0x1  }
0x255: {  	v5 =	vmul.f32 v4, v3;
	_ =	sdelay $0x1  }
0x256: {  	v5 =	vadd.f32 v5, v2;
	_ =	sdelay $0x1  }
0x257: {  	v5 =	vmul.f32 v5, v4;
	_ =	sdelay $0x1  }
0x258: {  	v5 =	vadd.f32 v5, v1;
	_ =	sdelay $0x1  }
0x259: {  	v4 =	vmul.f32 v5, v4;
	_ =	sdelay $0x1  }
0x25a: {  	[tilespmem:s21+$0xA250] =	vst v4;
	v4 =	vld [tilespmem:s21+$0x2260]  }
0x25b: {  	v5 =	vld [tilespmem:$0x3E0];
	_ =	sdelay $0x4  }
0x25c: {  	v4 =	vmul.f32 v5, v4;
	_ =	sdelay $0x1  }
0x25d: {  	v5 =	vmul.f32 v4, v3;
	_ =	sdelay $0x1  }
0x25e: {  	v5 =	vadd.f32 v5, v2;
	_ =	sdelay $0x1  }
0x25f: {  	v5 =	vmul.f32 v5, v4;
	_ =	sdelay $0x1  }
0x260: {  	v5 =	vadd.f32 v5, v1;
	_ =	sdelay $0x1  }
0x261: {  	v4 =	vmul.f32 v5, v4;
	_ =	sdelay $0x1  }
0x262: {  	[tilespmem:s21+$0xA260] =	vst v4;
	v4 =	vld [tilespmem:s21+$0x2270]  }
0x263: {  	v5 =	vld [tilespmem:$0x3F0];
	_ =	sdelay $0x4  }
0x264: {  	v4 =	vmul.f32 v5, v4;
	_ =	sdelay $0x1  }
0x265: {  	v5 =	vmul.f32 v4, v3;
	_ =	sdelay $0x1  }
0x266: {  	v5 =	vadd.f32 v5, v2;
	_ =	sdelay $0x1  }
0x267: {  	v5 =	vmul.f32 v5, v4;
	_ =	sdelay $0x1  }
0x268: {  	s31 =	simm.s32 $0x400;
	s22 =	simm.s32 $0x80;
	v5 =	vadd.f32 v5, v1  }
0x269: {  	s23 =	sand.u32 $0x2000, s31;
	s24 =	sand.u32 $0x380, s22  }
0x26a: {  	s24 =	sor.u32 s23, s24;
	s23 =	simm.s32 $0x800;
	s20 =	sor.u32 $0x600, s19;
	v4 =	vmul.f32 v5, v4  }
.LBB2_7:
0x26b: {  	p0 =	sne.s32 s23, $0x3C00;
	s24 =	sor.u32 s19, s24  }
0x26c: {  	v5 =	vld [tilespmem:s24+$0x600];
	[tilespmem:s21+$0xA270] =	vst v4;
	s21 =	smov.u32 s24  }
0x26d: {  	v4 =	vld [tilespmem:$0x0];
	_ =	sdelay $0x4  }
0x26e: {  	v4 =	vmul.f32 v4, v5;
	_ =	sdelay $0x1  }
0x26f: {  	v5 =	vmul.f32 v4, v3;
	_ =	sdelay $0x1  }
0x270: {  	v5 =	vadd.f32 v5, v2;
	_ =	sdelay $0x1  }
0x271: {  	v5 =	vmul.f32 v5, v4;
	_ =	sdelay $0x1  }
0x272: {  	v5 =	vadd.f32 v5, v1;
	_ =	sdelay $0x1  }
0x273: {  	v4 =	vmul.f32 v5, v4;
	_ =	sdelay $0x1  }
0x274: {  	[tilespmem:s21+$0x8600] =	vst v4;
	v4 =	vld [tilespmem:s21+$0x610]  }
0x275: {  	v5 =	vld [tilespmem:$0x10];
	_ =	sdelay $0x4  }
0x276: {  	v4 =	vmul.f32 v5, v4;
	_ =	sdelay $0x1  }
0x277: {  	v5 =	vmul.f32 v4, v3;
	_ =	sdelay $0x1  }
0x278: {  	v5 =	vadd.f32 v5, v2;
	_ =	sdelay $0x1  }
0x279: {  	v5 =	vmul.f32 v5, v4;
	_ =	sdelay $0x1  }
0x27a: {  	v5 =	vadd.f32 v5, v1;
	_ =	sdelay $0x1  }
0x27b: {  	v4 =	vmul.f32 v5, v4;
	_ =	sdelay $0x1  }
0x27c: {  	[tilespmem:s21+$0x8610] =	vst v4;
	v4 =	vld [tilespmem:s21+$0x620]  }
0x27d: {  	v5 =	vld [tilespmem:$0x20];
	_ =	sdelay $0x4  }
0x27e: {  	v4 =	vmul.f32 v5, v4;
	_ =	sdelay $0x1  }
0x27f: {  	v5 =	vmul.f32 v4, v3;
	_ =	sdelay $0x1  }
0x280: {  	v5 =	vadd.f32 v5, v2;
	_ =	sdelay $0x1  }
0x281: {  	v5 =	vmul.f32 v5, v4;
	_ =	sdelay $0x1  }
0x282: {  	v5 =	vadd.f32 v5, v1;
	_ =	sdelay $0x1  }
0x283: {  	v4 =	vmul.f32 v5, v4;
	_ =	sdelay $0x1  }
0x284: {  	[tilespmem:s21+$0x8620] =	vst v4;
	v4 =	vld [tilespmem:s21+$0x630]  }
0x285: {  	v5 =	vld [tilespmem:$0x30];
	_ =	sdelay $0x4  }
0x286: {  	v4 =	vmul.f32 v5, v4;
	_ =	sdelay $0x1  }
0x287: {  	v5 =	vmul.f32 v4, v3;
	_ =	sdelay $0x1  }
0x288: {  	v5 =	vadd.f32 v5, v2;
	_ =	sdelay $0x1  }
0x289: {  	v5 =	vmul.f32 v5, v4;
	_ =	sdelay $0x1  }
0x28a: {  	v5 =	vadd.f32 v5, v1;
	_ =	sdelay $0x1  }
0x28b: {  	v4 =	vmul.f32 v5, v4;
	_ =	sdelay $0x1  }
0x28c: {  	[tilespmem:s21+$0x8630] =	vst v4;
	v4 =	vld [tilespmem:s21+$0x640]  }
0x28d: {  	v5 =	vld [tilespmem:$0x40];
	_ =	sdelay $0x4  }
0x28e: {  	v4 =	vmul.f32 v5, v4;
	_ =	sdelay $0x1  }
0x28f: {  	v5 =	vmul.f32 v4, v3;
	_ =	sdelay $0x1  }
0x290: {  	v5 =	vadd.f32 v5, v2;
	_ =	sdelay $0x1  }
0x291: {  	v5 =	vmul.f32 v5, v4;
	_ =	sdelay $0x1  }
0x292: {  	v5 =	vadd.f32 v5, v1;
	_ =	sdelay $0x1  }
0x293: {  	v4 =	vmul.f32 v5, v4;
	_ =	sdelay $0x1  }
0x294: {  	[tilespmem:s21+$0x8640] =	vst v4;
	v4 =	vld [tilespmem:s21+$0x650]  }
0x295: {  	v5 =	vld [tilespmem:$0x50];
	_ =	sdelay $0x4  }
0x296: {  	v4 =	vmul.f32 v5, v4;
	_ =	sdelay $0x1  }
0x297: {  	v5 =	vmul.f32 v4, v3;
	_ =	sdelay $0x1  }
0x298: {  	v5 =	vadd.f32 v5, v2;
	_ =	sdelay $0x1  }
0x299: {  	v5 =	vmul.f32 v5, v4;
	_ =	sdelay $0x1  }
0x29a: {  	v5 =	vadd.f32 v5, v1;
	_ =	sdelay $0x1  }
0x29b: {  	v4 =	vmul.f32 v5, v4;
	_ =	sdelay $0x1  }
0x29c: {  	[tilespmem:s21+$0x8650] =	vst v4;
	v4 =	vld [tilespmem:s21+$0x660]  }
0x29d: {  	v5 =	vld [tilespmem:$0x60];
	_ =	sdelay $0x4  }
0x29e: {  	v4 =	vmul.f32 v5, v4;
	_ =	sdelay $0x1  }
0x29f: {  	v5 =	vmul.f32 v4, v3;
	_ =	sdelay $0x1  }
0x2a0: {  	v5 =	vadd.f32 v5, v2;
	_ =	sdelay $0x1  }
0x2a1: {  	v5 =	vmul.f32 v5, v4;
	_ =	sdelay $0x1  }
0x2a2: {  	v5 =	vadd.f32 v5, v1;
	_ =	sdelay $0x1  }
0x2a3: {  	v4 =	vmul.f32 v5, v4;
	_ =	sdelay $0x1  }
0x2a4: {  	[tilespmem:s21+$0x8660] =	vst v4;
	v4 =	vld [tilespmem:s21+$0x670]  }
0x2a5: {  	v5 =	vld [tilespmem:$0x70];
	_ =	sdelay $0x4  }
0x2a6: {  	v4 =	vmul.f32 v5, v4;
	_ =	sdelay $0x1  }
0x2a7: {  	v5 =	vmul.f32 v4, v3;
	_ =	sdelay $0x1  }
0x2a8: {  	v5 =	vadd.f32 v5, v2;
	_ =	sdelay $0x1  }
0x2a9: {  	v5 =	vmul.f32 v5, v4;
	_ =	sdelay $0x1  }
0x2aa: {  	v5 =	vadd.f32 v5, v1;
	_ =	sdelay $0x1  }
0x2ab: {  	v4 =	vmul.f32 v5, v4;
	_ =	sdelay $0x1  }
0x2ac: {  	[tilespmem:s21+$0x8670] =	vst v4;
	v4 =	vld [tilespmem:s21+$0xA00]  }
0x2ad: {  	v5 =	vld [tilespmem:$0x80];
	_ =	sdelay $0x4  }
0x2ae: {  	v4 =	vmul.f32 v5, v4;
	_ =	sdelay $0x1  }
0x2af: {  	v5 =	vmul.f32 v4, v3;
	_ =	sdelay $0x1  }
0x2b0: {  	v5 =	vadd.f32 v5, v2;
	_ =	sdelay $0x1  }
0x2b1: {  	v5 =	vmul.f32 v5, v4;
	_ =	sdelay $0x1  }
0x2b2: {  	v5 =	vadd.f32 v5, v1;
	_ =	sdelay $0x1  }
0x2b3: {  	v4 =	vmul.f32 v5, v4;
	_ =	sdelay $0x1  }
0x2b4: {  	[tilespmem:s21+$0x8A00] =	vst v4;
	v4 =	vld [tilespmem:s21+$0xA10]  }
0x2b5: {  	v5 =	vld [tilespmem:$0x90];
	_ =	sdelay $0x4  }
0x2b6: {  	v4 =	vmul.f32 v5, v4;
	_ =	sdelay $0x1  }
0x2b7: {  	v5 =	vmul.f32 v4, v3;
	_ =	sdelay $0x1  }
0x2b8: {  	v5 =	vadd.f32 v5, v2;
	_ =	sdelay $0x1  }
0x2b9: {  	v5 =	vmul.f32 v5, v4;
	_ =	sdelay $0x1  }
0x2ba: {  	v5 =	vadd.f32 v5, v1;
	_ =	sdelay $0x1  }
0x2bb: {  	v4 =	vmul.f32 v5, v4;
	_ =	sdelay $0x1  }
0x2bc: {  	[tilespmem:s21+$0x8A10] =	vst v4;
	v4 =	vld [tilespmem:s21+$0xA20]  }
0x2bd: {  	v5 =	vld [tilespmem:$0xA0];
	_ =	sdelay $0x4  }
0x2be: {  	v4 =	vmul.f32 v5, v4;
	_ =	sdelay $0x1  }
0x2bf: {  	v5 =	vmul.f32 v4, v3;
	_ =	sdelay $0x1  }
0x2c0: {  	v5 =	vadd.f32 v5, v2;
	_ =	sdelay $0x1  }
0x2c1: {  	v5 =	vmul.f32 v5, v4;
	_ =	sdelay $0x1  }
0x2c2: {  	v5 =	vadd.f32 v5, v1;
	_ =	sdelay $0x1  }
0x2c3: {  	v4 =	vmul.f32 v5, v4;
	_ =	sdelay $0x1  }
0x2c4: {  	[tilespmem:s21+$0x8A20] =	vst v4;
	v4 =	vld [tilespmem:s21+$0xA30]  }
0x2c5: {  	v5 =	vld [tilespmem:$0xB0];
	_ =	sdelay $0x4  }
0x2c6: {  	v4 =	vmul.f32 v5, v4;
	_ =	sdelay $0x1  }
0x2c7: {  	v5 =	vmul.f32 v4, v3;
	_ =	sdelay $0x1  }
0x2c8: {  	v5 =	vadd.f32 v5, v2;
	_ =	sdelay $0x1  }
0x2c9: {  	v5 =	vmul.f32 v5, v4;
	_ =	sdelay $0x1  }
0x2ca: {  	v5 =	vadd.f32 v5, v1;
	_ =	sdelay $0x1  }
0x2cb: {  	v4 =	vmul.f32 v5, v4;
	_ =	sdelay $0x1  }
0x2cc: {  	[tilespmem:s21+$0x8A30] =	vst v4;
	v4 =	vld [tilespmem:s21+$0xA40]  }
0x2cd: {  	v5 =	vld [tilespmem:$0xC0];
	_ =	sdelay $0x4  }
0x2ce: {  	v4 =	vmul.f32 v5, v4;
	_ =	sdelay $0x1  }
0x2cf: {  	v5 =	vmul.f32 v4, v3;
	_ =	sdelay $0x1  }
0x2d0: {  	v5 =	vadd.f32 v5, v2;
	_ =	sdelay $0x1  }
0x2d1: {  	v5 =	vmul.f32 v5, v4;
	_ =	sdelay $0x1  }
0x2d2: {  	v5 =	vadd.f32 v5, v1;
	_ =	sdelay $0x1  }
0x2d3: {  	v4 =	vmul.f32 v5, v4;
	_ =	sdelay $0x1  }
0x2d4: {  	[tilespmem:s21+$0x8A40] =	vst v4;
	v4 =	vld [tilespmem:s21+$0xA50]  }
0x2d5: {  	v5 =	vld [tilespmem:$0xD0];
	_ =	sdelay $0x4  }
0x2d6: {  	v4 =	vmul.f32 v5, v4;
	_ =	sdelay $0x1  }
0x2d7: {  	v5 =	vmul.f32 v4, v3;
	_ =	sdelay $0x1  }
0x2d8: {  	v5 =	vadd.f32 v5, v2;
	_ =	sdelay $0x1  }
0x2d9: {  	v5 =	vmul.f32 v5, v4;
	_ =	sdelay $0x1  }
0x2da: {  	v5 =	vadd.f32 v5, v1;
	_ =	sdelay $0x1  }
0x2db: {  	v4 =	vmul.f32 v5, v4;
	_ =	sdelay $0x1  }
0x2dc: {  	[tilespmem:s21+$0x8A50] =	vst v4;
	v4 =	vld [tilespmem:s21+$0xA60]  }
0x2dd: {  	v5 =	vld [tilespmem:$0xE0];
	_ =	sdelay $0x4  }
0x2de: {  	v4 =	vmul.f32 v5, v4;
	_ =	sdelay $0x1  }
0x2df: {  	v5 =	vmul.f32 v4, v3;
	_ =	sdelay $0x1  }
0x2e0: {  	v5 =	vadd.f32 v5, v2;
	_ =	sdelay $0x1  }
0x2e1: {  	v5 =	vmul.f32 v5, v4;
	_ =	sdelay $0x1  }
0x2e2: {  	v5 =	vadd.f32 v5, v1;
	_ =	sdelay $0x1  }
0x2e3: {  	v4 =	vmul.f32 v5, v4;
	_ =	sdelay $0x1  }
0x2e4: {  	[tilespmem:s21+$0x8A60] =	vst v4;
	v4 =	vld [tilespmem:s21+$0xA70]  }
0x2e5: {  	v5 =	vld [tilespmem:$0xF0];
	_ =	sdelay $0x4  }
0x2e6: {  	v4 =	vmul.f32 v5, v4;
	_ =	sdelay $0x1  }
0x2e7: {  	v5 =	vmul.f32 v4, v3;
	_ =	sdelay $0x1  }
0x2e8: {  	v5 =	vadd.f32 v5, v2;
	_ =	sdelay $0x1  }
0x2e9: {  	v5 =	vmul.f32 v5, v4;
	_ =	sdelay $0x1  }
0x2ea: {  	v5 =	vadd.f32 v5, v1;
	_ =	sdelay $0x1  }
0x2eb: {  	v4 =	vmul.f32 v5, v4;
	_ =	sdelay $0x1  }
0x2ec: {  	[tilespmem:s21+$0x8A70] =	vst v4;
	v4 =	vld [tilespmem:s21+$0xE00]  }
0x2ed: {  	v5 =	vld [tilespmem:$0x100];
	_ =	sdelay $0x4  }
0x2ee: {  	v4 =	vmul.f32 v5, v4;
	_ =	sdelay $0x1  }
0x2ef: {  	v5 =	vmul.f32 v4, v3;
	_ =	sdelay $0x1  }
0x2f0: {  	v5 =	vadd.f32 v5, v2;
	_ =	sdelay $0x1  }
0x2f1: {  	v5 =	vmul.f32 v5, v4;
	_ =	sdelay $0x1  }
0x2f2: {  	v5 =	vadd.f32 v5, v1;
	_ =	sdelay $0x1  }
0x2f3: {  	v4 =	vmul.f32 v5, v4;
	_ =	sdelay $0x1  }
0x2f4: {  	[tilespmem:s21+$0x8E00] =	vst v4;
	v4 =	vld [tilespmem:s21+$0xE10]  }
0x2f5: {  	v5 =	vld [tilespmem:$0x110];
	_ =	sdelay $0x4  }
0x2f6: {  	v4 =	vmul.f32 v5, v4;
	_ =	sdelay $0x1  }
0x2f7: {  	v5 =	vmul.f32 v4, v3;
	_ =	sdelay $0x1  }
0x2f8: {  	v5 =	vadd.f32 v5, v2;
	_ =	sdelay $0x1  }
0x2f9: {  	v5 =	vmul.f32 v5, v4;
	_ =	sdelay $0x1  }
0x2fa: {  	v5 =	vadd.f32 v5, v1;
	_ =	sdelay $0x1  }
0x2fb: {  	v4 =	vmul.f32 v5, v4;
	_ =	sdelay $0x1  }
0x2fc: {  	[tilespmem:s21+$0x8E10] =	vst v4;
	v4 =	vld [tilespmem:s21+$0xE20]  }
0x2fd: {  	v5 =	vld [tilespmem:$0x120];
	_ =	sdelay $0x4  }
0x2fe: {  	v4 =	vmul.f32 v5, v4;
	_ =	sdelay $0x1  }
0x2ff: {  	v5 =	vmul.f32 v4, v3;
	_ =	sdelay $0x1  }
0x300: {  	v5 =	vadd.f32 v5, v2;
	_ =	sdelay $0x1  }
0x301: {  	v5 =	vmul.f32 v5, v4;
	_ =	sdelay $0x1  }
0x302: {  	v5 =	vadd.f32 v5, v1;
	_ =	sdelay $0x1  }
0x303: {  	v4 =	vmul.f32 v5, v4;
	_ =	sdelay $0x1  }
0x304: {  	[tilespmem:s21+$0x8E20] =	vst v4;
	v4 =	vld [tilespmem:s21+$0xE30]  }
0x305: {  	v5 =	vld [tilespmem:$0x130];
	_ =	sdelay $0x4  }
0x306: {  	v4 =	vmul.f32 v5, v4;
	_ =	sdelay $0x1  }
0x307: {  	v5 =	vmul.f32 v4, v3;
	_ =	sdelay $0x1  }
0x308: {  	v5 =	vadd.f32 v5, v2;
	_ =	sdelay $0x1  }
0x309: {  	v5 =	vmul.f32 v5, v4;
	_ =	sdelay $0x1  }
0x30a: {  	v5 =	vadd.f32 v5, v1;
	_ =	sdelay $0x1  }
0x30b: {  	v4 =	vmul.f32 v5, v4;
	_ =	sdelay $0x1  }
0x30c: {  	[tilespmem:s21+$0x8E30] =	vst v4;
	v4 =	vld [tilespmem:s21+$0xE40]  }
0x30d: {  	v5 =	vld [tilespmem:$0x140];
	_ =	sdelay $0x4  }
0x30e: {  	v4 =	vmul.f32 v5, v4;
	_ =	sdelay $0x1  }
0x30f: {  	v5 =	vmul.f32 v4, v3;
	_ =	sdelay $0x1  }
0x310: {  	v5 =	vadd.f32 v5, v2;
	_ =	sdelay $0x1  }
0x311: {  	v5 =	vmul.f32 v5, v4;
	_ =	sdelay $0x1  }
0x312: {  	v5 =	vadd.f32 v5, v1;
	_ =	sdelay $0x1  }
0x313: {  	v4 =	vmul.f32 v5, v4;
	_ =	sdelay $0x1  }
0x314: {  	[tilespmem:s21+$0x8E40] =	vst v4;
	v4 =	vld [tilespmem:s21+$0xE50]  }
0x315: {  	v5 =	vld [tilespmem:$0x150];
	_ =	sdelay $0x4  }
0x316: {  	v4 =	vmul.f32 v5, v4;
	_ =	sdelay $0x1  }
0x317: {  	v5 =	vmul.f32 v4, v3;
	_ =	sdelay $0x1  }
0x318: {  	v5 =	vadd.f32 v5, v2;
	_ =	sdelay $0x1  }
0x319: {  	v5 =	vmul.f32 v5, v4;
	_ =	sdelay $0x1  }
0x31a: {  	v5 =	vadd.f32 v5, v1;
	_ =	sdelay $0x1  }
0x31b: {  	v4 =	vmul.f32 v5, v4;
	_ =	sdelay $0x1  }
0x31c: {  	[tilespmem:s21+$0x8E50] =	vst v4;
	v4 =	vld [tilespmem:s21+$0xE60]  }
0x31d: {  	v5 =	vld [tilespmem:$0x160];
	_ =	sdelay $0x4  }
0x31e: {  	v4 =	vmul.f32 v5, v4;
	_ =	sdelay $0x1  }
0x31f: {  	v5 =	vmul.f32 v4, v3;
	_ =	sdelay $0x1  }
0x320: {  	v5 =	vadd.f32 v5, v2;
	_ =	sdelay $0x1  }
0x321: {  	v5 =	vmul.f32 v5, v4;
	_ =	sdelay $0x1  }
0x322: {  	v5 =	vadd.f32 v5, v1;
	_ =	sdelay $0x1  }
0x323: {  	v4 =	vmul.f32 v5, v4;
	_ =	sdelay $0x1  }
0x324: {  	[tilespmem:s21+$0x8E60] =	vst v4;
	v4 =	vld [tilespmem:s21+$0xE70]  }
0x325: {  	v5 =	vld [tilespmem:$0x170];
	_ =	sdelay $0x4  }
0x326: {  	v4 =	vmul.f32 v5, v4;
	_ =	sdelay $0x1  }
0x327: {  	v5 =	vmul.f32 v4, v3;
	_ =	sdelay $0x1  }
0x328: {  	v5 =	vadd.f32 v5, v2;
	_ =	sdelay $0x1  }
0x329: {  	v5 =	vmul.f32 v5, v4;
	_ =	sdelay $0x1  }
0x32a: {  	v5 =	vadd.f32 v5, v1;
	_ =	sdelay $0x1  }
0x32b: {  	v4 =	vmul.f32 v5, v4;
	_ =	sdelay $0x1  }
0x32c: {  	[tilespmem:s21+$0x8E70] =	vst v4;
	v4 =	vld [tilespmem:s21+$0x1200]  }
0x32d: {  	v5 =	vld [tilespmem:$0x180];
	_ =	sdelay $0x4  }
0x32e: {  	v4 =	vmul.f32 v5, v4;
	_ =	sdelay $0x1  }
0x32f: {  	v5 =	vmul.f32 v4, v3;
	_ =	sdelay $0x1  }
0x330: {  	v5 =	vadd.f32 v5, v2;
	_ =	sdelay $0x1  }
0x331: {  	v5 =	vmul.f32 v5, v4;
	_ =	sdelay $0x1  }
0x332: {  	v5 =	vadd.f32 v5, v1;
	_ =	sdelay $0x1  }
0x333: {  	v4 =	vmul.f32 v5, v4;
	_ =	sdelay $0x1  }
0x334: {  	[tilespmem:s21+$0x9200] =	vst v4;
	v4 =	vld [tilespmem:s21+$0x1210]  }
0x335: {  	v5 =	vld [tilespmem:$0x190];
	_ =	sdelay $0x4  }
0x336: {  	v4 =	vmul.f32 v5, v4;
	_ =	sdelay $0x1  }
0x337: {  	v5 =	vmul.f32 v4, v3;
	_ =	sdelay $0x1  }
0x338: {  	v5 =	vadd.f32 v5, v2;
	_ =	sdelay $0x1  }
0x339: {  	v5 =	vmul.f32 v5, v4;
	_ =	sdelay $0x1  }
0x33a: {  	v5 =	vadd.f32 v5, v1;
	_ =	sdelay $0x1  }
0x33b: {  	v4 =	vmul.f32 v5, v4;
	_ =	sdelay $0x1  }
0x33c: {  	[tilespmem:s21+$0x9210] =	vst v4;
	v4 =	vld [tilespmem:s21+$0x1220]  }
0x33d: {  	v5 =	vld [tilespmem:$0x1A0];
	_ =	sdelay $0x4  }
0x33e: {  	v4 =	vmul.f32 v5, v4;
	_ =	sdelay $0x1  }
0x33f: {  	v5 =	vmul.f32 v4, v3;
	_ =	sdelay $0x1  }
0x340: {  	v5 =	vadd.f32 v5, v2;
	_ =	sdelay $0x1  }
0x341: {  	v5 =	vmul.f32 v5, v4;
	_ =	sdelay $0x1  }
0x342: {  	v5 =	vadd.f32 v5, v1;
	_ =	sdelay $0x1  }
0x343: {  	v4 =	vmul.f32 v5, v4;
	_ =	sdelay $0x1  }
0x344: {  	[tilespmem:s21+$0x9220] =	vst v4;
	v4 =	vld [tilespmem:s21+$0x1230]  }
0x345: {  	v5 =	vld [tilespmem:$0x1B0];
	_ =	sdelay $0x4  }
0x346: {  	v4 =	vmul.f32 v5, v4;
	_ =	sdelay $0x1  }
0x347: {  	v5 =	vmul.f32 v4, v3;
	_ =	sdelay $0x1  }
0x348: {  	v5 =	vadd.f32 v5, v2;
	_ =	sdelay $0x1  }
0x349: {  	v5 =	vmul.f32 v5, v4;
	_ =	sdelay $0x1  }
0x34a: {  	v5 =	vadd.f32 v5, v1;
	_ =	sdelay $0x1  }
0x34b: {  	v4 =	vmul.f32 v5, v4;
	_ =	sdelay $0x1  }
0x34c: {  	[tilespmem:s21+$0x9230] =	vst v4;
	v4 =	vld [tilespmem:s21+$0x1240]  }
0x34d: {  	v5 =	vld [tilespmem:$0x1C0];
	_ =	sdelay $0x4  }
0x34e: {  	v4 =	vmul.f32 v5, v4;
	_ =	sdelay $0x1  }
0x34f: {  	v5 =	vmul.f32 v4, v3;
	_ =	sdelay $0x1  }
0x350: {  	v5 =	vadd.f32 v5, v2;
	_ =	sdelay $0x1  }
0x351: {  	v5 =	vmul.f32 v5, v4;
	_ =	sdelay $0x1  }
0x352: {  	v5 =	vadd.f32 v5, v1;
	_ =	sdelay $0x1  }
0x353: {  	v4 =	vmul.f32 v5, v4;
	_ =	sdelay $0x1  }
0x354: {  	[tilespmem:s21+$0x9240] =	vst v4;
	v4 =	vld [tilespmem:s21+$0x1250]  }
0x355: {  	v5 =	vld [tilespmem:$0x1D0];
	_ =	sdelay $0x4  }
0x356: {  	v4 =	vmul.f32 v5, v4;
	_ =	sdelay $0x1  }
0x357: {  	v5 =	vmul.f32 v4, v3;
	_ =	sdelay $0x1  }
0x358: {  	v5 =	vadd.f32 v5, v2;
	_ =	sdelay $0x1  }
0x359: {  	v5 =	vmul.f32 v5, v4;
	_ =	sdelay $0x1  }
0x35a: {  	v5 =	vadd.f32 v5, v1;
	_ =	sdelay $0x1  }
0x35b: {  	v4 =	vmul.f32 v5, v4;
	_ =	sdelay $0x1  }
0x35c: {  	[tilespmem:s21+$0x9250] =	vst v4;
	v4 =	vld [tilespmem:s21+$0x1260]  }
0x35d: {  	v5 =	vld [tilespmem:$0x1E0];
	_ =	sdelay $0x4  }
0x35e: {  	v4 =	vmul.f32 v5, v4;
	_ =	sdelay $0x1  }
0x35f: {  	v5 =	vmul.f32 v4, v3;
	_ =	sdelay $0x1  }
0x360: {  	v5 =	vadd.f32 v5, v2;
	_ =	sdelay $0x1  }
0x361: {  	v5 =	vmul.f32 v5, v4;
	_ =	sdelay $0x1  }
0x362: {  	v5 =	vadd.f32 v5, v1;
	_ =	sdelay $0x1  }
0x363: {  	v4 =	vmul.f32 v5, v4;
	_ =	sdelay $0x1  }
0x364: {  	[tilespmem:s21+$0x9260] =	vst v4;
	v4 =	vld [tilespmem:s21+$0x1270]  }
0x365: {  	v5 =	vld [tilespmem:$0x1F0];
	_ =	sdelay $0x4  }
0x366: {  	v4 =	vmul.f32 v5, v4;
	_ =	sdelay $0x1  }
0x367: {  	v5 =	vmul.f32 v4, v3;
	_ =	sdelay $0x1  }
0x368: {  	v5 =	vadd.f32 v5, v2;
	_ =	sdelay $0x1  }
0x369: {  	v5 =	vmul.f32 v5, v4;
	_ =	sdelay $0x1  }
0x36a: {  	v5 =	vadd.f32 v5, v1;
	_ =	sdelay $0x1  }
0x36b: {  	v4 =	vmul.f32 v5, v4;
	_ =	sdelay $0x1  }
0x36c: {  	[tilespmem:s21+$0x9270] =	vst v4;
	v4 =	vld [tilespmem:s21+$0x1600]  }
0x36d: {  	v5 =	vld [tilespmem:$0x200];
	_ =	sdelay $0x4  }
0x36e: {  	v4 =	vmul.f32 v5, v4;
	_ =	sdelay $0x1  }
0x36f: {  	v5 =	vmul.f32 v4, v3;
	_ =	sdelay $0x1  }
0x370: {  	v5 =	vadd.f32 v5, v2;
	_ =	sdelay $0x1  }
0x371: {  	v5 =	vmul.f32 v5, v4;
	_ =	sdelay $0x1  }
0x372: {  	v5 =	vadd.f32 v5, v1;
	_ =	sdelay $0x1  }
0x373: {  	v4 =	vmul.f32 v5, v4;
	_ =	sdelay $0x1  }
0x374: {  	[tilespmem:s21+$0x9600] =	vst v4;
	v4 =	vld [tilespmem:s21+$0x1610]  }
0x375: {  	v5 =	vld [tilespmem:$0x210];
	_ =	sdelay $0x4  }
0x376: {  	v4 =	vmul.f32 v5, v4;
	_ =	sdelay $0x1  }
0x377: {  	v5 =	vmul.f32 v4, v3;
	_ =	sdelay $0x1  }
0x378: {  	v5 =	vadd.f32 v5, v2;
	_ =	sdelay $0x1  }
0x379: {  	v5 =	vmul.f32 v5, v4;
	_ =	sdelay $0x1  }
0x37a: {  	v5 =	vadd.f32 v5, v1;
	_ =	sdelay $0x1  }
0x37b: {  	v4 =	vmul.f32 v5, v4;
	_ =	sdelay $0x1  }
0x37c: {  	[tilespmem:s21+$0x9610] =	vst v4;
	v4 =	vld [tilespmem:s21+$0x1620]  }
0x37d: {  	v5 =	vld [tilespmem:$0x220];
	_ =	sdelay $0x4  }
0x37e: {  	v4 =	vmul.f32 v5, v4;
	_ =	sdelay $0x1  }
0x37f: {  	v5 =	vmul.f32 v4, v3;
	_ =	sdelay $0x1  }
0x380: {  	v5 =	vadd.f32 v5, v2;
	_ =	sdelay $0x1  }
0x381: {  	v5 =	vmul.f32 v5, v4;
	_ =	sdelay $0x1  }
0x382: {  	v5 =	vadd.f32 v5, v1;
	_ =	sdelay $0x1  }
0x383: {  	v4 =	vmul.f32 v5, v4;
	_ =	sdelay $0x1  }
0x384: {  	[tilespmem:s21+$0x9620] =	vst v4;
	v4 =	vld [tilespmem:s21+$0x1630]  }
0x385: {  	v5 =	vld [tilespmem:$0x230];
	_ =	sdelay $0x4  }
0x386: {  	v4 =	vmul.f32 v5, v4;
	_ =	sdelay $0x1  }
0x387: {  	v5 =	vmul.f32 v4, v3;
	_ =	sdelay $0x1  }
0x388: {  	v5 =	vadd.f32 v5, v2;
	_ =	sdelay $0x1  }
0x389: {  	v5 =	vmul.f32 v5, v4;
	_ =	sdelay $0x1  }
0x38a: {  	v5 =	vadd.f32 v5, v1;
	_ =	sdelay $0x1  }
0x38b: {  	v4 =	vmul.f32 v5, v4;
	_ =	sdelay $0x1  }
0x38c: {  	[tilespmem:s21+$0x9630] =	vst v4;
	v4 =	vld [tilespmem:s21+$0x1640]  }
0x38d: {  	v5 =	vld [tilespmem:$0x240];
	_ =	sdelay $0x4  }
0x38e: {  	v4 =	vmul.f32 v5, v4;
	_ =	sdelay $0x1  }
0x38f: {  	v5 =	vmul.f32 v4, v3;
	_ =	sdelay $0x1  }
0x390: {  	v5 =	vadd.f32 v5, v2;
	_ =	sdelay $0x1  }
0x391: {  	v5 =	vmul.f32 v5, v4;
	_ =	sdelay $0x1  }
0x392: {  	v5 =	vadd.f32 v5, v1;
	_ =	sdelay $0x1  }
0x393: {  	v4 =	vmul.f32 v5, v4;
	_ =	sdelay $0x1  }
0x394: {  	[tilespmem:s21+$0x9640] =	vst v4;
	v4 =	vld [tilespmem:s21+$0x1650]  }
0x395: {  	v5 =	vld [tilespmem:$0x250];
	_ =	sdelay $0x4  }
0x396: {  	v4 =	vmul.f32 v5, v4;
	_ =	sdelay $0x1  }
0x397: {  	v5 =	vmul.f32 v4, v3;
	_ =	sdelay $0x1  }
0x398: {  	v5 =	vadd.f32 v5, v2;
	_ =	sdelay $0x1  }
0x399: {  	v5 =	vmul.f32 v5, v4;
	_ =	sdelay $0x1  }
0x39a: {  	v5 =	vadd.f32 v5, v1;
	_ =	sdelay $0x1  }
0x39b: {  	v4 =	vmul.f32 v5, v4;
	_ =	sdelay $0x1  }
0x39c: {  	[tilespmem:s21+$0x9650] =	vst v4;
	v4 =	vld [tilespmem:s21+$0x1660]  }
0x39d: {  	v5 =	vld [tilespmem:$0x260];
	_ =	sdelay $0x4  }
0x39e: {  	v4 =	vmul.f32 v5, v4;
	_ =	sdelay $0x1  }
0x39f: {  	v5 =	vmul.f32 v4, v3;
	_ =	sdelay $0x1  }
0x3a0: {  	v5 =	vadd.f32 v5, v2;
	_ =	sdelay $0x1  }
0x3a1: {  	v5 =	vmul.f32 v5, v4;
	_ =	sdelay $0x1  }
0x3a2: {  	v5 =	vadd.f32 v5, v1;
	_ =	sdelay $0x1  }
0x3a3: {  	v4 =	vmul.f32 v5, v4;
	_ =	sdelay $0x1  }
0x3a4: {  	[tilespmem:s21+$0x9660] =	vst v4;
	v4 =	vld [tilespmem:s21+$0x1670]  }
0x3a5: {  	v5 =	vld [tilespmem:$0x270];
	_ =	sdelay $0x4  }
0x3a6: {  	v4 =	vmul.f32 v5, v4;
	_ =	sdelay $0x1  }
0x3a7: {  	v5 =	vmul.f32 v4, v3;
	_ =	sdelay $0x1  }
0x3a8: {  	v5 =	vadd.f32 v5, v2;
	_ =	sdelay $0x1  }
0x3a9: {  	v5 =	vmul.f32 v5, v4;
	_ =	sdelay $0x1  }
0x3aa: {  	v5 =	vadd.f32 v5, v1;
	_ =	sdelay $0x1  }
0x3ab: {  	v4 =	vmul.f32 v5, v4;
	_ =	sdelay $0x1  }
0x3ac: {  	[tilespmem:s21+$0x9670] =	vst v4;
	v4 =	vld [tilespmem:s21+$0x1A00]  }
0x3ad: {  	v5 =	vld [tilespmem:$0x280];
	_ =	sdelay $0x4  }
0x3ae: {  	v4 =	vmul.f32 v5, v4;
	_ =	sdelay $0x1  }
0x3af: {  	v5 =	vmul.f32 v4, v3;
	_ =	sdelay $0x1  }
0x3b0: {  	v5 =	vadd.f32 v5, v2;
	_ =	sdelay $0x1  }
0x3b1: {  	v5 =	vmul.f32 v5, v4;
	_ =	sdelay $0x1  }
0x3b2: {  	v5 =	vadd.f32 v5, v1;
	_ =	sdelay $0x1  }
0x3b3: {  	v4 =	vmul.f32 v5, v4;
	_ =	sdelay $0x1  }
0x3b4: {  	[tilespmem:s21+$0x9A00] =	vst v4;
	v4 =	vld [tilespmem:s21+$0x1A10]  }
0x3b5: {  	v5 =	vld [tilespmem:$0x290];
	_ =	sdelay $0x4  }
0x3b6: {  	v4 =	vmul.f32 v5, v4;
	_ =	sdelay $0x1  }
0x3b7: {  	v5 =	vmul.f32 v4, v3;
	_ =	sdelay $0x1  }
0x3b8: {  	v5 =	vadd.f32 v5, v2;
	_ =	sdelay $0x1  }
0x3b9: {  	v5 =	vmul.f32 v5, v4;
	_ =	sdelay $0x1  }
0x3ba: {  	v5 =	vadd.f32 v5, v1;
	_ =	sdelay $0x1  }
0x3bb: {  	v4 =	vmul.f32 v5, v4;
	_ =	sdelay $0x1  }
0x3bc: {  	[tilespmem:s21+$0x9A10] =	vst v4;
	v4 =	vld [tilespmem:s21+$0x1A20]  }
0x3bd: {  	v5 =	vld [tilespmem:$0x2A0];
	_ =	sdelay $0x4  }
0x3be: {  	v4 =	vmul.f32 v5, v4;
	_ =	sdelay $0x1  }
0x3bf: {  	v5 =	vmul.f32 v4, v3;
	_ =	sdelay $0x1  }
0x3c0: {  	v5 =	vadd.f32 v5, v2;
	_ =	sdelay $0x1  }
0x3c1: {  	v5 =	vmul.f32 v5, v4;
	_ =	sdelay $0x1  }
0x3c2: {  	v5 =	vadd.f32 v5, v1;
	_ =	sdelay $0x1  }
0x3c3: {  	v4 =	vmul.f32 v5, v4;
	_ =	sdelay $0x1  }
0x3c4: {  	[tilespmem:s21+$0x9A20] =	vst v4;
	v4 =	vld [tilespmem:s21+$0x1A30]  }
0x3c5: {  	v5 =	vld [tilespmem:$0x2B0];
	_ =	sdelay $0x4  }
0x3c6: {  	v4 =	vmul.f32 v5, v4;
	_ =	sdelay $0x1  }
0x3c7: {  	v5 =	vmul.f32 v4, v3;
	_ =	sdelay $0x1  }
0x3c8: {  	v5 =	vadd.f32 v5, v2;
	_ =	sdelay $0x1  }
0x3c9: {  	v5 =	vmul.f32 v5, v4;
	_ =	sdelay $0x1  }
0x3ca: {  	v5 =	vadd.f32 v5, v1;
	_ =	sdelay $0x1  }
0x3cb: {  	v4 =	vmul.f32 v5, v4;
	_ =	sdelay $0x1  }
0x3cc: {  	[tilespmem:s21+$0x9A30] =	vst v4;
	v4 =	vld [tilespmem:s21+$0x1A40]  }
0x3cd: {  	v5 =	vld [tilespmem:$0x2C0];
	_ =	sdelay $0x4  }
0x3ce: {  	v4 =	vmul.f32 v5, v4;
	_ =	sdelay $0x1  }
0x3cf: {  	v5 =	vmul.f32 v4, v3;
	_ =	sdelay $0x1  }
0x3d0: {  	v5 =	vadd.f32 v5, v2;
	_ =	sdelay $0x1  }
0x3d1: {  	v5 =	vmul.f32 v5, v4;
	_ =	sdelay $0x1  }
0x3d2: {  	v5 =	vadd.f32 v5, v1;
	_ =	sdelay $0x1  }
0x3d3: {  	v4 =	vmul.f32 v5, v4;
	_ =	sdelay $0x1  }
0x3d4: {  	[tilespmem:s21+$0x9A40] =	vst v4;
	v4 =	vld [tilespmem:s21+$0x1A50]  }
0x3d5: {  	v5 =	vld [tilespmem:$0x2D0];
	_ =	sdelay $0x4  }
0x3d6: {  	v4 =	vmul.f32 v5, v4;
	_ =	sdelay $0x1  }
0x3d7: {  	v5 =	vmul.f32 v4, v3;
	_ =	sdelay $0x1  }
0x3d8: {  	v5 =	vadd.f32 v5, v2;
	_ =	sdelay $0x1  }
0x3d9: {  	v5 =	vmul.f32 v5, v4;
	_ =	sdelay $0x1  }
0x3da: {  	v5 =	vadd.f32 v5, v1;
	_ =	sdelay $0x1  }
0x3db: {  	v4 =	vmul.f32 v5, v4;
	_ =	sdelay $0x1  }
0x3dc: {  	[tilespmem:s21+$0x9A50] =	vst v4;
	v4 =	vld [tilespmem:s21+$0x1A60]  }
0x3dd: {  	v5 =	vld [tilespmem:$0x2E0];
	_ =	sdelay $0x4  }
0x3de: {  	v4 =	vmul.f32 v5, v4;
	_ =	sdelay $0x1  }
0x3df: {  	v5 =	vmul.f32 v4, v3;
	_ =	sdelay $0x1  }
0x3e0: {  	v5 =	vadd.f32 v5, v2;
	_ =	sdelay $0x1  }
0x3e1: {  	v5 =	vmul.f32 v5, v4;
	_ =	sdelay $0x1  }
0x3e2: {  	v5 =	vadd.f32 v5, v1;
	_ =	sdelay $0x1  }
0x3e3: {  	v4 =	vmul.f32 v5, v4;
	_ =	sdelay $0x1  }
0x3e4: {  	[tilespmem:s21+$0x9A60] =	vst v4;
	v4 =	vld [tilespmem:s21+$0x1A70]  }
0x3e5: {  	v5 =	vld [tilespmem:$0x2F0];
	_ =	sdelay $0x4  }
0x3e6: {  	v4 =	vmul.f32 v5, v4;
	_ =	sdelay $0x1  }
0x3e7: {  	v5 =	vmul.f32 v4, v3;
	_ =	sdelay $0x1  }
0x3e8: {  	v5 =	vadd.f32 v5, v2;
	_ =	sdelay $0x1  }
0x3e9: {  	v5 =	vmul.f32 v5, v4;
	_ =	sdelay $0x1  }
0x3ea: {  	v5 =	vadd.f32 v5, v1;
	_ =	sdelay $0x1  }
0x3eb: {  	v4 =	vmul.f32 v5, v4;
	_ =	sdelay $0x1  }
0x3ec: {  	[tilespmem:s21+$0x9A70] =	vst v4;
	v4 =	vld [tilespmem:s21+$0x1E00]  }
0x3ed: {  	v5 =	vld [tilespmem:$0x300];
	_ =	sdelay $0x4  }
0x3ee: {  	v4 =	vmul.f32 v5, v4;
	_ =	sdelay $0x1  }
0x3ef: {  	v5 =	vmul.f32 v4, v3;
	_ =	sdelay $0x1  }
0x3f0: {  	v5 =	vadd.f32 v5, v2;
	_ =	sdelay $0x1  }
0x3f1: {  	v5 =	vmul.f32 v5, v4;
	_ =	sdelay $0x1  }
0x3f2: {  	v5 =	vadd.f32 v5, v1;
	_ =	sdelay $0x1  }
0x3f3: {  	v4 =	vmul.f32 v5, v4;
	_ =	sdelay $0x1  }
0x3f4: {  	[tilespmem:s21+$0x9E00] =	vst v4;
	v4 =	vld [tilespmem:s21+$0x1E10]  }
0x3f5: {  	v5 =	vld [tilespmem:$0x310];
	_ =	sdelay $0x4  }
0x3f6: {  	v4 =	vmul.f32 v5, v4;
	_ =	sdelay $0x1  }
0x3f7: {  	v5 =	vmul.f32 v4, v3;
	_ =	sdelay $0x1  }
0x3f8: {  	v5 =	vadd.f32 v5, v2;
	_ =	sdelay $0x1  }
0x3f9: {  	v5 =	vmul.f32 v5, v4;
	_ =	sdelay $0x1  }
0x3fa: {  	v5 =	vadd.f32 v5, v1;
	_ =	sdelay $0x1  }
0x3fb: {  	v4 =	vmul.f32 v5, v4;
	_ =	sdelay $0x1  }
0x3fc: {  	[tilespmem:s21+$0x9E10] =	vst v4;
	v4 =	vld [tilespmem:s21+$0x1E20]  }
0x3fd: {  	v5 =	vld [tilespmem:$0x320];
	_ =	sdelay $0x4  }
0x3fe: {  	v4 =	vmul.f32 v5, v4;
	_ =	sdelay $0x1  }
0x3ff: {  	v5 =	vmul.f32 v4, v3;
	_ =	sdelay $0x1  }
0x400: {  	v5 =	vadd.f32 v5, v2;
	_ =	sdelay $0x1  }
0x401: {  	v5 =	vmul.f32 v5, v4;
	_ =	sdelay $0x1  }
0x402: {  	v5 =	vadd.f32 v5, v1;
	_ =	sdelay $0x1  }
0x403: {  	v4 =	vmul.f32 v5, v4;
	_ =	sdelay $0x1  }
0x404: {  	[tilespmem:s21+$0x9E20] =	vst v4;
	v4 =	vld [tilespmem:s21+$0x1E30]  }
0x405: {  	v5 =	vld [tilespmem:$0x330];
	_ =	sdelay $0x4  }
0x406: {  	v4 =	vmul.f32 v5, v4;
	_ =	sdelay $0x1  }
0x407: {  	v5 =	vmul.f32 v4, v3;
	_ =	sdelay $0x1  }
0x408: {  	v5 =	vadd.f32 v5, v2;
	_ =	sdelay $0x1  }
0x409: {  	v5 =	vmul.f32 v5, v4;
	_ =	sdelay $0x1  }
0x40a: {  	v5 =	vadd.f32 v5, v1;
	_ =	sdelay $0x1  }
0x40b: {  	v4 =	vmul.f32 v5, v4;
	_ =	sdelay $0x1  }
0x40c: {  	[tilespmem:s21+$0x9E30] =	vst v4;
	v4 =	vld [tilespmem:s21+$0x1E40]  }
0x40d: {  	v5 =	vld [tilespmem:$0x340];
	_ =	sdelay $0x4  }
0x40e: {  	v4 =	vmul.f32 v5, v4;
	_ =	sdelay $0x1  }
0x40f: {  	v5 =	vmul.f32 v4, v3;
	_ =	sdelay $0x1  }
0x410: {  	v5 =	vadd.f32 v5, v2;
	_ =	sdelay $0x1  }
0x411: {  	v5 =	vmul.f32 v5, v4;
	_ =	sdelay $0x1  }
0x412: {  	v5 =	vadd.f32 v5, v1;
	_ =	sdelay $0x1  }
0x413: {  	v4 =	vmul.f32 v5, v4;
	_ =	sdelay $0x1  }
0x414: {  	[tilespmem:s21+$0x9E40] =	vst v4;
	v4 =	vld [tilespmem:s21+$0x1E50]  }
0x415: {  	v5 =	vld [tilespmem:$0x350];
	_ =	sdelay $0x4  }
0x416: {  	v4 =	vmul.f32 v5, v4;
	_ =	sdelay $0x1  }
0x417: {  	v5 =	vmul.f32 v4, v3;
	_ =	sdelay $0x1  }
0x418: {  	v5 =	vadd.f32 v5, v2;
	_ =	sdelay $0x1  }
0x419: {  	v5 =	vmul.f32 v5, v4;
	_ =	sdelay $0x1  }
0x41a: {  	v5 =	vadd.f32 v5, v1;
	_ =	sdelay $0x1  }
0x41b: {  	v4 =	vmul.f32 v5, v4;
	_ =	sdelay $0x1  }
0x41c: {  	[tilespmem:s21+$0x9E50] =	vst v4;
	v4 =	vld [tilespmem:s21+$0x1E60]  }
0x41d: {  	v5 =	vld [tilespmem:$0x360];
	_ =	sdelay $0x4  }
0x41e: {  	v4 =	vmul.f32 v5, v4;
	_ =	sdelay $0x1  }
0x41f: {  	v5 =	vmul.f32 v4, v3;
	_ =	sdelay $0x1  }
0x420: {  	v5 =	vadd.f32 v5, v2;
	_ =	sdelay $0x1  }
0x421: {  	v5 =	vmul.f32 v5, v4;
	_ =	sdelay $0x1  }
0x422: {  	v5 =	vadd.f32 v5, v1;
	_ =	sdelay $0x1  }
0x423: {  	v4 =	vmul.f32 v5, v4;
	_ =	sdelay $0x1  }
0x424: {  	[tilespmem:s21+$0x9E60] =	vst v4;
	v4 =	vld [tilespmem:s21+$0x1E70]  }
0x425: {  	v5 =	vld [tilespmem:$0x370];
	_ =	sdelay $0x4  }
0x426: {  	v4 =	vmul.f32 v5, v4;
	_ =	sdelay $0x1  }
0x427: {  	v5 =	vmul.f32 v4, v3;
	_ =	sdelay $0x1  }
0x428: {  	v5 =	vadd.f32 v5, v2;
	_ =	sdelay $0x1  }
0x429: {  	v5 =	vmul.f32 v5, v4;
	_ =	sdelay $0x1  }
0x42a: {  	v5 =	vadd.f32 v5, v1;
	_ =	sdelay $0x1  }
0x42b: {  	v4 =	vmul.f32 v5, v4;
	_ =	sdelay $0x1  }
0x42c: {  	[tilespmem:s21+$0x9E70] =	vst v4;
	v4 =	vld [tilespmem:s21+$0x2200]  }
0x42d: {  	v5 =	vld [tilespmem:$0x380];
	_ =	sdelay $0x4  }
0x42e: {  	v4 =	vmul.f32 v5, v4;
	_ =	sdelay $0x1  }
0x42f: {  	v5 =	vmul.f32 v4, v3;
	_ =	sdelay $0x1  }
0x430: {  	v5 =	vadd.f32 v5, v2;
	_ =	sdelay $0x1  }
0x431: {  	v5 =	vmul.f32 v5, v4;
	_ =	sdelay $0x1  }
0x432: {  	v5 =	vadd.f32 v5, v1;
	_ =	sdelay $0x1  }
0x433: {  	v4 =	vmul.f32 v5, v4;
	_ =	sdelay $0x1  }
0x434: {  	[tilespmem:s21+$0xA200] =	vst v4;
	v4 =	vld [tilespmem:s21+$0x2210]  }
0x435: {  	v5 =	vld [tilespmem:$0x390];
	_ =	sdelay $0x4  }
0x436: {  	v4 =	vmul.f32 v5, v4;
	_ =	sdelay $0x1  }
0x437: {  	v5 =	vmul.f32 v4, v3;
	_ =	sdelay $0x1  }
0x438: {  	v5 =	vadd.f32 v5, v2;
	_ =	sdelay $0x1  }
0x439: {  	v5 =	vmul.f32 v5, v4;
	_ =	sdelay $0x1  }
0x43a: {  	v5 =	vadd.f32 v5, v1;
	_ =	sdelay $0x1  }
0x43b: {  	v4 =	vmul.f32 v5, v4;
	_ =	sdelay $0x1  }
0x43c: {  	[tilespmem:s21+$0xA210] =	vst v4;
	v4 =	vld [tilespmem:s21+$0x2220]  }
0x43d: {  	v5 =	vld [tilespmem:$0x3A0];
	_ =	sdelay $0x4  }
0x43e: {  	v4 =	vmul.f32 v5, v4;
	_ =	sdelay $0x1  }
0x43f: {  	v5 =	vmul.f32 v4, v3;
	_ =	sdelay $0x1  }
0x440: {  	v5 =	vadd.f32 v5, v2;
	_ =	sdelay $0x1  }
0x441: {  	v5 =	vmul.f32 v5, v4;
	_ =	sdelay $0x1  }
0x442: {  	v5 =	vadd.f32 v5, v1;
	_ =	sdelay $0x1  }
0x443: {  	v4 =	vmul.f32 v5, v4;
	_ =	sdelay $0x1  }
0x444: {  	[tilespmem:s21+$0xA220] =	vst v4;
	v4 =	vld [tilespmem:s21+$0x2230]  }
0x445: {  	v5 =	vld [tilespmem:$0x3B0];
	_ =	sdelay $0x4  }
0x446: {  	v4 =	vmul.f32 v5, v4;
	_ =	sdelay $0x1  }
0x447: {  	v5 =	vmul.f32 v4, v3;
	_ =	sdelay $0x1  }
0x448: {  	v5 =	vadd.f32 v5, v2;
	_ =	sdelay $0x1  }
0x449: {  	v5 =	vmul.f32 v5, v4;
	_ =	sdelay $0x1  }
0x44a: {  	v5 =	vadd.f32 v5, v1;
	_ =	sdelay $0x1  }
0x44b: {  	v4 =	vmul.f32 v5, v4;
	_ =	sdelay $0x1  }
0x44c: {  	[tilespmem:s21+$0xA230] =	vst v4;
	v4 =	vld [tilespmem:s21+$0x2240]  }
0x44d: {  	v5 =	vld [tilespmem:$0x3C0];
	_ =	sdelay $0x4  }
0x44e: {  	v4 =	vmul.f32 v5, v4;
	_ =	sdelay $0x1  }
0x44f: {  	v5 =	vmul.f32 v4, v3;
	_ =	sdelay $0x1  }
0x450: {  	v5 =	vadd.f32 v5, v2;
	_ =	sdelay $0x1  }
0x451: {  	v5 =	vmul.f32 v5, v4;
	_ =	sdelay $0x1  }
0x452: {  	v5 =	vadd.f32 v5, v1;
	_ =	sdelay $0x1  }
0x453: {  	v4 =	vmul.f32 v5, v4;
	_ =	sdelay $0x1  }
0x454: {  	[tilespmem:s21+$0xA240] =	vst v4;
	v4 =	vld [tilespmem:s21+$0x2250]  }
0x455: {  	v5 =	vld [tilespmem:$0x3D0];
	_ =	sdelay $0x4  }
0x456: {  	v4 =	vmul.f32 v5, v4;
	_ =	sdelay $0x1  }
0x457: {  	v5 =	vmul.f32 v4, v3;
	_ =	sdelay $0x1  }
0x458: {  	v5 =	vadd.f32 v5, v2;
	_ =	sdelay $0x1  }
0x459: {  	v5 =	vmul.f32 v5, v4;
	_ =	sdelay $0x1  }
0x45a: {  	v5 =	vadd.f32 v5, v1;
	_ =	sdelay $0x1  }
0x45b: {  	v4 =	vmul.f32 v5, v4;
	_ =	sdelay $0x1  }
0x45c: {  	[tilespmem:s21+$0xA250] =	vst v4;
	v4 =	vld [tilespmem:s21+$0x2260]  }
0x45d: {  	v5 =	vld [tilespmem:$0x3E0];
	_ =	sdelay $0x4  }
0x45e: {  	v4 =	vmul.f32 v5, v4;
	_ =	sdelay $0x1  }
0x45f: {  	v5 =	vmul.f32 v4, v3;
	_ =	sdelay $0x1  }
0x460: {  	v5 =	vadd.f32 v5, v2;
	_ =	sdelay $0x1  }
0x461: {  	v5 =	vmul.f32 v5, v4;
	_ =	sdelay $0x1  }
0x462: {  	v5 =	vadd.f32 v5, v1;
	_ =	sdelay $0x1  }
0x463: {  	v4 =	vmul.f32 v5, v4;
	_ =	sdelay $0x1  }
0x464: {  	[tilespmem:s21+$0xA260] =	vst v4;
	v4 =	vld [tilespmem:s21+$0x2270]  }
0x465: {  	v5 =	vld [tilespmem:$0x3F0];
	_ =	sdelay $0x4  }
0x466: {  	v4 =	vmul.f32 v5, v4;
	_ =	sdelay $0x1  }
0x467: {  	v5 =	vmul.f32 v4, v3;
	_ =	sdelay $0x1  }
0x468: {  	v5 =	vadd.f32 v5, v2;
	_ =	sdelay $0x1  }
.Ltmp2:
0x469: {  	v5 =	vmul.f32 v5, v4;
	(pc) =	sbr.rel @p0 .LBB2_7-.Ltmp2, $4  }
0x46a: {  	_ = 	snop  }
0x46b: {  	s22 =	sadd.s32 $0x80, s22;
	v5 =	vadd.f32 v5, v1  }
0x46c: {  	s24 =	sand.u32 $0x2000, s23;
	s25 =	sand.u32 $0x380, s22  }
0x46d: {  	s23 =	sadd.s32 $0x400, s23;
	s24 =	sor.u32 s24, s25;
	v4 =	vmul.f32 v5, v4  }
0x46e: {  	s22 =	sor.u32 s19, s24  }
0x46f: {  	v5 =	vld [tilespmem:s22+$0x600];
	[tilespmem:s21+$0xA270] =	vst v4  }
0x470: {  	v4 =	vld [tilespmem:$0x0];
	_ =	sdelay $0x4  }
0x471: {  	v4 =	vmul.f32 v4, v5;
	_ =	sdelay $0x1  }
0x472: {  	v5 =	vmul.f32 v4, v3;
	_ =	sdelay $0x1  }
0x473: {  	v5 =	vadd.f32 v5, v2;
	_ =	sdelay $0x1  }
0x474: {  	v5 =	vmul.f32 v5, v4;
	_ =	sdelay $0x1  }
0x475: {  	v5 =	vadd.f32 v5, v1;
	_ =	sdelay $0x1  }
0x476: {  	v4 =	vmul.f32 v5, v4;
	_ =	sdelay $0x1  }
0x477: {  	[tilespmem:s22+$0x8600] =	vst v4;
	v4 =	vld [tilespmem:s22+$0x610]  }
0x478: {  	v5 =	vld [tilespmem:$0x10];
	_ =	sdelay $0x4  }
0x479: {  	v4 =	vmul.f32 v5, v4;
	_ =	sdelay $0x1  }
0x47a: {  	v5 =	vmul.f32 v4, v3;
	_ =	sdelay $0x1  }
0x47b: {  	v5 =	vadd.f32 v5, v2;
	_ =	sdelay $0x1  }
0x47c: {  	v5 =	vmul.f32 v5, v4;
	_ =	sdelay $0x1  }
0x47d: {  	v5 =	vadd.f32 v5, v1;
	_ =	sdelay $0x1  }
0x47e: {  	v4 =	vmul.f32 v5, v4;
	_ =	sdelay $0x1  }
0x47f: {  	[tilespmem:s22+$0x8610] =	vst v4;
	v4 =	vld [tilespmem:s22+$0x620]  }
0x480: {  	v5 =	vld [tilespmem:$0x20];
	_ =	sdelay $0x4  }
0x481: {  	v4 =	vmul.f32 v5, v4;
	_ =	sdelay $0x1  }
0x482: {  	v5 =	vmul.f32 v4, v3;
	_ =	sdelay $0x1  }
0x483: {  	v5 =	vadd.f32 v5, v2;
	_ =	sdelay $0x1  }
0x484: {  	v5 =	vmul.f32 v5, v4;
	_ =	sdelay $0x1  }
0x485: {  	v5 =	vadd.f32 v5, v1;
	_ =	sdelay $0x1  }
0x486: {  	v4 =	vmul.f32 v5, v4;
	_ =	sdelay $0x1  }
0x487: {  	[tilespmem:s22+$0x8620] =	vst v4;
	v4 =	vld [tilespmem:s22+$0x630]  }
0x488: {  	v5 =	vld [tilespmem:$0x30];
	_ =	sdelay $0x4  }
0x489: {  	v4 =	vmul.f32 v5, v4;
	_ =	sdelay $0x1  }
0x48a: {  	v5 =	vmul.f32 v4, v3;
	_ =	sdelay $0x1  }
0x48b: {  	v5 =	vadd.f32 v5, v2;
	_ =	sdelay $0x1  }
0x48c: {  	v5 =	vmul.f32 v5, v4;
	_ =	sdelay $0x1  }
0x48d: {  	v5 =	vadd.f32 v5, v1;
	_ =	sdelay $0x1  }
0x48e: {  	v4 =	vmul.f32 v5, v4;
	_ =	sdelay $0x1  }
0x48f: {  	[tilespmem:s22+$0x8630] =	vst v4;
	v4 =	vld [tilespmem:s22+$0x640]  }
0x490: {  	v5 =	vld [tilespmem:$0x40];
	_ =	sdelay $0x4  }
0x491: {  	v4 =	vmul.f32 v5, v4;
	_ =	sdelay $0x1  }
0x492: {  	v5 =	vmul.f32 v4, v3;
	_ =	sdelay $0x1  }
0x493: {  	v5 =	vadd.f32 v5, v2;
	_ =	sdelay $0x1  }
0x494: {  	v5 =	vmul.f32 v5, v4;
	_ =	sdelay $0x1  }
0x495: {  	v5 =	vadd.f32 v5, v1;
	_ =	sdelay $0x1  }
0x496: {  	v4 =	vmul.f32 v5, v4;
	_ =	sdelay $0x1  }
0x497: {  	[tilespmem:s22+$0x8640] =	vst v4;
	v4 =	vld [tilespmem:s22+$0x650]  }
0x498: {  	v5 =	vld [tilespmem:$0x50];
	_ =	sdelay $0x4  }
0x499: {  	v4 =	vmul.f32 v5, v4;
	_ =	sdelay $0x1  }
0x49a: {  	v5 =	vmul.f32 v4, v3;
	_ =	sdelay $0x1  }
0x49b: {  	v5 =	vadd.f32 v5, v2;
	_ =	sdelay $0x1  }
0x49c: {  	v5 =	vmul.f32 v5, v4;
	_ =	sdelay $0x1  }
0x49d: {  	v5 =	vadd.f32 v5, v1;
	_ =	sdelay $0x1  }
0x49e: {  	v4 =	vmul.f32 v5, v4;
	_ =	sdelay $0x1  }
0x49f: {  	[tilespmem:s22+$0x8650] =	vst v4;
	v4 =	vld [tilespmem:s22+$0x660]  }
0x4a0: {  	v5 =	vld [tilespmem:$0x60];
	_ =	sdelay $0x4  }
0x4a1: {  	v4 =	vmul.f32 v5, v4;
	_ =	sdelay $0x1  }
0x4a2: {  	v5 =	vmul.f32 v4, v3;
	_ =	sdelay $0x1  }
0x4a3: {  	v5 =	vadd.f32 v5, v2;
	_ =	sdelay $0x1  }
0x4a4: {  	v5 =	vmul.f32 v5, v4;
	_ =	sdelay $0x1  }
0x4a5: {  	v5 =	vadd.f32 v5, v1;
	_ =	sdelay $0x1  }
0x4a6: {  	v4 =	vmul.f32 v5, v4;
	_ =	sdelay $0x1  }
0x4a7: {  	[tilespmem:s22+$0x8660] =	vst v4;
	v4 =	vld [tilespmem:s22+$0x670]  }
0x4a8: {  	v5 =	vld [tilespmem:$0x70];
	_ =	sdelay $0x4  }
0x4a9: {  	v4 =	vmul.f32 v5, v4;
	_ =	sdelay $0x1  }
0x4aa: {  	v5 =	vmul.f32 v4, v3;
	_ =	sdelay $0x1  }
0x4ab: {  	v5 =	vadd.f32 v5, v2;
	_ =	sdelay $0x1  }
0x4ac: {  	v5 =	vmul.f32 v5, v4;
	_ =	sdelay $0x1  }
0x4ad: {  	v5 =	vadd.f32 v5, v1;
	_ =	sdelay $0x1  }
0x4ae: {  	v4 =	vmul.f32 v5, v4;
	_ =	sdelay $0x1  }
0x4af: {  	[tilespmem:s22+$0x8670] =	vst v4;
	v4 =	vld [tilespmem:s22+$0xA00]  }
0x4b0: {  	v5 =	vld [tilespmem:$0x80];
	_ =	sdelay $0x4  }
0x4b1: {  	v4 =	vmul.f32 v5, v4;
	_ =	sdelay $0x1  }
0x4b2: {  	v5 =	vmul.f32 v4, v3;
	_ =	sdelay $0x1  }
0x4b3: {  	v5 =	vadd.f32 v5, v2;
	_ =	sdelay $0x1  }
0x4b4: {  	v5 =	vmul.f32 v5, v4;
	_ =	sdelay $0x1  }
0x4b5: {  	v5 =	vadd.f32 v5, v1;
	_ =	sdelay $0x1  }
0x4b6: {  	v4 =	vmul.f32 v5, v4;
	_ =	sdelay $0x1  }
0x4b7: {  	[tilespmem:s22+$0x8A00] =	vst v4;
	v4 =	vld [tilespmem:s22+$0xA10]  }
0x4b8: {  	v5 =	vld [tilespmem:$0x90];
	_ =	sdelay $0x4  }
0x4b9: {  	v4 =	vmul.f32 v5, v4;
	_ =	sdelay $0x1  }
0x4ba: {  	v5 =	vmul.f32 v4, v3;
	_ =	sdelay $0x1  }
0x4bb: {  	v5 =	vadd.f32 v5, v2;
	_ =	sdelay $0x1  }
0x4bc: {  	v5 =	vmul.f32 v5, v4;
	_ =	sdelay $0x1  }
0x4bd: {  	v5 =	vadd.f32 v5, v1;
	_ =	sdelay $0x1  }
0x4be: {  	v4 =	vmul.f32 v5, v4;
	_ =	sdelay $0x1  }
0x4bf: {  	[tilespmem:s22+$0x8A10] =	vst v4;
	v4 =	vld [tilespmem:s22+$0xA20]  }
0x4c0: {  	v5 =	vld [tilespmem:$0xA0];
	_ =	sdelay $0x4  }
0x4c1: {  	v4 =	vmul.f32 v5, v4;
	_ =	sdelay $0x1  }
0x4c2: {  	v5 =	vmul.f32 v4, v3;
	_ =	sdelay $0x1  }
0x4c3: {  	v5 =	vadd.f32 v5, v2;
	_ =	sdelay $0x1  }
0x4c4: {  	v5 =	vmul.f32 v5, v4;
	_ =	sdelay $0x1  }
0x4c5: {  	v5 =	vadd.f32 v5, v1;
	_ =	sdelay $0x1  }
0x4c6: {  	v4 =	vmul.f32 v5, v4;
	_ =	sdelay $0x1  }
0x4c7: {  	[tilespmem:s22+$0x8A20] =	vst v4;
	v4 =	vld [tilespmem:s22+$0xA30]  }
0x4c8: {  	v5 =	vld [tilespmem:$0xB0];
	_ =	sdelay $0x4  }
0x4c9: {  	v4 =	vmul.f32 v5, v4;
	_ =	sdelay $0x1  }
0x4ca: {  	v5 =	vmul.f32 v4, v3;
	_ =	sdelay $0x1  }
0x4cb: {  	v5 =	vadd.f32 v5, v2;
	_ =	sdelay $0x1  }
0x4cc: {  	v5 =	vmul.f32 v5, v4;
	_ =	sdelay $0x1  }
0x4cd: {  	v5 =	vadd.f32 v5, v1;
	_ =	sdelay $0x1  }
0x4ce: {  	v4 =	vmul.f32 v5, v4;
	_ =	sdelay $0x1  }
0x4cf: {  	[tilespmem:s22+$0x8A30] =	vst v4;
	v4 =	vld [tilespmem:s22+$0xA40]  }
0x4d0: {  	v5 =	vld [tilespmem:$0xC0];
	_ =	sdelay $0x4  }
0x4d1: {  	v4 =	vmul.f32 v5, v4;
	_ =	sdelay $0x1  }
0x4d2: {  	v5 =	vmul.f32 v4, v3;
	_ =	sdelay $0x1  }
0x4d3: {  	v5 =	vadd.f32 v5, v2;
	_ =	sdelay $0x1  }
0x4d4: {  	v5 =	vmul.f32 v5, v4;
	_ =	sdelay $0x1  }
0x4d5: {  	v5 =	vadd.f32 v5, v1;
	_ =	sdelay $0x1  }
0x4d6: {  	v4 =	vmul.f32 v5, v4;
	_ =	sdelay $0x1  }
0x4d7: {  	[tilespmem:s22+$0x8A40] =	vst v4;
	v4 =	vld [tilespmem:s22+$0xA50]  }
0x4d8: {  	v5 =	vld [tilespmem:$0xD0];
	_ =	sdelay $0x4  }
0x4d9: {  	v4 =	vmul.f32 v5, v4;
	_ =	sdelay $0x1  }
0x4da: {  	v5 =	vmul.f32 v4, v3;
	_ =	sdelay $0x1  }
0x4db: {  	v5 =	vadd.f32 v5, v2;
	_ =	sdelay $0x1  }
0x4dc: {  	v5 =	vmul.f32 v5, v4;
	_ =	sdelay $0x1  }
0x4dd: {  	v5 =	vadd.f32 v5, v1;
	_ =	sdelay $0x1  }
0x4de: {  	v4 =	vmul.f32 v5, v4;
	_ =	sdelay $0x1  }
0x4df: {  	[tilespmem:s22+$0x8A50] =	vst v4;
	v4 =	vld [tilespmem:s22+$0xA60]  }
0x4e0: {  	v5 =	vld [tilespmem:$0xE0];
	_ =	sdelay $0x4  }
0x4e1: {  	v4 =	vmul.f32 v5, v4;
	_ =	sdelay $0x1  }
0x4e2: {  	v5 =	vmul.f32 v4, v3;
	_ =	sdelay $0x1  }
0x4e3: {  	v5 =	vadd.f32 v5, v2;
	_ =	sdelay $0x1  }
0x4e4: {  	v5 =	vmul.f32 v5, v4;
	_ =	sdelay $0x1  }
0x4e5: {  	v5 =	vadd.f32 v5, v1;
	_ =	sdelay $0x1  }
0x4e6: {  	v4 =	vmul.f32 v5, v4;
	_ =	sdelay $0x1  }
0x4e7: {  	[tilespmem:s22+$0x8A60] =	vst v4;
	v4 =	vld [tilespmem:s22+$0xA70]  }
0x4e8: {  	v5 =	vld [tilespmem:$0xF0];
	_ =	sdelay $0x4  }
0x4e9: {  	v4 =	vmul.f32 v5, v4;
	_ =	sdelay $0x1  }
0x4ea: {  	v5 =	vmul.f32 v4, v3;
	_ =	sdelay $0x1  }
0x4eb: {  	v5 =	vadd.f32 v5, v2;
	_ =	sdelay $0x1  }
0x4ec: {  	v5 =	vmul.f32 v5, v4;
	_ =	sdelay $0x1  }
0x4ed: {  	v5 =	vadd.f32 v5, v1;
	_ =	sdelay $0x1  }
0x4ee: {  	v4 =	vmul.f32 v5, v4;
	_ =	sdelay $0x1  }
0x4ef: {  	[tilespmem:s22+$0x8A70] =	vst v4;
	v4 =	vld [tilespmem:s22+$0xE00]  }
0x4f0: {  	v5 =	vld [tilespmem:$0x100];
	_ =	sdelay $0x4  }
0x4f1: {  	v4 =	vmul.f32 v5, v4;
	_ =	sdelay $0x1  }
0x4f2: {  	v5 =	vmul.f32 v4, v3;
	_ =	sdelay $0x1  }
0x4f3: {  	v5 =	vadd.f32 v5, v2;
	_ =	sdelay $0x1  }
0x4f4: {  	v5 =	vmul.f32 v5, v4;
	_ =	sdelay $0x1  }
0x4f5: {  	v5 =	vadd.f32 v5, v1;
	_ =	sdelay $0x1  }
0x4f6: {  	v4 =	vmul.f32 v5, v4;
	_ =	sdelay $0x1  }
0x4f7: {  	[tilespmem:s22+$0x8E00] =	vst v4;
	v4 =	vld [tilespmem:s22+$0xE10]  }
0x4f8: {  	v5 =	vld [tilespmem:$0x110];
	_ =	sdelay $0x4  }
0x4f9: {  	v4 =	vmul.f32 v5, v4;
	_ =	sdelay $0x1  }
0x4fa: {  	v5 =	vmul.f32 v4, v3;
	_ =	sdelay $0x1  }
0x4fb: {  	v5 =	vadd.f32 v5, v2;
	_ =	sdelay $0x1  }
0x4fc: {  	v5 =	vmul.f32 v5, v4;
	_ =	sdelay $0x1  }
0x4fd: {  	v5 =	vadd.f32 v5, v1;
	_ =	sdelay $0x1  }
0x4fe: {  	v4 =	vmul.f32 v5, v4;
	_ =	sdelay $0x1  }
0x4ff: {  	[tilespmem:s22+$0x8E10] =	vst v4;
	v4 =	vld [tilespmem:s22+$0xE20]  }
0x500: {  	v5 =	vld [tilespmem:$0x120];
	_ =	sdelay $0x4  }
0x501: {  	v4 =	vmul.f32 v5, v4;
	_ =	sdelay $0x1  }
0x502: {  	v5 =	vmul.f32 v4, v3;
	_ =	sdelay $0x1  }
0x503: {  	v5 =	vadd.f32 v5, v2;
	_ =	sdelay $0x1  }
0x504: {  	v5 =	vmul.f32 v5, v4;
	_ =	sdelay $0x1  }
0x505: {  	v5 =	vadd.f32 v5, v1;
	_ =	sdelay $0x1  }
0x506: {  	v4 =	vmul.f32 v5, v4;
	_ =	sdelay $0x1  }
0x507: {  	[tilespmem:s22+$0x8E20] =	vst v4;
	v4 =	vld [tilespmem:s22+$0xE30]  }
0x508: {  	v5 =	vld [tilespmem:$0x130];
	_ =	sdelay $0x4  }
0x509: {  	v4 =	vmul.f32 v5, v4;
	_ =	sdelay $0x1  }
0x50a: {  	v5 =	vmul.f32 v4, v3;
	_ =	sdelay $0x1  }
0x50b: {  	v5 =	vadd.f32 v5, v2;
	_ =	sdelay $0x1  }
0x50c: {  	v5 =	vmul.f32 v5, v4;
	_ =	sdelay $0x1  }
0x50d: {  	v5 =	vadd.f32 v5, v1;
	_ =	sdelay $0x1  }
0x50e: {  	v4 =	vmul.f32 v5, v4;
	_ =	sdelay $0x1  }
0x50f: {  	[tilespmem:s22+$0x8E30] =	vst v4;
	v4 =	vld [tilespmem:s22+$0xE40]  }
0x510: {  	v5 =	vld [tilespmem:$0x140];
	_ =	sdelay $0x4  }
0x511: {  	v4 =	vmul.f32 v5, v4;
	_ =	sdelay $0x1  }
0x512: {  	v5 =	vmul.f32 v4, v3;
	_ =	sdelay $0x1  }
0x513: {  	v5 =	vadd.f32 v5, v2;
	_ =	sdelay $0x1  }
0x514: {  	v5 =	vmul.f32 v5, v4;
	_ =	sdelay $0x1  }
0x515: {  	v5 =	vadd.f32 v5, v1;
	_ =	sdelay $0x1  }
0x516: {  	v4 =	vmul.f32 v5, v4;
	_ =	sdelay $0x1  }
0x517: {  	[tilespmem:s22+$0x8E40] =	vst v4;
	v4 =	vld [tilespmem:s22+$0xE50]  }
0x518: {  	v5 =	vld [tilespmem:$0x150];
	_ =	sdelay $0x4  }
0x519: {  	v4 =	vmul.f32 v5, v4;
	_ =	sdelay $0x1  }
0x51a: {  	v5 =	vmul.f32 v4, v3;
	_ =	sdelay $0x1  }
0x51b: {  	v5 =	vadd.f32 v5, v2;
	_ =	sdelay $0x1  }
0x51c: {  	v5 =	vmul.f32 v5, v4;
	_ =	sdelay $0x1  }
0x51d: {  	v5 =	vadd.f32 v5, v1;
	_ =	sdelay $0x1  }
0x51e: {  	v4 =	vmul.f32 v5, v4;
	_ =	sdelay $0x1  }
0x51f: {  	[tilespmem:s22+$0x8E50] =	vst v4;
	v4 =	vld [tilespmem:s22+$0xE60]  }
0x520: {  	v5 =	vld [tilespmem:$0x160];
	_ =	sdelay $0x4  }
0x521: {  	v4 =	vmul.f32 v5, v4;
	_ =	sdelay $0x1  }
0x522: {  	v5 =	vmul.f32 v4, v3;
	_ =	sdelay $0x1  }
0x523: {  	v5 =	vadd.f32 v5, v2;
	_ =	sdelay $0x1  }
0x524: {  	v5 =	vmul.f32 v5, v4;
	_ =	sdelay $0x1  }
0x525: {  	v5 =	vadd.f32 v5, v1;
	_ =	sdelay $0x1  }
0x526: {  	v4 =	vmul.f32 v5, v4;
	_ =	sdelay $0x1  }
0x527: {  	[tilespmem:s22+$0x8E60] =	vst v4;
	v4 =	vld [tilespmem:s22+$0xE70]  }
0x528: {  	v5 =	vld [tilespmem:$0x170];
	_ =	sdelay $0x4  }
0x529: {  	v4 =	vmul.f32 v5, v4;
	_ =	sdelay $0x1  }
0x52a: {  	v5 =	vmul.f32 v4, v3;
	_ =	sdelay $0x1  }
0x52b: {  	v5 =	vadd.f32 v5, v2;
	_ =	sdelay $0x1  }
0x52c: {  	v5 =	vmul.f32 v5, v4;
	_ =	sdelay $0x1  }
0x52d: {  	v5 =	vadd.f32 v5, v1;
	_ =	sdelay $0x1  }
0x52e: {  	v4 =	vmul.f32 v5, v4;
	_ =	sdelay $0x1  }
0x52f: {  	[tilespmem:s22+$0x8E70] =	vst v4;
	v4 =	vld [tilespmem:s22+$0x1200]  }
0x530: {  	v5 =	vld [tilespmem:$0x180];
	_ =	sdelay $0x4  }
0x531: {  	v4 =	vmul.f32 v5, v4;
	_ =	sdelay $0x1  }
0x532: {  	v5 =	vmul.f32 v4, v3;
	_ =	sdelay $0x1  }
0x533: {  	v5 =	vadd.f32 v5, v2;
	_ =	sdelay $0x1  }
0x534: {  	v5 =	vmul.f32 v5, v4;
	_ =	sdelay $0x1  }
0x535: {  	v5 =	vadd.f32 v5, v1;
	_ =	sdelay $0x1  }
0x536: {  	v4 =	vmul.f32 v5, v4;
	_ =	sdelay $0x1  }
0x537: {  	[tilespmem:s22+$0x9200] =	vst v4;
	v4 =	vld [tilespmem:s22+$0x1210]  }
0x538: {  	v5 =	vld [tilespmem:$0x190];
	_ =	sdelay $0x4  }
0x539: {  	v4 =	vmul.f32 v5, v4;
	_ =	sdelay $0x1  }
0x53a: {  	v5 =	vmul.f32 v4, v3;
	_ =	sdelay $0x1  }
0x53b: {  	v5 =	vadd.f32 v5, v2;
	_ =	sdelay $0x1  }
0x53c: {  	v5 =	vmul.f32 v5, v4;
	_ =	sdelay $0x1  }
0x53d: {  	v5 =	vadd.f32 v5, v1;
	_ =	sdelay $0x1  }
0x53e: {  	v4 =	vmul.f32 v5, v4;
	_ =	sdelay $0x1  }
0x53f: {  	[tilespmem:s22+$0x9210] =	vst v4;
	v4 =	vld [tilespmem:s22+$0x1220]  }
0x540: {  	v5 =	vld [tilespmem:$0x1A0];
	_ =	sdelay $0x4  }
0x541: {  	v4 =	vmul.f32 v5, v4;
	_ =	sdelay $0x1  }
0x542: {  	v5 =	vmul.f32 v4, v3;
	_ =	sdelay $0x1  }
0x543: {  	v5 =	vadd.f32 v5, v2;
	_ =	sdelay $0x1  }
0x544: {  	v5 =	vmul.f32 v5, v4;
	_ =	sdelay $0x1  }
0x545: {  	v5 =	vadd.f32 v5, v1;
	_ =	sdelay $0x1  }
0x546: {  	v4 =	vmul.f32 v5, v4;
	_ =	sdelay $0x1  }
0x547: {  	[tilespmem:s22+$0x9220] =	vst v4;
	v4 =	vld [tilespmem:s22+$0x1230]  }
0x548: {  	v5 =	vld [tilespmem:$0x1B0];
	_ =	sdelay $0x4  }
0x549: {  	v4 =	vmul.f32 v5, v4;
	_ =	sdelay $0x1  }
0x54a: {  	v5 =	vmul.f32 v4, v3;
	_ =	sdelay $0x1  }
0x54b: {  	v5 =	vadd.f32 v5, v2;
	_ =	sdelay $0x1  }
0x54c: {  	v5 =	vmul.f32 v5, v4;
	_ =	sdelay $0x1  }
0x54d: {  	v5 =	vadd.f32 v5, v1;
	_ =	sdelay $0x1  }
0x54e: {  	v4 =	vmul.f32 v5, v4;
	_ =	sdelay $0x1  }
0x54f: {  	[tilespmem:s22+$0x9230] =	vst v4;
	v4 =	vld [tilespmem:s22+$0x1240]  }
0x550: {  	v5 =	vld [tilespmem:$0x1C0];
	_ =	sdelay $0x4  }
0x551: {  	v4 =	vmul.f32 v5, v4;
	_ =	sdelay $0x1  }
0x552: {  	v5 =	vmul.f32 v4, v3;
	_ =	sdelay $0x1  }
0x553: {  	v5 =	vadd.f32 v5, v2;
	_ =	sdelay $0x1  }
0x554: {  	v5 =	vmul.f32 v5, v4;
	_ =	sdelay $0x1  }
0x555: {  	v5 =	vadd.f32 v5, v1;
	_ =	sdelay $0x1  }
0x556: {  	v4 =	vmul.f32 v5, v4;
	_ =	sdelay $0x1  }
0x557: {  	[tilespmem:s22+$0x9240] =	vst v4;
	v4 =	vld [tilespmem:s22+$0x1250]  }
0x558: {  	v5 =	vld [tilespmem:$0x1D0];
	_ =	sdelay $0x4  }
0x559: {  	v4 =	vmul.f32 v5, v4;
	_ =	sdelay $0x1  }
0x55a: {  	v5 =	vmul.f32 v4, v3;
	_ =	sdelay $0x1  }
0x55b: {  	v5 =	vadd.f32 v5, v2;
	_ =	sdelay $0x1  }
0x55c: {  	v5 =	vmul.f32 v5, v4;
	_ =	sdelay $0x1  }
0x55d: {  	v5 =	vadd.f32 v5, v1;
	_ =	sdelay $0x1  }
0x55e: {  	v4 =	vmul.f32 v5, v4;
	_ =	sdelay $0x1  }
0x55f: {  	[tilespmem:s22+$0x9250] =	vst v4;
	v4 =	vld [tilespmem:s22+$0x1260]  }
0x560: {  	v5 =	vld [tilespmem:$0x1E0];
	_ =	sdelay $0x4  }
0x561: {  	v4 =	vmul.f32 v5, v4;
	_ =	sdelay $0x1  }
0x562: {  	v5 =	vmul.f32 v4, v3;
	_ =	sdelay $0x1  }
0x563: {  	v5 =	vadd.f32 v5, v2;
	_ =	sdelay $0x1  }
0x564: {  	v5 =	vmul.f32 v5, v4;
	_ =	sdelay $0x1  }
0x565: {  	v5 =	vadd.f32 v5, v1;
	_ =	sdelay $0x1  }
0x566: {  	v4 =	vmul.f32 v5, v4;
	_ =	sdelay $0x1  }
0x567: {  	[tilespmem:s22+$0x9260] =	vst v4;
	v4 =	vld [tilespmem:s22+$0x1270]  }
0x568: {  	v5 =	vld [tilespmem:$0x1F0];
	_ =	sdelay $0x4  }
0x569: {  	v4 =	vmul.f32 v5, v4;
	_ =	sdelay $0x1  }
0x56a: {  	v5 =	vmul.f32 v4, v3;
	_ =	sdelay $0x1  }
0x56b: {  	v5 =	vadd.f32 v5, v2;
	_ =	sdelay $0x1  }
0x56c: {  	v5 =	vmul.f32 v5, v4;
	_ =	sdelay $0x1  }
0x56d: {  	v5 =	vadd.f32 v5, v1;
	_ =	sdelay $0x1  }
0x56e: {  	v4 =	vmul.f32 v5, v4;
	_ =	sdelay $0x1  }
0x56f: {  	[tilespmem:s22+$0x9270] =	vst v4;
	v4 =	vld [tilespmem:s22+$0x1600]  }
0x570: {  	v5 =	vld [tilespmem:$0x200];
	_ =	sdelay $0x4  }
0x571: {  	v4 =	vmul.f32 v5, v4;
	_ =	sdelay $0x1  }
0x572: {  	v5 =	vmul.f32 v4, v3;
	_ =	sdelay $0x1  }
0x573: {  	v5 =	vadd.f32 v5, v2;
	_ =	sdelay $0x1  }
0x574: {  	v5 =	vmul.f32 v5, v4;
	_ =	sdelay $0x1  }
0x575: {  	v5 =	vadd.f32 v5, v1;
	_ =	sdelay $0x1  }
0x576: {  	v4 =	vmul.f32 v5, v4;
	_ =	sdelay $0x1  }
0x577: {  	[tilespmem:s22+$0x9600] =	vst v4;
	v4 =	vld [tilespmem:s22+$0x1610]  }
0x578: {  	v5 =	vld [tilespmem:$0x210];
	_ =	sdelay $0x4  }
0x579: {  	v4 =	vmul.f32 v5, v4;
	_ =	sdelay $0x1  }
0x57a: {  	v5 =	vmul.f32 v4, v3;
	_ =	sdelay $0x1  }
0x57b: {  	v5 =	vadd.f32 v5, v2;
	_ =	sdelay $0x1  }
0x57c: {  	v5 =	vmul.f32 v5, v4;
	_ =	sdelay $0x1  }
0x57d: {  	v5 =	vadd.f32 v5, v1;
	_ =	sdelay $0x1  }
0x57e: {  	v4 =	vmul.f32 v5, v4;
	_ =	sdelay $0x1  }
0x57f: {  	[tilespmem:s22+$0x9610] =	vst v4;
	v4 =	vld [tilespmem:s22+$0x1620]  }
0x580: {  	v5 =	vld [tilespmem:$0x220];
	_ =	sdelay $0x4  }
0x581: {  	v4 =	vmul.f32 v5, v4;
	_ =	sdelay $0x1  }
0x582: {  	v5 =	vmul.f32 v4, v3;
	_ =	sdelay $0x1  }
0x583: {  	v5 =	vadd.f32 v5, v2;
	_ =	sdelay $0x1  }
0x584: {  	v5 =	vmul.f32 v5, v4;
	_ =	sdelay $0x1  }
0x585: {  	v5 =	vadd.f32 v5, v1;
	_ =	sdelay $0x1  }
0x586: {  	v4 =	vmul.f32 v5, v4;
	_ =	sdelay $0x1  }
0x587: {  	[tilespmem:s22+$0x9620] =	vst v4;
	v4 =	vld [tilespmem:s22+$0x1630]  }
0x588: {  	v5 =	vld [tilespmem:$0x230];
	_ =	sdelay $0x4  }
0x589: {  	v4 =	vmul.f32 v5, v4;
	_ =	sdelay $0x1  }
0x58a: {  	v5 =	vmul.f32 v4, v3;
	_ =	sdelay $0x1  }
0x58b: {  	v5 =	vadd.f32 v5, v2;
	_ =	sdelay $0x1  }
0x58c: {  	v5 =	vmul.f32 v5, v4;
	_ =	sdelay $0x1  }
0x58d: {  	v5 =	vadd.f32 v5, v1;
	_ =	sdelay $0x1  }
0x58e: {  	v4 =	vmul.f32 v5, v4;
	_ =	sdelay $0x1  }
0x58f: {  	[tilespmem:s22+$0x9630] =	vst v4;
	v4 =	vld [tilespmem:s22+$0x1640]  }
0x590: {  	v5 =	vld [tilespmem:$0x240];
	_ =	sdelay $0x4  }
0x591: {  	v4 =	vmul.f32 v5, v4;
	_ =	sdelay $0x1  }
0x592: {  	v5 =	vmul.f32 v4, v3;
	_ =	sdelay $0x1  }
0x593: {  	v5 =	vadd.f32 v5, v2;
	_ =	sdelay $0x1  }
0x594: {  	v5 =	vmul.f32 v5, v4;
	_ =	sdelay $0x1  }
0x595: {  	v5 =	vadd.f32 v5, v1;
	_ =	sdelay $0x1  }
0x596: {  	v4 =	vmul.f32 v5, v4;
	_ =	sdelay $0x1  }
0x597: {  	[tilespmem:s22+$0x9640] =	vst v4;
	v4 =	vld [tilespmem:s22+$0x1650]  }
0x598: {  	v5 =	vld [tilespmem:$0x250];
	_ =	sdelay $0x4  }
0x599: {  	v4 =	vmul.f32 v5, v4;
	_ =	sdelay $0x1  }
0x59a: {  	v5 =	vmul.f32 v4, v3;
	_ =	sdelay $0x1  }
0x59b: {  	v5 =	vadd.f32 v5, v2;
	_ =	sdelay $0x1  }
0x59c: {  	v5 =	vmul.f32 v5, v4;
	_ =	sdelay $0x1  }
0x59d: {  	v5 =	vadd.f32 v5, v1;
	_ =	sdelay $0x1  }
0x59e: {  	v4 =	vmul.f32 v5, v4;
	_ =	sdelay $0x1  }
0x59f: {  	[tilespmem:s22+$0x9650] =	vst v4;
	v4 =	vld [tilespmem:s22+$0x1660]  }
0x5a0: {  	v5 =	vld [tilespmem:$0x260];
	_ =	sdelay $0x4  }
0x5a1: {  	v4 =	vmul.f32 v5, v4;
	_ =	sdelay $0x1  }
0x5a2: {  	v5 =	vmul.f32 v4, v3;
	_ =	sdelay $0x1  }
0x5a3: {  	v5 =	vadd.f32 v5, v2;
	_ =	sdelay $0x1  }
0x5a4: {  	v5 =	vmul.f32 v5, v4;
	_ =	sdelay $0x1  }
0x5a5: {  	v5 =	vadd.f32 v5, v1;
	_ =	sdelay $0x1  }
0x5a6: {  	v4 =	vmul.f32 v5, v4;
	_ =	sdelay $0x1  }
0x5a7: {  	[tilespmem:s22+$0x9660] =	vst v4;
	v4 =	vld [tilespmem:s22+$0x1670]  }
0x5a8: {  	v5 =	vld [tilespmem:$0x270];
	_ =	sdelay $0x4  }
0x5a9: {  	v4 =	vmul.f32 v5, v4;
	_ =	sdelay $0x1  }
0x5aa: {  	v5 =	vmul.f32 v4, v3;
	_ =	sdelay $0x1  }
0x5ab: {  	v5 =	vadd.f32 v5, v2;
	_ =	sdelay $0x1  }
0x5ac: {  	v5 =	vmul.f32 v5, v4;
	_ =	sdelay $0x1  }
0x5ad: {  	v5 =	vadd.f32 v5, v1;
	_ =	sdelay $0x1  }
0x5ae: {  	v4 =	vmul.f32 v5, v4;
	_ =	sdelay $0x1  }
0x5af: {  	[tilespmem:s22+$0x9670] =	vst v4;
	v4 =	vld [tilespmem:s22+$0x1A00]  }
0x5b0: {  	v5 =	vld [tilespmem:$0x280];
	_ =	sdelay $0x4  }
0x5b1: {  	v4 =	vmul.f32 v5, v4;
	_ =	sdelay $0x1  }
0x5b2: {  	v5 =	vmul.f32 v4, v3;
	_ =	sdelay $0x1  }
0x5b3: {  	v5 =	vadd.f32 v5, v2;
	_ =	sdelay $0x1  }
0x5b4: {  	v5 =	vmul.f32 v5, v4;
	_ =	sdelay $0x1  }
0x5b5: {  	v5 =	vadd.f32 v5, v1;
	_ =	sdelay $0x1  }
0x5b6: {  	v4 =	vmul.f32 v5, v4;
	_ =	sdelay $0x1  }
0x5b7: {  	[tilespmem:s22+$0x9A00] =	vst v4;
	v4 =	vld [tilespmem:s22+$0x1A10]  }
0x5b8: {  	v5 =	vld [tilespmem:$0x290];
	_ =	sdelay $0x4  }
0x5b9: {  	v4 =	vmul.f32 v5, v4;
	_ =	sdelay $0x1  }
0x5ba: {  	v5 =	vmul.f32 v4, v3;
	_ =	sdelay $0x1  }
0x5bb: {  	v5 =	vadd.f32 v5, v2;
	_ =	sdelay $0x1  }
0x5bc: {  	v5 =	vmul.f32 v5, v4;
	_ =	sdelay $0x1  }
0x5bd: {  	v5 =	vadd.f32 v5, v1;
	_ =	sdelay $0x1  }
0x5be: {  	v4 =	vmul.f32 v5, v4;
	_ =	sdelay $0x1  }
0x5bf: {  	[tilespmem:s22+$0x9A10] =	vst v4;
	v4 =	vld [tilespmem:s22+$0x1A20]  }
0x5c0: {  	v5 =	vld [tilespmem:$0x2A0];
	_ =	sdelay $0x4  }
0x5c1: {  	v4 =	vmul.f32 v5, v4;
	_ =	sdelay $0x1  }
0x5c2: {  	v5 =	vmul.f32 v4, v3;
	_ =	sdelay $0x1  }
0x5c3: {  	v5 =	vadd.f32 v5, v2;
	_ =	sdelay $0x1  }
0x5c4: {  	v5 =	vmul.f32 v5, v4;
	_ =	sdelay $0x1  }
0x5c5: {  	v5 =	vadd.f32 v5, v1;
	_ =	sdelay $0x1  }
0x5c6: {  	v4 =	vmul.f32 v5, v4;
	_ =	sdelay $0x1  }
0x5c7: {  	[tilespmem:s22+$0x9A20] =	vst v4;
	v4 =	vld [tilespmem:s22+$0x1A30]  }
0x5c8: {  	v5 =	vld [tilespmem:$0x2B0];
	_ =	sdelay $0x4  }
0x5c9: {  	v4 =	vmul.f32 v5, v4;
	_ =	sdelay $0x1  }
0x5ca: {  	v5 =	vmul.f32 v4, v3;
	_ =	sdelay $0x1  }
0x5cb: {  	v5 =	vadd.f32 v5, v2;
	_ =	sdelay $0x1  }
0x5cc: {  	v5 =	vmul.f32 v5, v4;
	_ =	sdelay $0x1  }
0x5cd: {  	v5 =	vadd.f32 v5, v1;
	_ =	sdelay $0x1  }
0x5ce: {  	v4 =	vmul.f32 v5, v4;
	_ =	sdelay $0x1  }
0x5cf: {  	[tilespmem:s22+$0x9A30] =	vst v4;
	v4 =	vld [tilespmem:s22+$0x1A40]  }
0x5d0: {  	v5 =	vld [tilespmem:$0x2C0];
	_ =	sdelay $0x4  }
0x5d1: {  	v4 =	vmul.f32 v5, v4;
	_ =	sdelay $0x1  }
0x5d2: {  	v5 =	vmul.f32 v4, v3;
	_ =	sdelay $0x1  }
0x5d3: {  	v5 =	vadd.f32 v5, v2;
	_ =	sdelay $0x1  }
0x5d4: {  	v5 =	vmul.f32 v5, v4;
	_ =	sdelay $0x1  }
0x5d5: {  	v5 =	vadd.f32 v5, v1;
	_ =	sdelay $0x1  }
0x5d6: {  	v4 =	vmul.f32 v5, v4;
	_ =	sdelay $0x1  }
0x5d7: {  	[tilespmem:s22+$0x9A40] =	vst v4;
	v4 =	vld [tilespmem:s22+$0x1A50]  }
0x5d8: {  	v5 =	vld [tilespmem:$0x2D0];
	_ =	sdelay $0x4  }
0x5d9: {  	v4 =	vmul.f32 v5, v4;
	_ =	sdelay $0x1  }
0x5da: {  	v5 =	vmul.f32 v4, v3;
	_ =	sdelay $0x1  }
0x5db: {  	v5 =	vadd.f32 v5, v2;
	_ =	sdelay $0x1  }
0x5dc: {  	v5 =	vmul.f32 v5, v4;
	_ =	sdelay $0x1  }
0x5dd: {  	v5 =	vadd.f32 v5, v1;
	_ =	sdelay $0x1  }
0x5de: {  	v4 =	vmul.f32 v5, v4;
	_ =	sdelay $0x1  }
0x5df: {  	[tilespmem:s22+$0x9A50] =	vst v4;
	v4 =	vld [tilespmem:s22+$0x1A60]  }
0x5e0: {  	v5 =	vld [tilespmem:$0x2E0];
	_ =	sdelay $0x4  }
0x5e1: {  	v4 =	vmul.f32 v5, v4;
	_ =	sdelay $0x1  }
0x5e2: {  	v5 =	vmul.f32 v4, v3;
	_ =	sdelay $0x1  }
0x5e3: {  	v5 =	vadd.f32 v5, v2;
	_ =	sdelay $0x1  }
0x5e4: {  	v5 =	vmul.f32 v5, v4;
	_ =	sdelay $0x1  }
0x5e5: {  	v5 =	vadd.f32 v5, v1;
	_ =	sdelay $0x1  }
0x5e6: {  	v4 =	vmul.f32 v5, v4;
	_ =	sdelay $0x1  }
0x5e7: {  	[tilespmem:s22+$0x9A60] =	vst v4;
	v4 =	vld [tilespmem:s22+$0x1A70]  }
0x5e8: {  	v5 =	vld [tilespmem:$0x2F0];
	_ =	sdelay $0x4  }
0x5e9: {  	v4 =	vmul.f32 v5, v4;
	_ =	sdelay $0x1  }
0x5ea: {  	v5 =	vmul.f32 v4, v3;
	_ =	sdelay $0x1  }
0x5eb: {  	v5 =	vadd.f32 v5, v2;
	_ =	sdelay $0x1  }
0x5ec: {  	v5 =	vmul.f32 v5, v4;
	_ =	sdelay $0x1  }
0x5ed: {  	v5 =	vadd.f32 v5, v1;
	_ =	sdelay $0x1  }
0x5ee: {  	v4 =	vmul.f32 v5, v4;
	_ =	sdelay $0x1  }
0x5ef: {  	[tilespmem:s22+$0x9A70] =	vst v4;
	v4 =	vld [tilespmem:s22+$0x1E00]  }
0x5f0: {  	v5 =	vld [tilespmem:$0x300];
	_ =	sdelay $0x4  }
0x5f1: {  	v4 =	vmul.f32 v5, v4;
	_ =	sdelay $0x1  }
0x5f2: {  	v5 =	vmul.f32 v4, v3;
	_ =	sdelay $0x1  }
0x5f3: {  	v5 =	vadd.f32 v5, v2;
	_ =	sdelay $0x1  }
0x5f4: {  	v5 =	vmul.f32 v5, v4;
	_ =	sdelay $0x1  }
0x5f5: {  	v5 =	vadd.f32 v5, v1;
	_ =	sdelay $0x1  }
0x5f6: {  	v4 =	vmul.f32 v5, v4;
	_ =	sdelay $0x1  }
0x5f7: {  	[tilespmem:s22+$0x9E00] =	vst v4;
	v4 =	vld [tilespmem:s22+$0x1E10]  }
0x5f8: {  	v5 =	vld [tilespmem:$0x310];
	_ =	sdelay $0x4  }
0x5f9: {  	v4 =	vmul.f32 v5, v4;
	_ =	sdelay $0x1  }
0x5fa: {  	v5 =	vmul.f32 v4, v3;
	_ =	sdelay $0x1  }
0x5fb: {  	v5 =	vadd.f32 v5, v2;
	_ =	sdelay $0x1  }
0x5fc: {  	v5 =	vmul.f32 v5, v4;
	_ =	sdelay $0x1  }
0x5fd: {  	v5 =	vadd.f32 v5, v1;
	_ =	sdelay $0x1  }
0x5fe: {  	v4 =	vmul.f32 v5, v4;
	_ =	sdelay $0x1  }
0x5ff: {  	[tilespmem:s22+$0x9E10] =	vst v4;
	v4 =	vld [tilespmem:s22+$0x1E20]  }
0x600: {  	v5 =	vld [tilespmem:$0x320];
	_ =	sdelay $0x4  }
0x601: {  	v4 =	vmul.f32 v5, v4;
	_ =	sdelay $0x1  }
0x602: {  	v5 =	vmul.f32 v4, v3;
	_ =	sdelay $0x1  }
0x603: {  	v5 =	vadd.f32 v5, v2;
	_ =	sdelay $0x1  }
0x604: {  	v5 =	vmul.f32 v5, v4;
	_ =	sdelay $0x1  }
0x605: {  	v5 =	vadd.f32 v5, v1;
	_ =	sdelay $0x1  }
0x606: {  	v4 =	vmul.f32 v5, v4;
	_ =	sdelay $0x1  }
0x607: {  	[tilespmem:s22+$0x9E20] =	vst v4;
	v4 =	vld [tilespmem:s22+$0x1E30]  }
0x608: {  	v5 =	vld [tilespmem:$0x330];
	_ =	sdelay $0x4  }
0x609: {  	v4 =	vmul.f32 v5, v4;
	_ =	sdelay $0x1  }
0x60a: {  	v5 =	vmul.f32 v4, v3;
	_ =	sdelay $0x1  }
0x60b: {  	v5 =	vadd.f32 v5, v2;
	_ =	sdelay $0x1  }
0x60c: {  	v5 =	vmul.f32 v5, v4;
	_ =	sdelay $0x1  }
0x60d: {  	v5 =	vadd.f32 v5, v1;
	_ =	sdelay $0x1  }
0x60e: {  	v4 =	vmul.f32 v5, v4;
	_ =	sdelay $0x1  }
0x60f: {  	[tilespmem:s22+$0x9E30] =	vst v4;
	v4 =	vld [tilespmem:s22+$0x1E40]  }
0x610: {  	v5 =	vld [tilespmem:$0x340];
	_ =	sdelay $0x4  }
0x611: {  	v4 =	vmul.f32 v5, v4;
	_ =	sdelay $0x1  }
0x612: {  	v5 =	vmul.f32 v4, v3;
	_ =	sdelay $0x1  }
0x613: {  	v5 =	vadd.f32 v5, v2;
	_ =	sdelay $0x1  }
0x614: {  	v5 =	vmul.f32 v5, v4;
	_ =	sdelay $0x1  }
0x615: {  	v5 =	vadd.f32 v5, v1;
	_ =	sdelay $0x1  }
0x616: {  	v4 =	vmul.f32 v5, v4;
	_ =	sdelay $0x1  }
0x617: {  	[tilespmem:s22+$0x9E40] =	vst v4;
	v4 =	vld [tilespmem:s22+$0x1E50]  }
0x618: {  	v5 =	vld [tilespmem:$0x350];
	_ =	sdelay $0x4  }
0x619: {  	v4 =	vmul.f32 v5, v4;
	_ =	sdelay $0x1  }
0x61a: {  	v5 =	vmul.f32 v4, v3;
	_ =	sdelay $0x1  }
0x61b: {  	v5 =	vadd.f32 v5, v2;
	_ =	sdelay $0x1  }
0x61c: {  	v5 =	vmul.f32 v5, v4;
	_ =	sdelay $0x1  }
0x61d: {  	v5 =	vadd.f32 v5, v1;
	_ =	sdelay $0x1  }
0x61e: {  	v4 =	vmul.f32 v5, v4;
	_ =	sdelay $0x1  }
0x61f: {  	[tilespmem:s22+$0x9E50] =	vst v4;
	v4 =	vld [tilespmem:s22+$0x1E60]  }
0x620: {  	v5 =	vld [tilespmem:$0x360];
	_ =	sdelay $0x4  }
0x621: {  	v4 =	vmul.f32 v5, v4;
	_ =	sdelay $0x1  }
0x622: {  	v5 =	vmul.f32 v4, v3;
	_ =	sdelay $0x1  }
0x623: {  	v5 =	vadd.f32 v5, v2;
	_ =	sdelay $0x1  }
0x624: {  	v5 =	vmul.f32 v5, v4;
	_ =	sdelay $0x1  }
0x625: {  	v5 =	vadd.f32 v5, v1;
	_ =	sdelay $0x1  }
0x626: {  	v4 =	vmul.f32 v5, v4;
	_ =	sdelay $0x1  }
0x627: {  	[tilespmem:s22+$0x9E60] =	vst v4;
	v4 =	vld [tilespmem:s22+$0x1E70]  }
0x628: {  	v5 =	vld [tilespmem:$0x370];
	_ =	sdelay $0x4  }
0x629: {  	v4 =	vmul.f32 v5, v4;
	_ =	sdelay $0x1  }
0x62a: {  	v5 =	vmul.f32 v4, v3;
	_ =	sdelay $0x1  }
0x62b: {  	v5 =	vadd.f32 v5, v2;
	_ =	sdelay $0x1  }
0x62c: {  	v5 =	vmul.f32 v5, v4;
	_ =	sdelay $0x1  }
0x62d: {  	v5 =	vadd.f32 v5, v1;
	_ =	sdelay $0x1  }
0x62e: {  	v4 =	vmul.f32 v5, v4;
	_ =	sdelay $0x1  }
0x62f: {  	[tilespmem:s22+$0x9E70] =	vst v4;
	v4 =	vld [tilespmem:s22+$0x2200]  }
0x630: {  	v5 =	vld [tilespmem:$0x380];
	_ =	sdelay $0x4  }
0x631: {  	v4 =	vmul.f32 v5, v4;
	_ =	sdelay $0x1  }
0x632: {  	v5 =	vmul.f32 v4, v3;
	_ =	sdelay $0x1  }
0x633: {  	v5 =	vadd.f32 v5, v2;
	_ =	sdelay $0x1  }
0x634: {  	v5 =	vmul.f32 v5, v4;
	_ =	sdelay $0x1  }
0x635: {  	v5 =	vadd.f32 v5, v1;
	_ =	sdelay $0x1  }
0x636: {  	v4 =	vmul.f32 v5, v4;
	_ =	sdelay $0x1  }
0x637: {  	[tilespmem:s22+$0xA200] =	vst v4;
	v4 =	vld [tilespmem:s22+$0x2210]  }
0x638: {  	v5 =	vld [tilespmem:$0x390];
	_ =	sdelay $0x4  }
0x639: {  	v4 =	vmul.f32 v5, v4;
	_ =	sdelay $0x1  }
0x63a: {  	v5 =	vmul.f32 v4, v3;
	_ =	sdelay $0x1  }
0x63b: {  	v5 =	vadd.f32 v5, v2;
	_ =	sdelay $0x1  }
0x63c: {  	v5 =	vmul.f32 v5, v4;
	_ =	sdelay $0x1  }
0x63d: {  	v5 =	vadd.f32 v5, v1;
	_ =	sdelay $0x1  }
0x63e: {  	v4 =	vmul.f32 v5, v4;
	_ =	sdelay $0x1  }
0x63f: {  	[tilespmem:s22+$0xA210] =	vst v4;
	v4 =	vld [tilespmem:s22+$0x2220]  }
0x640: {  	v5 =	vld [tilespmem:$0x3A0];
	_ =	sdelay $0x4  }
0x641: {  	v4 =	vmul.f32 v5, v4;
	_ =	sdelay $0x1  }
0x642: {  	v5 =	vmul.f32 v4, v3;
	_ =	sdelay $0x1  }
0x643: {  	v5 =	vadd.f32 v5, v2;
	_ =	sdelay $0x1  }
0x644: {  	v5 =	vmul.f32 v5, v4;
	_ =	sdelay $0x1  }
0x645: {  	v5 =	vadd.f32 v5, v1;
	_ =	sdelay $0x1  }
0x646: {  	v4 =	vmul.f32 v5, v4;
	_ =	sdelay $0x1  }
0x647: {  	[tilespmem:s22+$0xA220] =	vst v4;
	v4 =	vld [tilespmem:s22+$0x2230]  }
0x648: {  	v5 =	vld [tilespmem:$0x3B0];
	_ =	sdelay $0x4  }
0x649: {  	v4 =	vmul.f32 v5, v4;
	_ =	sdelay $0x1  }
0x64a: {  	v5 =	vmul.f32 v4, v3;
	_ =	sdelay $0x1  }
0x64b: {  	v5 =	vadd.f32 v5, v2;
	_ =	sdelay $0x1  }
0x64c: {  	v5 =	vmul.f32 v5, v4;
	_ =	sdelay $0x1  }
0x64d: {  	v5 =	vadd.f32 v5, v1;
	_ =	sdelay $0x1  }
0x64e: {  	v4 =	vmul.f32 v5, v4;
	_ =	sdelay $0x1  }
0x64f: {  	[tilespmem:s22+$0xA230] =	vst v4;
	v4 =	vld [tilespmem:s22+$0x2240]  }
0x650: {  	v5 =	vld [tilespmem:$0x3C0];
	_ =	sdelay $0x4  }
0x651: {  	v4 =	vmul.f32 v5, v4;
	_ =	sdelay $0x1  }
0x652: {  	v5 =	vmul.f32 v4, v3;
	_ =	sdelay $0x1  }
0x653: {  	v5 =	vadd.f32 v5, v2;
	_ =	sdelay $0x1  }
0x654: {  	v5 =	vmul.f32 v5, v4;
	_ =	sdelay $0x1  }
0x655: {  	v5 =	vadd.f32 v5, v1;
	_ =	sdelay $0x1  }
0x656: {  	v4 =	vmul.f32 v5, v4;
	_ =	sdelay $0x1  }
0x657: {  	[tilespmem:s22+$0xA240] =	vst v4;
	v4 =	vld [tilespmem:s22+$0x2250]  }
0x658: {  	v5 =	vld [tilespmem:$0x3D0];
	_ =	sdelay $0x4  }
0x659: {  	v4 =	vmul.f32 v5, v4;
	_ =	sdelay $0x1  }
0x65a: {  	v5 =	vmul.f32 v4, v3;
	_ =	sdelay $0x1  }
0x65b: {  	v5 =	vadd.f32 v5, v2;
	_ =	sdelay $0x1  }
0x65c: {  	v5 =	vmul.f32 v5, v4;
	_ =	sdelay $0x1  }
0x65d: {  	v5 =	vadd.f32 v5, v1;
	_ =	sdelay $0x1  }
0x65e: {  	v4 =	vmul.f32 v5, v4;
	_ =	sdelay $0x1  }
0x65f: {  	[tilespmem:s22+$0xA250] =	vst v4;
	v4 =	vld [tilespmem:s22+$0x2260]  }
0x660: {  	v5 =	vld [tilespmem:$0x3E0];
	_ =	sdelay $0x4  }
0x661: {  	v4 =	vmul.f32 v5, v4;
	_ =	sdelay $0x1  }
0x662: {  	v5 =	vmul.f32 v4, v3;
	_ =	sdelay $0x1  }
0x663: {  	v5 =	vadd.f32 v5, v2;
	_ =	sdelay $0x1  }
0x664: {  	v5 =	vmul.f32 v5, v4;
	_ =	sdelay $0x1  }
0x665: {  	v5 =	vadd.f32 v5, v1;
	_ =	sdelay $0x1  }
0x666: {  	v4 =	vmul.f32 v5, v4;
	_ =	sdelay $0x1  }
0x667: {  	[tilespmem:s22+$0xA260] =	vst v4;
	v4 =	vld [tilespmem:s22+$0x2270]  }
0x668: {  	v5 =	vld [tilespmem:$0x3F0];
	_ =	sdelay $0x4  }
0x669: {  	v4 =	vmul.f32 v5, v4;
	_ =	sdelay $0x1  }
0x66a: {  	v5 =	vmul.f32 v4, v3;
	_ =	sdelay $0x1  }
0x66b: {  	v5 =	vadd.f32 v5, v2;
	_ =	sdelay $0x1  }
0x66c: {  	v5 =	vmul.f32 v5, v4;
	_ =	sdelay $0x1  }
0x66d: {  	v5 =	vadd.f32 v5, v1;
	_ =	sdelay $0x1  }
0x66e: {  	v4 =	vmul.f32 v5, v4  }
0x66f: {  	s21 =	sshll.u32 s18, $0xB  }
0x670: {  	s30 =	sadd.s32 $0x8600, s19;
	p0 =	sgt.u32 s18, $0x3D;
	s31 =	sadd.s32 s21, s7;
	[tilespmem:s22+$0xA270] =	vst v4  }
0x671: {  	[hbm4b:s31+s2] =	stream.linear.scatter [tilespmem:s30], [sflag:$0x2], $0x4000, $0x38;
	[tilespmem:$0x10600] =	vst v63  }
0x672: {  	s18 =	sadd.s32 $0x1, s18;
	s19 =	sadd.s32 @!p0 s21, s8;
	s21 =	simm.s32 @!p0 $0x0  }
0x673: {  	[tilespmem:s20], [sflag:$0x1] =	stream.linear.gather @!p0 [hbm4b:s19+s21], $0x4000, $0x38;
	[tilespmem:$0x10600] =	vst v63  }
0x674: {  	p0 =	sne.s32 s18, $0x40  }
.Ltmp3:
0x675: {  	_ = 	snop;
	(pc) =	sbr.rel @p0 .LBB2_6-.Ltmp3, $1  }
0x676: {  	_ =	sdelay $0x3  }
0x677: {  	s16 =	sadd.s32 $0x1, s16  }
0x678: {  	_ =	swait.ge [sflag:s15], $0x4000;
	p0 =	sne.s32 s16, s9  }
.Ltmp4:
0x679: {  	[sflag:s15] =	ssyncset.done $0x0;
	(pc) =	sbr.rel @p0 .LBB2_1-.Ltmp4, $4  }
0x67a: {  	[sflag:s15] =	ssyncadd.s32 $0xFFFFC000  }
0x67b: {  	_ =	swait.ge [sflag:s15], $0x4000  }
0x67c: {  	[sflag:s15] =	ssyncset.done $0x0  }
0x67d: {  	[sflag:s15] =	ssyncadd.s32 $0xFFFFC000  }
0x67e: {  	_ =	sfence.sel $0x180000  }
0x67f: {  	[bflag:$0x0] =	sbarrier.arrive $0xFFFF  }
0x680: {  	p0 =	sne.s32 s3, $0x0;
	_ =	strace $0x90000047  }
0x681: {  	s0 =	sadd.s32 @!p0 $0x100000, s0;
	[bflag:$0x2] =	sbarrier.arrive $0xFFFF  }
0x682: {  	[sflag:s0] =	ssyncadd.tile.s32 @!p0 $0x1;
	_ =	shalt  }
.Lfunc_end2:
_tile_overlayer_lowered:
.L_overlay_start_2:
0x683: {  	(tag) =	ssettag $0x2  }
0x684: {  	s0 =	rddreg [dreg:$0x0];
	s2 =	stileid.u32  }
0x685: {  	s1 =	rddreg [dreg:$0x1];
	p0 =	sne.s32 s2, $0x0  }
0x686: {  	s3 =	rddreg [dreg:$0x2];
	[bflag:$0x3] =	sbarrier.arrive $0xFFFF;
	s2 =	simm.s32 @!p0 $0x1C04  }
0x687: {  	[timem:s3], [sflag:s2] =	dma.local @!p0 [hbm:s0], s1  }
0x688: {  	s0 =	simm.s32 @!p0 $0x4  }
0x689: {  	_ =	swait.ge @!p0 [sflag:s0], s1  }
0x68a: {  	s1 =	ssub.s32 @!p0 $0x0, s1;
	[sflag:s0] =	ssyncset.done @!p0 $0x0  }
0x68b: {  	[sflag:s0] =	ssyncadd.s32 @!p0 s1  }
0x68c: {  	[bflag:$0x3] =	sbarrier.arrive $0xFFFF  }
0x68d: {  	_ =	shalt  }

</sc_bundles>
